<compile_context>
chip_gen: v7x
topology: tpu7x:2x2x1
jax: 0.10.2.dev20260603
libtpu: 0.0.44.dev20260713+nightly
codegen_flags: <defaults>
</compile_context>

<pallas_src>
import functools

import jax
import jax.numpy as jnp
from jax import lax
from jax.experimental import pallas as pl
from jax.experimental.pallas import tpu as pltpu
from jax.experimental.pallas import tpu_sc as plsc

B = 16384
NE = 1000000
NR = 1000
D = 64
EPS = 1e-12

NC = 2
NS = 16
NW = NC * NS
ROWS_PER_W = B // NW
C = 128
NCHUNK = ROWS_PER_W // C


_GATHER_DN = lax.GatherDimensionNumbers(
    offset_dims=(), collapsed_slice_dims=(0,), start_index_map=(0,))


def _shuffle(v, perm):
    return lax.gather(v, perm, _GATHER_DN, (1,),
                      mode=lax.GatherScatterMode.PROMISE_IN_BOUNDS)


def _hsum16(v, perms):
    for p in perms:
        v = v + _shuffle(v, p)
    return v


def _rsqrt(n):
    i = plsc.bitcast(n, jnp.int32)
    i = 0x5F3759DF - lax.shift_right_logical(i, 1)
    y = plsc.bitcast(i, jnp.float32)
    h = 0.5 * n
    for _ in range(3):
        y = y * (1.5 - h * y * y)
    return y


def _make_kernel():
    mesh = plsc.VectorSubcoreMesh(core_axis_name="c", subcore_axis_name="s")

    @functools.partial(
        pl.kernel,
        mesh=mesh,
        compiler_params=pltpu.CompilerParams(
            needs_layout_passes=False, use_tc_tiling_on_sc=True),
        out_type=jax.ShapeDtypeStruct((B, D), jnp.float32),
        scratch_types=[
            pltpu.VMEM((C,), jnp.int32),
            pltpu.VMEM((C,), jnp.int32),
            pltpu.VMEM((C,), jnp.int32),
            pltpu.VMEM((C, D), jnp.float32),
            pltpu.VMEM((C, D), jnp.float32),
            pltpu.VMEM((C, D), jnp.float32),
            pltpu.VMEM((C, D), jnp.float32),
            pltpu.SemaphoreType.DMA,
        ],
    )
    def emodel(s_hbm, o_hbm, r_hbm, e_hbm, rel_hbm, out_hbm,
               sidx, oidx, ridx, se_v, oe_v, re_v, out_v, sem):
        wid = lax.axis_index("s") * NC + lax.axis_index("c")

        lane = lax.iota(jnp.int32, 16)
        perms = [((lane + k) & 15).reshape(16, 1) for k in (8, 4, 2, 1)]

        def do_chunk(ch, _):
            base = wid * ROWS_PER_W + ch * C
            pltpu.sync_copy(s_hbm.at[pl.ds(base, C)], sidx)
            pltpu.sync_copy(o_hbm.at[pl.ds(base, C)], oidx)
            pltpu.sync_copy(r_hbm.at[pl.ds(base, C)], ridx)

            def issue(g, carry):
                svec = sidx[pl.ds(16 * g, 16)]
                ovec = oidx[pl.ds(16 * g, 16)]
                rvec = ridx[pl.ds(16 * g, 16)]
                for j in range(16):
                    i = 16 * g + j
                    sj, oj, rj = svec[j], ovec[j], rvec[j]
                    pltpu.async_copy(
                        e_hbm.at[lax.shift_right_logical(sj, 1), sj & 1],
                        se_v.at[i], sem)
                    pltpu.async_copy(
                        e_hbm.at[lax.shift_right_logical(oj, 1), oj & 1],
                        oe_v.at[i], sem)
                    pltpu.async_copy(
                        rel_hbm.at[lax.shift_right_logical(rj, 1), rj & 1],
                        re_v.at[i], sem)
                return carry

            lax.fori_loop(0, C // 16, issue, 0)
            pltpu.make_async_copy(e_hbm.at[pl.ds(0, C // 2)], se_v.reshape(C // 2, 2, D), sem).wait()
            pltpu.make_async_copy(e_hbm.at[pl.ds(0, C // 2)], oe_v.reshape(C // 2, 2, D), sem).wait()
            pltpu.make_async_copy(e_hbm.at[pl.ds(0, C // 2)], re_v.reshape(C // 2, 2, D), sem).wait()

            def row(rr, carry):
                sv = [se_v[rr, pl.ds(16 * k, 16)] for k in range(4)]
                ov = [oe_v[rr, pl.ds(16 * k, 16)] for k in range(4)]
                rv = [re_v[rr, pl.ds(16 * k, 16)] for k in range(4)]

                ss = sv[0] * sv[0] + sv[1] * sv[1] + sv[2] * sv[2] + sv[3] * sv[3]
                so = ov[0] * ov[0] + ov[1] * ov[1] + ov[2] * ov[2] + ov[3] * ov[3]
                sr = rv[0] * rv[0] + rv[1] * rv[1] + rv[2] * rv[2] + rv[3] * rv[3]
                inv_s = _rsqrt(jnp.maximum(_hsum16(ss, perms), 1e-24))
                inv_o = _rsqrt(jnp.maximum(_hsum16(so, perms), 1e-24))
                inv_r = _rsqrt(jnp.maximum(_hsum16(sr, perms), 1e-24))

                c = [sv[k] * inv_s + rv[k] * inv_r - ov[k] * inv_o
                     for k in range(4)]
                a = jnp.abs(c[0]) + jnp.abs(c[1]) + jnp.abs(c[2]) + jnp.abs(c[3])
                inv_l1 = 1.0 / jnp.maximum(_hsum16(a, perms), EPS)
                for k in range(4):
                    out_v[rr, pl.ds(16 * k, 16)] = c[k] * inv_l1
                return carry

            lax.fori_loop(0, C, row, 0)
            pltpu.sync_copy(out_v, out_hbm.at[pl.ds(base, C)])
            return _

        lax.fori_loop(0, NCHUNK, do_chunk, 0)

    return emodel


_emodel = _make_kernel()


def kernel(s, r, o, e_emb, r_emb):
    s = jnp.asarray(s, jnp.int32)
    o = jnp.asarray(o, jnp.int32)
    r = jnp.asarray(r, jnp.int32)
    e3 = e_emb.reshape(NE // 2, 2, D)
    r3 = r_emb.reshape(NR // 2, 2, D)
    return _emodel(s, o, r, e3, r3)

# --- scband reference (transcript-rebuilt; emitter-appended) ---
"""Pipeline reference for scband-trans-emodel-76776835383674 (READ-ONLY COPY).

The authoritative reference and input builder live on the scoring server;
editing this copy changes nothing except your own understanding.
"""

import jax, jax.numpy as jnp
import numpy as np

B = 16384
NE = 1000000
NR = 1000
D = 64
EPS = 1e-12


def setup_inputs(seed: int = 0) -> dict:
    key = jax.random.key(seed)
    k1, k2, k3, k4, k5 = jax.random.split(key, 5)
    s = jax.random.randint(k1, (B,), 0, NE)
    o = jax.random.randint(k2, (B,), 0, NE)
    r = jax.random.randint(k3, (B,), 0, NR)
    # xavier_uniform bounds: sqrt(6/(fan_in+fan_out))
    be = float(np.sqrt(6.0 / (NE + D)))
    br = float(np.sqrt(6.0 / (NR + D)))
    e_emb = jax.random.uniform(k4, (NE, D), minval=-be, maxval=be, dtype=jnp.float32)
    r_emb = jax.random.uniform(k5, (NR, D), minval=-br, maxval=br, dtype=jnp.float32)
    return {"s": s, "r": r, "o": o, "e_emb": e_emb, "r_emb": r_emb}


def _l2_normalize(x):
    n = jnp.sqrt(jnp.sum(x * x, axis=-1, keepdims=True))
    return x / jnp.maximum(n, EPS)


def _l1_normalize(x):
    n = jnp.sum(jnp.abs(x), axis=-1, keepdims=True)
    return x / jnp.maximum(n, EPS)


def reference(s, r, o, e_emb, r_emb):
    se = jnp.take(e_emb, s, axis=0)
    oe = jnp.take(e_emb, o, axis=0)
    re = jnp.take(r_emb, r, axis=0)
    se = _l2_normalize(se)
    re = _l2_normalize(re)
    oe = _l2_normalize(oe)
    return _l1_normalize(se + re - oe)

if __name__ == "__main__":
    import jax
    _d = setup_inputs()
    print(jax.jit(kernel)(*tuple(_d.values())))

</pallas_src>

<mosaic_0001>
#map = affine_map<(d0, d1) -> (0)>
#map1 = affine_map<(d0, d1) -> (0, 0, 0)>
#map2 = affine_map<(d0, d1) -> (0, 0)>
module attributes {stable_mosaic.version = 14 : i64} {
  func.func @emodel(%arg0: i32, %arg1: i32, %arg2: memref<16384xi32, #tpu.memory_space<hbm>>, %arg3: memref<16384xi32, #tpu.memory_space<hbm>>, %arg4: memref<16384xi32, #tpu.memory_space<hbm>>, %arg5: memref<500000x2x64xf32, #tpu.memory_space<hbm>>, %arg6: memref<500x2x64xf32, #tpu.memory_space<hbm>>, %arg7: memref<16384x64xf32, #tpu.memory_space<hbm>>, %arg8: memref<128xi32, #tpu.memory_space<vmem>>, %arg9: memref<128xi32, #tpu.memory_space<vmem>>, %arg10: memref<128xi32, #tpu.memory_space<vmem>>, %arg11: memref<128x64xf32, #tpu.memory_space<vmem>>, %arg12: memref<128x64xf32, #tpu.memory_space<vmem>>, %arg13: memref<128x64xf32, #tpu.memory_space<vmem>>, %arg14: memref<128x64xf32, #tpu.memory_space<vmem>>, %arg15: memref<!tpu.dma_semaphore, #tpu.memory_space<semaphore_mem>>) attributes {dimension_semantics = [#tpu.dimension_semantics<core_parallel>, #tpu.dimension_semantics<subcore_parallel>], iteration_bounds = array<i64: 2, 16>, scalar_prefetch = 0 : i64, scratch_operands = 8 : i64, tpu.core_type = #tpu.core_type<sc_vector_subcore>, window_params = [{transform_indices = #map}, {transform_indices = #map}, {transform_indices = #map}, {transform_indices = #map1}, {transform_indices = #map1}, {transform_indices = #map2}]} {
    %mul3A = arith.constant 2 : i32
    %mul3A_0 = arith.muli %arg1, %mul3A : i32
    %add3A = arith.addi %mul3A_0, %arg0 : i32
    %iota3A = tpu.iota {dimensions = array<i32: 0>} : vector<16xi32>
    %add3A_1 = arith.constant 8 : i32
    %add3A_2 = vector.broadcast %add3A_1 : i32 to vector<16xi32>
    %add3A_3 = arith.addi %iota3A, %add3A_2 : vector<16xi32>
    %and3A = arith.constant 15 : i32
    %and3A_4 = vector.broadcast %and3A : i32 to vector<16xi32>
    %and3A_5 = arith.andi %add3A_3, %and3A_4 : vector<16xi32>
    %reshape3A = vector.shape_cast %and3A_5 : vector<16xi32> to vector<16x1xi32>
    %add3A_6 = arith.constant 4 : i32
    %add3A_7 = vector.broadcast %add3A_6 : i32 to vector<16xi32>
    %add3A_8 = arith.addi %iota3A, %add3A_7 : vector<16xi32>
    %and3A_9 = arith.constant 15 : i32
    %and3A_10 = vector.broadcast %and3A_9 : i32 to vector<16xi32>
    %and3A_11 = arith.andi %add3A_8, %and3A_10 : vector<16xi32>
    %reshape3A_12 = vector.shape_cast %and3A_11 : vector<16xi32> to vector<16x1xi32>
    %add3A_13 = arith.constant 2 : i32
    %add3A_14 = vector.broadcast %add3A_13 : i32 to vector<16xi32>
    %add3A_15 = arith.addi %iota3A, %add3A_14 : vector<16xi32>
    %and3A_16 = arith.constant 15 : i32
    %and3A_17 = vector.broadcast %and3A_16 : i32 to vector<16xi32>
    %and3A_18 = arith.andi %add3A_15, %and3A_17 : vector<16xi32>
    %reshape3A_19 = vector.shape_cast %and3A_18 : vector<16xi32> to vector<16x1xi32>
    %add3A_20 = arith.constant 1 : i32
    %add3A_21 = vector.broadcast %add3A_20 : i32 to vector<16xi32>
    %add3A_22 = arith.addi %iota3A, %add3A_21 : vector<16xi32>
    %and3A_23 = arith.constant 15 : i32
    %and3A_24 = vector.broadcast %and3A_23 : i32 to vector<16xi32>
    %and3A_25 = arith.andi %add3A_22, %and3A_24 : vector<16xi32>
    %reshape3A_26 = vector.shape_cast %and3A_25 : vector<16xi32> to vector<16x1xi32>
    %scan3A = arith.constant 0 : i32
    %scan3A_27 = arith.constant 0 : i32
    %scan3A_28 = arith.constant 4 : i32
    %scan3A_29 = arith.addi %scan3A_27, %scan3A_28 : i32
    %scan3A_30 = arith.constant 1 : i32
    scf.for %scan3A_32 = %scan3A_27 to %scan3A_29 step %scan3A_30  : i32 {
      %mul3A_33 = arith.constant 512 : i32
      %mul3A_34 = arith.muli %add3A, %mul3A_33 : i32
      %mul3A_35 = arith.constant 128 : i32
      %mul3A_36 = arith.muli %scan3A_32, %mul3A_35 : i32
      %add3A_37 = arith.addi %mul3A_34, %mul3A_36 : i32
      "tpu.region"() ({
        %run_scoped3A = tpu.sem_alloc : memref<!tpu.dma_semaphore, #tpu.memory_space<semaphore_mem>>
        %dma_start3A = tpu.memref_slice %arg2[%add3A_37] : memref<16384xi32, #tpu.memory_space<hbm>> -> memref<128xi32, #tpu.memory_space<hbm>>
        %dma_start3A_79 = tpu.memref_slice %arg2[%add3A_37] : memref<16384xi32, #tpu.memory_space<hbm>> -> memref<128xi32, #tpu.memory_space<hbm>>
        tpu.enqueue_dma source(%dma_start3A_79 : memref<128xi32, #tpu.memory_space<hbm>>) target(%arg8 : memref<128xi32, #tpu.memory_space<vmem>>) target_semaphore(%run_scoped3A : memref<!tpu.dma_semaphore, #tpu.memory_space<semaphore_mem>>)
        %dma_wait3A_80 = tpu.memref_slice %arg2[%add3A_37] : memref<16384xi32, #tpu.memory_space<hbm>> -> memref<128xi32, #tpu.memory_space<hbm>>
        %dma_wait3A_81 = tpu.memref_slice %arg2[%add3A_37] : memref<16384xi32, #tpu.memory_space<hbm>> -> memref<128xi32, #tpu.memory_space<hbm>>
        tpu.wait_dma2 semaphore(%run_scoped3A : memref<!tpu.dma_semaphore, #tpu.memory_space<semaphore_mem>>) src(%dma_wait3A_81 : memref<128xi32, #tpu.memory_space<hbm>>) dst(%arg8 : memref<128xi32, #tpu.memory_space<vmem>>)
        tpu.yield
      }) : () -> ()
      "tpu.region"() ({
        %run_scoped3A = tpu.sem_alloc : memref<!tpu.dma_semaphore, #tpu.memory_space<semaphore_mem>>
        %dma_start3A = tpu.memref_slice %arg3[%add3A_37] : memref<16384xi32, #tpu.memory_space<hbm>> -> memref<128xi32, #tpu.memory_space<hbm>>
        %dma_start3A_79 = tpu.memref_slice %arg3[%add3A_37] : memref<16384xi32, #tpu.memory_space<hbm>> -> memref<128xi32, #tpu.memory_space<hbm>>
        tpu.enqueue_dma source(%dma_start3A_79 : memref<128xi32, #tpu.memory_space<hbm>>) target(%arg9 : memref<128xi32, #tpu.memory_space<vmem>>) target_semaphore(%run_scoped3A : memref<!tpu.dma_semaphore, #tpu.memory_space<semaphore_mem>>)
        %dma_wait3A_80 = tpu.memref_slice %arg3[%add3A_37] : memref<16384xi32, #tpu.memory_space<hbm>> -> memref<128xi32, #tpu.memory_space<hbm>>
        %dma_wait3A_81 = tpu.memref_slice %arg3[%add3A_37] : memref<16384xi32, #tpu.memory_space<hbm>> -> memref<128xi32, #tpu.memory_space<hbm>>
        tpu.wait_dma2 semaphore(%run_scoped3A : memref<!tpu.dma_semaphore, #tpu.memory_space<semaphore_mem>>) src(%dma_wait3A_81 : memref<128xi32, #tpu.memory_space<hbm>>) dst(%arg9 : memref<128xi32, #tpu.memory_space<vmem>>)
        tpu.yield
      }) : () -> ()
      "tpu.region"() ({
        %run_scoped3A = tpu.sem_alloc : memref<!tpu.dma_semaphore, #tpu.memory_space<semaphore_mem>>
        %dma_start3A = tpu.memref_slice %arg4[%add3A_37] : memref<16384xi32, #tpu.memory_space<hbm>> -> memref<128xi32, #tpu.memory_space<hbm>>
        %dma_start3A_79 = tpu.memref_slice %arg4[%add3A_37] : memref<16384xi32, #tpu.memory_space<hbm>> -> memref<128xi32, #tpu.memory_space<hbm>>
        tpu.enqueue_dma source(%dma_start3A_79 : memref<128xi32, #tpu.memory_space<hbm>>) target(%arg10 : memref<128xi32, #tpu.memory_space<vmem>>) target_semaphore(%run_scoped3A : memref<!tpu.dma_semaphore, #tpu.memory_space<semaphore_mem>>)
        %dma_wait3A_80 = tpu.memref_slice %arg4[%add3A_37] : memref<16384xi32, #tpu.memory_space<hbm>> -> memref<128xi32, #tpu.memory_space<hbm>>
        %dma_wait3A_81 = tpu.memref_slice %arg4[%add3A_37] : memref<16384xi32, #tpu.memory_space<hbm>> -> memref<128xi32, #tpu.memory_space<hbm>>
        tpu.wait_dma2 semaphore(%run_scoped3A : memref<!tpu.dma_semaphore, #tpu.memory_space<semaphore_mem>>) src(%dma_wait3A_81 : memref<128xi32, #tpu.memory_space<hbm>>) dst(%arg10 : memref<128xi32, #tpu.memory_space<vmem>>)
        tpu.yield
      }) : () -> ()
      %scan3A_38 = arith.constant 0 : i32
      %scan3A_39 = arith.constant 0 : i32
      %scan3A_40 = arith.constant 8 : i32
      %scan3A_41 = arith.addi %scan3A_39, %scan3A_40 : i32
      %scan3A_42 = arith.constant 1 : i32
      scf.for %scan3A_79 = %scan3A_39 to %scan3A_41 step %scan3A_42  : i32 {
        %mul3A_80 = arith.constant 16 : i32
        %mul3A_81 = arith.muli %mul3A_80, %scan3A_79 : i32
        %get3A = arith.index_cast %mul3A_81 : i32 to index
        %get3A_82 = tpu.vector_load %arg8[%get3A] {strides = array<i32>} : memref<128xi32, #tpu.memory_space<vmem>>, vector<16xi32>,
        %mul3A_83 = arith.constant 16 : i32
        %mul3A_84 = arith.muli %mul3A_83, %scan3A_79 : i32
        %get3A_85 = arith.index_cast %mul3A_84 : i32 to index
        %get3A_86 = tpu.vector_load %arg9[%get3A_85] {strides = array<i32>} : memref<128xi32, #tpu.memory_space<vmem>>, vector<16xi32>,
        %mul3A_87 = arith.constant 16 : i32
        %mul3A_88 = arith.muli %mul3A_87, %scan3A_79 : i32
        %get3A_89 = arith.index_cast %mul3A_88 : i32 to index
        %get3A_90 = tpu.vector_load %arg10[%get3A_89] {strides = array<i32>} : memref<128xi32, #tpu.memory_space<vmem>>, vector<16xi32>,
        %mul3A_91 = arith.constant 16 : i32
        %mul3A_92 = arith.muli %mul3A_91, %scan3A_79 : i32
        %add3A_93 = arith.constant 0 : i32
        %add3A_94 = arith.addi %mul3A_92, %add3A_93 : i32
        %slice3A = vector.extract_strided_slice %get3A_82 {offsets = [0], sizes = [1], strides = [1]} : vector<16xi32> to vector<1xi32>
        %squeeze3A = vector.extract %slice3A[0] : i32 from vector<1xi32>
        %slice3A_95 = vector.extract_strided_slice %get3A_86 {offsets = [0], sizes = [1], strides = [1]} : vector<16xi32> to vector<1xi32>
        %squeeze3A_96 = vector.extract %slice3A_95[0] : i32 from vector<1xi32>
        %slice3A_97 = vector.extract_strided_slice %get3A_90 {offsets = [0], sizes = [1], strides = [1]} : vector<16xi32> to vector<1xi32>
        %squeeze3A_98 = vector.extract %slice3A_97[0] : i32 from vector<1xi32>
        %shift_right_logical3A = arith.constant 1 : i32
        %shift_right_logical3A_99 = arith.shrui %squeeze3A, %shift_right_logical3A : i32
        %and3A_100 = arith.constant 1 : i32
        %and3A_101 = arith.andi %squeeze3A, %and3A_100 : i32
        %dma_start3A = arith.constant 0 : i32
        %dma_start3A_102 = tpu.memref_slice %arg11[%add3A_94, %dma_start3A] : memref<128x64xf32, #tpu.memory_space<vmem>> -> memref<1x64xf32, #tpu.memory_space<vmem>>
        %dma_start3A_103 = tpu.memref_squeeze %dma_start3A_102 : memref<1x64xf32, #tpu.memory_space<vmem>> -> memref<64xf32, #tpu.memory_space<vmem>>
        %dma_start3A_104 = arith.constant 0 : i32
        %dma_start3A_105 = tpu.memref_slice %arg5[%shift_right_logical3A_99, %and3A_101, %dma_start3A_104] : memref<500000x2x64xf32, #tpu.memory_space<hbm>> -> memref<1x1x64xf32, #tpu.memory_space<hbm>>
        %dma_start3A_106 = tpu.memref_squeeze %dma_start3A_105 : memref<1x1x64xf32, #tpu.memory_space<hbm>> -> memref<64xf32, #tpu.memory_space<hbm>>
        %dma_start3A_107 = arith.constant 0 : i32
        %dma_start3A_108 = tpu.memref_slice %arg11[%add3A_94, %dma_start3A_107] : memref<128x64xf32, #tpu.memory_space<vmem>> -> memref<1x64xf32, #tpu.memory_space<vmem>>
        %dma_start3A_109 = tpu.memref_squeeze %dma_start3A_108 : memref<1x64xf32, #tpu.memory_space<vmem>> -> memref<64xf32, #tpu.memory_space<vmem>>
        %dma_start3A_110 = arith.constant 0 : i32
        %dma_start3A_111 = tpu.memref_slice %arg5[%shift_right_logical3A_99, %and3A_101, %dma_start3A_110] : memref<500000x2x64xf32, #tpu.memory_space<hbm>> -> memref<1x1x64xf32, #tpu.memory_space<hbm>>
        %dma_start3A_112 = tpu.memref_squeeze %dma_start3A_111 : memref<1x1x64xf32, #tpu.memory_space<hbm>> -> memref<64xf32, #tpu.memory_space<hbm>>
        tpu.enqueue_dma source(%dma_start3A_112 : memref<64xf32, #tpu.memory_space<hbm>>) target(%dma_start3A_109 : memref<64xf32, #tpu.memory_space<vmem>>) target_semaphore(%arg15 : memref<!tpu.dma_semaphore, #tpu.memory_space<semaphore_mem>>)
        %shift_right_logical3A_113 = arith.constant 1 : i32
        %shift_right_logical3A_114 = arith.shrui %squeeze3A_96, %shift_right_logical3A_113 : i32
        %and3A_115 = arith.constant 1 : i32
        %and3A_116 = arith.andi %squeeze3A_96, %and3A_115 : i32
        %dma_start3A_117 = arith.constant 0 : i32
        %dma_start3A_118 = tpu.memref_slice %arg12[%add3A_94, %dma_start3A_117] : memref<128x64xf32, #tpu.memory_space<vmem>> -> memref<1x64xf32, #tpu.memory_space<vmem>>
        %dma_start3A_119 = tpu.memref_squeeze %dma_start3A_118 : memref<1x64xf32, #tpu.memory_space<vmem>> -> memref<64xf32, #tpu.memory_space<vmem>>
        %dma_start3A_120 = arith.constant 0 : i32
        %dma_start3A_121 = tpu.memref_slice %arg5[%shift_right_logical3A_114, %and3A_116, %dma_start3A_120] : memref<500000x2x64xf32, #tpu.memory_space<hbm>> -> memref<1x1x64xf32, #tpu.memory_space<hbm>>
        %dma_start3A_122 = tpu.memref_squeeze %dma_start3A_121 : memref<1x1x64xf32, #tpu.memory_space<hbm>> -> memref<64xf32, #tpu.memory_space<hbm>>
        %dma_start3A_123 = arith.constant 0 : i32
        %dma_start3A_124 = tpu.memref_slice %arg12[%add3A_94, %dma_start3A_123] : memref<128x64xf32, #tpu.memory_space<vmem>> -> memref<1x64xf32, #tpu.memory_space<vmem>>
        %dma_start3A_125 = tpu.memref_squeeze %dma_start3A_124 : memref<1x64xf32, #tpu.memory_space<vmem>> -> memref<64xf32, #tpu.memory_space<vmem>>
        %dma_start3A_126 = arith.constant 0 : i32
        %dma_start3A_127 = tpu.memref_slice %arg5[%shift_right_logical3A_114, %and3A_116, %dma_start3A_126] : memref<500000x2x64xf32, #tpu.memory_space<hbm>> -> memref<1x1x64xf32, #tpu.memory_space<hbm>>
        %dma_start3A_128 = tpu.memref_squeeze %dma_start3A_127 : memref<1x1x64xf32, #tpu.memory_space<hbm>> -> memref<64xf32, #tpu.memory_space<hbm>>
        tpu.enqueue_dma source(%dma_start3A_128 : memref<64xf32, #tpu.memory_space<hbm>>) target(%dma_start3A_125 : memref<64xf32, #tpu.memory_space<vmem>>) target_semaphore(%arg15 : memref<!tpu.dma_semaphore, #tpu.memory_space<semaphore_mem>>)
        %shift_right_logical3A_129 = arith.constant 1 : i32
        %shift_right_logical3A_130 = arith.shrui %squeeze3A_98, %shift_right_logical3A_129 : i32
        %and3A_131 = arith.constant 1 : i32
        %and3A_132 = arith.andi %squeeze3A_98, %and3A_131 : i32
        %dma_start3A_133 = arith.constant 0 : i32
        %dma_start3A_134 = tpu.memref_slice %arg13[%add3A_94, %dma_start3A_133] : memref<128x64xf32, #tpu.memory_space<vmem>> -> memref<1x64xf32, #tpu.memory_space<vmem>>
        %dma_start3A_135 = tpu.memref_squeeze %dma_start3A_134 : memref<1x64xf32, #tpu.memory_space<vmem>> -> memref<64xf32, #tpu.memory_space<vmem>>
        %dma_start3A_136 = arith.constant 0 : i32
        %dma_start3A_137 = tpu.memref_slice %arg6[%shift_right_logical3A_130, %and3A_132, %dma_start3A_136] : memref<500x2x64xf32, #tpu.memory_space<hbm>> -> memref<1x1x64xf32, #tpu.memory_space<hbm>>
        %dma_start3A_138 = tpu.memref_squeeze %dma_start3A_137 : memref<1x1x64xf32, #tpu.memory_space<hbm>> -> memref<64xf32, #tpu.memory_space<hbm>>
        %dma_start3A_139 = arith.constant 0 : i32
        %dma_start3A_140 = tpu.memref_slice %arg13[%add3A_94, %dma_start3A_139] : memref<128x64xf32, #tpu.memory_space<vmem>> -> memref<1x64xf32, #tpu.memory_space<vmem>>
        %dma_start3A_141 = tpu.memref_squeeze %dma_start3A_140 : memref<1x64xf32, #tpu.memory_space<vmem>> -> memref<64xf32, #tpu.memory_space<vmem>>
        %dma_start3A_142 = arith.constant 0 : i32
        %dma_start3A_143 = tpu.memref_slice %arg6[%shift_right_logical3A_130, %and3A_132, %dma_start3A_142] : memref<500x2x64xf32, #tpu.memory_space<hbm>> -> memref<1x1x64xf32, #tpu.memory_space<hbm>>
        %dma_start3A_144 = tpu.memref_squeeze %dma_start3A_143 : memref<1x1x64xf32, #tpu.memory_space<hbm>> -> memref<64xf32, #tpu.memory_space<hbm>>
        tpu.enqueue_dma source(%dma_start3A_144 : memref<64xf32, #tpu.memory_space<hbm>>) target(%dma_start3A_141 : memref<64xf32, #tpu.memory_space<vmem>>) target_semaphore(%arg15 : memref<!tpu.dma_semaphore, #tpu.memory_space<semaphore_mem>>)
        %mul3A_145 = arith.constant 16 : i32
        %mul3A_146 = arith.muli %mul3A_145, %scan3A_79 : i32
        %add3A_147 = arith.constant 1 : i32
        %add3A_148 = arith.addi %mul3A_146, %add3A_147 : i32
        %slice3A_149 = vector.extract_strided_slice %get3A_82 {offsets = [1], sizes = [1], strides = [1]} : vector<16xi32> to vector<1xi32>
        %squeeze3A_150 = vector.extract %slice3A_149[0] : i32 from vector<1xi32>
        %slice3A_151 = vector.extract_strided_slice %get3A_86 {offsets = [1], sizes = [1], strides = [1]} : vector<16xi32> to vector<1xi32>
        %squeeze3A_152 = vector.extract %slice3A_151[0] : i32 from vector<1xi32>
        %slice3A_153 = vector.extract_strided_slice %get3A_90 {offsets = [1], sizes = [1], strides = [1]} : vector<16xi32> to vector<1xi32>
        %squeeze3A_154 = vector.extract %slice3A_153[0] : i32 from vector<1xi32>
        %shift_right_logical3A_155 = arith.constant 1 : i32
        %shift_right_logical3A_156 = arith.shrui %squeeze3A_150, %shift_right_logical3A_155 : i32
        %and3A_157 = arith.constant 1 : i32
        %and3A_158 = arith.andi %squeeze3A_150, %and3A_157 : i32
        %dma_start3A_159 = arith.constant 0 : i32
        %dma_start3A_160 = tpu.memref_slice %arg11[%add3A_148, %dma_start3A_159] : memref<128x64xf32, #tpu.memory_space<vmem>> -> memref<1x64xf32, #tpu.memory_space<vmem>>
        %dma_start3A_161 = tpu.memref_squeeze %dma_start3A_160 : memref<1x64xf32, #tpu.memory_space<vmem>> -> memref<64xf32, #tpu.memory_space<vmem>>
        %dma_start3A_162 = arith.constant 0 : i32
        %dma_start3A_163 = tpu.memref_slice %arg5[%shift_right_logical3A_156, %and3A_158, %dma_start3A_162] : memref<500000x2x64xf32, #tpu.memory_space<hbm>> -> memref<1x1x64xf32, #tpu.memory_space<hbm>>
        %dma_start3A_164 = tpu.memref_squeeze %dma_start3A_163 : memref<1x1x64xf32, #tpu.memory_space<hbm>> -> memref<64xf32, #tpu.memory_space<hbm>>
        %dma_start3A_165 = arith.constant 0 : i32
        %dma_start3A_166 = tpu.memref_slice %arg11[%add3A_148, %dma_start3A_165] : memref<128x64xf32, #tpu.memory_space<vmem>> -> memref<1x64xf32, #tpu.memory_space<vmem>>
        %dma_start3A_167 = tpu.memref_squeeze %dma_start3A_166 : memref<1x64xf32, #tpu.memory_space<vmem>> -> memref<64xf32, #tpu.memory_space<vmem>>
        %dma_start3A_168 = arith.constant 0 : i32
        %dma_start3A_169 = tpu.memref_slice %arg5[%shift_right_logical3A_156, %and3A_158, %dma_start3A_168] : memref<500000x2x64xf32, #tpu.memory_space<hbm>> -> memref<1x1x64xf32, #tpu.memory_space<hbm>>
        %dma_start3A_170 = tpu.memref_squeeze %dma_start3A_169 : memref<1x1x64xf32, #tpu.memory_space<hbm>> -> memref<64xf32, #tpu.memory_space<hbm>>
        tpu.enqueue_dma source(%dma_start3A_170 : memref<64xf32, #tpu.memory_space<hbm>>) target(%dma_start3A_167 : memref<64xf32, #tpu.memory_space<vmem>>) target_semaphore(%arg15 : memref<!tpu.dma_semaphore, #tpu.memory_space<semaphore_mem>>)
        %shift_right_logical3A_171 = arith.constant 1 : i32
        %shift_right_logical3A_172 = arith.shrui %squeeze3A_152, %shift_right_logical3A_171 : i32
        %and3A_173 = arith.constant 1 : i32
        %and3A_174 = arith.andi %squeeze3A_152, %and3A_173 : i32
        %dma_start3A_175 = arith.constant 0 : i32
        %dma_start3A_176 = tpu.memref_slice %arg12[%add3A_148, %dma_start3A_175] : memref<128x64xf32, #tpu.memory_space<vmem>> -> memref<1x64xf32, #tpu.memory_space<vmem>>
        %dma_start3A_177 = tpu.memref_squeeze %dma_start3A_176 : memref<1x64xf32, #tpu.memory_space<vmem>> -> memref<64xf32, #tpu.memory_space<vmem>>
        %dma_start3A_178 = arith.constant 0 : i32
        %dma_start3A_179 = tpu.memref_slice %arg5[%shift_right_logical3A_172, %and3A_174, %dma_start3A_178] : memref<500000x2x64xf32, #tpu.memory_space<hbm>> -> memref<1x1x64xf32, #tpu.memory_space<hbm>>
        %dma_start3A_180 = tpu.memref_squeeze %dma_start3A_179 : memref<1x1x64xf32, #tpu.memory_space<hbm>> -> memref<64xf32, #tpu.memory_space<hbm>>
        %dma_start3A_181 = arith.constant 0 : i32
        %dma_start3A_182 = tpu.memref_slice %arg12[%add3A_148, %dma_start3A_181] : memref<128x64xf32, #tpu.memory_space<vmem>> -> memref<1x64xf32, #tpu.memory_space<vmem>>
        %dma_start3A_183 = tpu.memref_squeeze %dma_start3A_182 : memref<1x64xf32, #tpu.memory_space<vmem>> -> memref<64xf32, #tpu.memory_space<vmem>>
        %dma_start3A_184 = arith.constant 0 : i32
        %dma_start3A_185 = tpu.memref_slice %arg5[%shift_right_logical3A_172, %and3A_174, %dma_start3A_184] : memref<500000x2x64xf32, #tpu.memory_space<hbm>> -> memref<1x1x64xf32, #tpu.memory_space<hbm>>
        %dma_start3A_186 = tpu.memref_squeeze %dma_start3A_185 : memref<1x1x64xf32, #tpu.memory_space<hbm>> -> memref<64xf32, #tpu.memory_space<hbm>>
        tpu.enqueue_dma source(%dma_start3A_186 : memref<64xf32, #tpu.memory_space<hbm>>) target(%dma_start3A_183 : memref<64xf32, #tpu.memory_space<vmem>>) target_semaphore(%arg15 : memref<!tpu.dma_semaphore, #tpu.memory_space<semaphore_mem>>)
        %shift_right_logical3A_187 = arith.constant 1 : i32
        %shift_right_logical3A_188 = arith.shrui %squeeze3A_154, %shift_right_logical3A_187 : i32
        %and3A_189 = arith.constant 1 : i32
        %and3A_190 = arith.andi %squeeze3A_154, %and3A_189 : i32
        %dma_start3A_191 = arith.constant 0 : i32
        %dma_start3A_192 = tpu.memref_slice %arg13[%add3A_148, %dma_start3A_191] : memref<128x64xf32, #tpu.memory_space<vmem>> -> memref<1x64xf32, #tpu.memory_space<vmem>>
        %dma_start3A_193 = tpu.memref_squeeze %dma_start3A_192 : memref<1x64xf32, #tpu.memory_space<vmem>> -> memref<64xf32, #tpu.memory_space<vmem>>
        %dma_start3A_194 = arith.constant 0 : i32
        %dma_start3A_195 = tpu.memref_slice %arg6[%shift_right_logical3A_188, %and3A_190, %dma_start3A_194] : memref<500x2x64xf32, #tpu.memory_space<hbm>> -> memref<1x1x64xf32, #tpu.memory_space<hbm>>
        %dma_start3A_196 = tpu.memref_squeeze %dma_start3A_195 : memref<1x1x64xf32, #tpu.memory_space<hbm>> -> memref<64xf32, #tpu.memory_space<hbm>>
        %dma_start3A_197 = arith.constant 0 : i32
        %dma_start3A_198 = tpu.memref_slice %arg13[%add3A_148, %dma_start3A_197] : memref<128x64xf32, #tpu.memory_space<vmem>> -> memref<1x64xf32, #tpu.memory_space<vmem>>
        %dma_start3A_199 = tpu.memref_squeeze %dma_start3A_198 : memref<1x64xf32, #tpu.memory_space<vmem>> -> memref<64xf32, #tpu.memory_space<vmem>>
        %dma_start3A_200 = arith.constant 0 : i32
        %dma_start3A_201 = tpu.memref_slice %arg6[%shift_right_logical3A_188, %and3A_190, %dma_start3A_200] : memref<500x2x64xf32, #tpu.memory_space<hbm>> -> memref<1x1x64xf32, #tpu.memory_space<hbm>>
        %dma_start3A_202 = tpu.memref_squeeze %dma_start3A_201 : memref<1x1x64xf32, #tpu.memory_space<hbm>> -> memref<64xf32, #tpu.memory_space<hbm>>
        tpu.enqueue_dma source(%dma_start3A_202 : memref<64xf32, #tpu.memory_space<hbm>>) target(%dma_start3A_199 : memref<64xf32, #tpu.memory_space<vmem>>) target_semaphore(%arg15 : memref<!tpu.dma_semaphore, #tpu.memory_space<semaphore_mem>>)
        %mul3A_203 = arith.constant 16 : i32
        %mul3A_204 = arith.muli %mul3A_203, %scan3A_79 : i32
        %add3A_205 = arith.constant 2 : i32
        %add3A_206 = arith.addi %mul3A_204, %add3A_205 : i32
        %slice3A_207 = vector.extract_strided_slice %get3A_82 {offsets = [2], sizes = [1], strides = [1]} : vector<16xi32> to vector<1xi32>
        %squeeze3A_208 = vector.extract %slice3A_207[0] : i32 from vector<1xi32>
        %slice3A_209 = vector.extract_strided_slice %get3A_86 {offsets = [2], sizes = [1], strides = [1]} : vector<16xi32> to vector<1xi32>
        %squeeze3A_210 = vector.extract %slice3A_209[0] : i32 from vector<1xi32>
        %slice3A_211 = vector.extract_strided_slice %get3A_90 {offsets = [2], sizes = [1], strides = [1]} : vector<16xi32> to vector<1xi32>
        %squeeze3A_212 = vector.extract %slice3A_211[0] : i32 from vector<1xi32>
        %shift_right_logical3A_213 = arith.constant 1 : i32
        %shift_right_logical3A_214 = arith.shrui %squeeze3A_208, %shift_right_logical3A_213 : i32
        %and3A_215 = arith.constant 1 : i32
        %and3A_216 = arith.andi %squeeze3A_208, %and3A_215 : i32
        %dma_start3A_217 = arith.constant 0 : i32
        %dma_start3A_218 = tpu.memref_slice %arg11[%add3A_206, %dma_start3A_217] : memref<128x64xf32, #tpu.memory_space<vmem>> -> memref<1x64xf32, #tpu.memory_space<vmem>>
        %dma_start3A_219 = tpu.memref_squeeze %dma_start3A_218 : memref<1x64xf32, #tpu.memory_space<vmem>> -> memref<64xf32, #tpu.memory_space<vmem>>
        %dma_start3A_220 = arith.constant 0 : i32
        %dma_start3A_221 = tpu.memref_slice %arg5[%shift_right_logical3A_214, %and3A_216, %dma_start3A_220] : memref<500000x2x64xf32, #tpu.memory_space<hbm>> -> memref<1x1x64xf32, #tpu.memory_space<hbm>>
        %dma_start3A_222 = tpu.memref_squeeze %dma_start3A_221 : memref<1x1x64xf32, #tpu.memory_space<hbm>> -> memref<64xf32, #tpu.memory_space<hbm>>
        %dma_start3A_223 = arith.constant 0 : i32
        %dma_start3A_224 = tpu.memref_slice %arg11[%add3A_206, %dma_start3A_223] : memref<128x64xf32, #tpu.memory_space<vmem>> -> memref<1x64xf32, #tpu.memory_space<vmem>>
        %dma_start3A_225 = tpu.memref_squeeze %dma_start3A_224 : memref<1x64xf32, #tpu.memory_space<vmem>> -> memref<64xf32, #tpu.memory_space<vmem>>
        %dma_start3A_226 = arith.constant 0 : i32
        %dma_start3A_227 = tpu.memref_slice %arg5[%shift_right_logical3A_214, %and3A_216, %dma_start3A_226] : memref<500000x2x64xf32, #tpu.memory_space<hbm>> -> memref<1x1x64xf32, #tpu.memory_space<hbm>>
        %dma_start3A_228 = tpu.memref_squeeze %dma_start3A_227 : memref<1x1x64xf32, #tpu.memory_space<hbm>> -> memref<64xf32, #tpu.memory_space<hbm>>
        tpu.enqueue_dma source(%dma_start3A_228 : memref<64xf32, #tpu.memory_space<hbm>>) target(%dma_start3A_225 : memref<64xf32, #tpu.memory_space<vmem>>) target_semaphore(%arg15 : memref<!tpu.dma_semaphore, #tpu.memory_space<semaphore_mem>>)
        %shift_right_logical3A_229 = arith.constant 1 : i32
        %shift_right_logical3A_230 = arith.shrui %squeeze3A_210, %shift_right_logical3A_229 : i32
        %and3A_231 = arith.constant 1 : i32
        %and3A_232 = arith.andi %squeeze3A_210, %and3A_231 : i32
        %dma_start3A_233 = arith.constant 0 : i32
        %dma_start3A_234 = tpu.memref_slice %arg12[%add3A_206, %dma_start3A_233] : memref<128x64xf32, #tpu.memory_space<vmem>> -> memref<1x64xf32, #tpu.memory_space<vmem>>
        %dma_start3A_235 = tpu.memref_squeeze %dma_start3A_234 : memref<1x64xf32, #tpu.memory_space<vmem>> -> memref<64xf32, #tpu.memory_space<vmem>>
        %dma_start3A_236 = arith.constant 0 : i32
        %dma_start3A_237 = tpu.memref_slice %arg5[%shift_right_logical3A_230, %and3A_232, %dma_start3A_236] : memref<500000x2x64xf32, #tpu.memory_space<hbm>> -> memref<1x1x64xf32, #tpu.memory_space<hbm>>
        %dma_start3A_238 = tpu.memref_squeeze %dma_start3A_237 : memref<1x1x64xf32, #tpu.memory_space<hbm>> -> memref<64xf32, #tpu.memory_space<hbm>>
        %dma_start3A_239 = arith.constant 0 : i32
        %dma_start3A_240 = tpu.memref_slice %arg12[%add3A_206, %dma_start3A_239] : memref<128x64xf32, #tpu.memory_space<vmem>> -> memref<1x64xf32, #tpu.memory_space<vmem>>
        %dma_start3A_241 = tpu.memref_squeeze %dma_start3A_240 : memref<1x64xf32, #tpu.memory_space<vmem>> -> memref<64xf32, #tpu.memory_space<vmem>>
        %dma_start3A_242 = arith.constant 0 : i32
        %dma_start3A_243 = tpu.memref_slice %arg5[%shift_right_logical3A_230, %and3A_232, %dma_start3A_242] : memref<500000x2x64xf32, #tpu.memory_space<hbm>> -> memref<1x1x64xf32, #tpu.memory_space<hbm>>
        %dma_start3A_244 = tpu.memref_squeeze %dma_start3A_243 : memref<1x1x64xf32, #tpu.memory_space<hbm>> -> memref<64xf32, #tpu.memory_space<hbm>>
        tpu.enqueue_dma source(%dma_start3A_244 : memref<64xf32, #tpu.memory_space<hbm>>) target(%dma_start3A_241 : memref<64xf32, #tpu.memory_space<vmem>>) target_semaphore(%arg15 : memref<!tpu.dma_semaphore, #tpu.memory_space<semaphore_mem>>)
        %shift_right_logical3A_245 = arith.constant 1 : i32
        %shift_right_logical3A_246 = arith.shrui %squeeze3A_212, %shift_right_logical3A_245 : i32
        %and3A_247 = arith.constant 1 : i32
        %and3A_248 = arith.andi %squeeze3A_212, %and3A_247 : i32
        %dma_start3A_249 = arith.constant 0 : i32
        %dma_start3A_250 = tpu.memref_slice %arg13[%add3A_206, %dma_start3A_249] : memref<128x64xf32, #tpu.memory_space<vmem>> -> memref<1x64xf32, #tpu.memory_space<vmem>>
        %dma_start3A_251 = tpu.memref_squeeze %dma_start3A_250 : memref<1x64xf32, #tpu.memory_space<vmem>> -> memref<64xf32, #tpu.memory_space<vmem>>
        %dma_start3A_252 = arith.constant 0 : i32
        %dma_start3A_253 = tpu.memref_slice %arg6[%shift_right_logical3A_246, %and3A_248, %dma_start3A_252] : memref<500x2x64xf32, #tpu.memory_space<hbm>> -> memref<1x1x64xf32, #tpu.memory_space<hbm>>
        %dma_start3A_254 = tpu.memref_squeeze %dma_start3A_253 : memref<1x1x64xf32, #tpu.memory_space<hbm>> -> memref<64xf32, #tpu.memory_space<hbm>>
        %dma_start3A_255 = arith.constant 0 : i32
        %dma_start3A_256 = tpu.memref_slice %arg13[%add3A_206, %dma_start3A_255] : memref<128x64xf32, #tpu.memory_space<vmem>> -> memref<1x64xf32, #tpu.memory_space<vmem>>
        %dma_start3A_257 = tpu.memref_squeeze %dma_start3A_256 : memref<1x64xf32, #tpu.memory_space<vmem>> -> memref<64xf32, #tpu.memory_space<vmem>>
        %dma_start3A_258 = arith.constant 0 : i32
        %dma_start3A_259 = tpu.memref_slice %arg6[%shift_right_logical3A_246, %and3A_248, %dma_start3A_258] : memref<500x2x64xf32, #tpu.memory_space<hbm>> -> memref<1x1x64xf32, #tpu.memory_space<hbm>>
        %dma_start3A_260 = tpu.memref_squeeze %dma_start3A_259 : memref<1x1x64xf32, #tpu.memory_space<hbm>> -> memref<64xf32, #tpu.memory_space<hbm>>
        tpu.enqueue_dma source(%dma_start3A_260 : memref<64xf32, #tpu.memory_space<hbm>>) target(%dma_start3A_257 : memref<64xf32, #tpu.memory_space<vmem>>) target_semaphore(%arg15 : memref<!tpu.dma_semaphore, #tpu.memory_space<semaphore_mem>>)
        %mul3A_261 = arith.constant 16 : i32
        %mul3A_262 = arith.muli %mul3A_261, %scan3A_79 : i32
        %add3A_263 = arith.constant 3 : i32
        %add3A_264 = arith.addi %mul3A_262, %add3A_263 : i32
        %slice3A_265 = vector.extract_strided_slice %get3A_82 {offsets = [3], sizes = [1], strides = [1]} : vector<16xi32> to vector<1xi32>
        %squeeze3A_266 = vector.extract %slice3A_265[0] : i32 from vector<1xi32>
        %slice3A_267 = vector.extract_strided_slice %get3A_86 {offsets = [3], sizes = [1], strides = [1]} : vector<16xi32> to vector<1xi32>
        %squeeze3A_268 = vector.extract %slice3A_267[0] : i32 from vector<1xi32>
        %slice3A_269 = vector.extract_strided_slice %get3A_90 {offsets = [3], sizes = [1], strides = [1]} : vector<16xi32> to vector<1xi32>
        %squeeze3A_270 = vector.extract %slice3A_269[0] : i32 from vector<1xi32>
        %shift_right_logical3A_271 = arith.constant 1 : i32
        %shift_right_logical3A_272 = arith.shrui %squeeze3A_266, %shift_right_logical3A_271 : i32
        %and3A_273 = arith.constant 1 : i32
        %and3A_274 = arith.andi %squeeze3A_266, %and3A_273 : i32
        %dma_start3A_275 = arith.constant 0 : i32
        %dma_start3A_276 = tpu.memref_slice %arg11[%add3A_264, %dma_start3A_275] : memref<128x64xf32, #tpu.memory_space<vmem>> -> memref<1x64xf32, #tpu.memory_space<vmem>>
        %dma_start3A_277 = tpu.memref_squeeze %dma_start3A_276 : memref<1x64xf32, #tpu.memory_space<vmem>> -> memref<64xf32, #tpu.memory_space<vmem>>
        %dma_start3A_278 = arith.constant 0 : i32
        %dma_start3A_279 = tpu.memref_slice %arg5[%shift_right_logical3A_272, %and3A_274, %dma_start3A_278] : memref<500000x2x64xf32, #tpu.memory_space<hbm>> -> memref<1x1x64xf32, #tpu.memory_space<hbm>>
        %dma_start3A_280 = tpu.memref_squeeze %dma_start3A_279 : memref<1x1x64xf32, #tpu.memory_space<hbm>> -> memref<64xf32, #tpu.memory_space<hbm>>
        %dma_start3A_281 = arith.constant 0 : i32
        %dma_start3A_282 = tpu.memref_slice %arg11[%add3A_264, %dma_start3A_281] : memref<128x64xf32, #tpu.memory_space<vmem>> -> memref<1x64xf32, #tpu.memory_space<vmem>>
        %dma_start3A_283 = tpu.memref_squeeze %dma_start3A_282 : memref<1x64xf32, #tpu.memory_space<vmem>> -> memref<64xf32, #tpu.memory_space<vmem>>
        %dma_start3A_284 = arith.constant 0 : i32
        %dma_start3A_285 = tpu.memref_slice %arg5[%shift_right_logical3A_272, %and3A_274, %dma_start3A_284] : memref<500000x2x64xf32, #tpu.memory_space<hbm>> -> memref<1x1x64xf32, #tpu.memory_space<hbm>>
        %dma_start3A_286 = tpu.memref_squeeze %dma_start3A_285 : memref<1x1x64xf32, #tpu.memory_space<hbm>> -> memref<64xf32, #tpu.memory_space<hbm>>
        tpu.enqueue_dma source(%dma_start3A_286 : memref<64xf32, #tpu.memory_space<hbm>>) target(%dma_start3A_283 : memref<64xf32, #tpu.memory_space<vmem>>) target_semaphore(%arg15 : memref<!tpu.dma_semaphore, #tpu.memory_space<semaphore_mem>>)
        %shift_right_logical3A_287 = arith.constant 1 : i32
        %shift_right_logical3A_288 = arith.shrui %squeeze3A_268, %shift_right_logical3A_287 : i32
        %and3A_289 = arith.constant 1 : i32
        %and3A_290 = arith.andi %squeeze3A_268, %and3A_289 : i32
        %dma_start3A_291 = arith.constant 0 : i32
        %dma_start3A_292 = tpu.memref_slice %arg12[%add3A_264, %dma_start3A_291] : memref<128x64xf32, #tpu.memory_space<vmem>> -> memref<1x64xf32, #tpu.memory_space<vmem>>
        %dma_start3A_293 = tpu.memref_squeeze %dma_start3A_292 : memref<1x64xf32, #tpu.memory_space<vmem>> -> memref<64xf32, #tpu.memory_space<vmem>>
        %dma_start3A_294 = arith.constant 0 : i32
        %dma_start3A_295 = tpu.memref_slice %arg5[%shift_right_logical3A_288, %and3A_290, %dma_start3A_294] : memref<500000x2x64xf32, #tpu.memory_space<hbm>> -> memref<1x1x64xf32, #tpu.memory_space<hbm>>
        %dma_start3A_296 = tpu.memref_squeeze %dma_start3A_295 : memref<1x1x64xf32, #tpu.memory_space<hbm>> -> memref<64xf32, #tpu.memory_space<hbm>>
        %dma_start3A_297 = arith.constant 0 : i32
        %dma_start3A_298 = tpu.memref_slice %arg12[%add3A_264, %dma_start3A_297] : memref<128x64xf32, #tpu.memory_space<vmem>> -> memref<1x64xf32, #tpu.memory_space<vmem>>
        %dma_start3A_299 = tpu.memref_squeeze %dma_start3A_298 : memref<1x64xf32, #tpu.memory_space<vmem>> -> memref<64xf32, #tpu.memory_space<vmem>>
        %dma_start3A_300 = arith.constant 0 : i32
        %dma_start3A_301 = tpu.memref_slice %arg5[%shift_right_logical3A_288, %and3A_290, %dma_start3A_300] : memref<500000x2x64xf32, #tpu.memory_space<hbm>> -> memref<1x1x64xf32, #tpu.memory_space<hbm>>
        %dma_start3A_302 = tpu.memref_squeeze %dma_start3A_301 : memref<1x1x64xf32, #tpu.memory_space<hbm>> -> memref<64xf32, #tpu.memory_space<hbm>>
        tpu.enqueue_dma source(%dma_start3A_302 : memref<64xf32, #tpu.memory_space<hbm>>) target(%dma_start3A_299 : memref<64xf32, #tpu.memory_space<vmem>>) target_semaphore(%arg15 : memref<!tpu.dma_semaphore, #tpu.memory_space<semaphore_mem>>)
        %shift_right_logical3A_303 = arith.constant 1 : i32
        %shift_right_logical3A_304 = arith.shrui %squeeze3A_270, %shift_right_logical3A_303 : i32
        %and3A_305 = arith.constant 1 : i32
        %and3A_306 = arith.andi %squeeze3A_270, %and3A_305 : i32
        %dma_start3A_307 = arith.constant 0 : i32
        %dma_start3A_308 = tpu.memref_slice %arg13[%add3A_264, %dma_start3A_307] : memref<128x64xf32, #tpu.memory_space<vmem>> -> memref<1x64xf32, #tpu.memory_space<vmem>>
        %dma_start3A_309 = tpu.memref_squeeze %dma_start3A_308 : memref<1x64xf32, #tpu.memory_space<vmem>> -> memref<64xf32, #tpu.memory_space<vmem>>
        %dma_start3A_310 = arith.constant 0 : i32
        %dma_start3A_311 = tpu.memref_slice %arg6[%shift_right_logical3A_304, %and3A_306, %dma_start3A_310] : memref<500x2x64xf32, #tpu.memory_space<hbm>> -> memref<1x1x64xf32, #tpu.memory_space<hbm>>
        %dma_start3A_312 = tpu.memref_squeeze %dma_start3A_311 : memref<1x1x64xf32, #tpu.memory_space<hbm>> -> memref<64xf32, #tpu.memory_space<hbm>>
        %dma_start3A_313 = arith.constant 0 : i32
        %dma_start3A_314 = tpu.memref_slice %arg13[%add3A_264, %dma_start3A_313] : memref<128x64xf32, #tpu.memory_space<vmem>> -> memref<1x64xf32, #tpu.memory_space<vmem>>
        %dma_start3A_315 = tpu.memref_squeeze %dma_start3A_314 : memref<1x64xf32, #tpu.memory_space<vmem>> -> memref<64xf32, #tpu.memory_space<vmem>>
        %dma_start3A_316 = arith.constant 0 : i32
        %dma_start3A_317 = tpu.memref_slice %arg6[%shift_right_logical3A_304, %and3A_306, %dma_start3A_316] : memref<500x2x64xf32, #tpu.memory_space<hbm>> -> memref<1x1x64xf32, #tpu.memory_space<hbm>>
        %dma_start3A_318 = tpu.memref_squeeze %dma_start3A_317 : memref<1x1x64xf32, #tpu.memory_space<hbm>> -> memref<64xf32, #tpu.memory_space<hbm>>
        tpu.enqueue_dma source(%dma_start3A_318 : memref<64xf32, #tpu.memory_space<hbm>>) target(%dma_start3A_315 : memref<64xf32, #tpu.memory_space<vmem>>) target_semaphore(%arg15 : memref<!tpu.dma_semaphore, #tpu.memory_space<semaphore_mem>>)
        %mul3A_319 = arith.constant 16 : i32
        %mul3A_320 = arith.muli %mul3A_319, %scan3A_79 : i32
        %add3A_321 = arith.constant 4 : i32
        %add3A_322 = arith.addi %mul3A_320, %add3A_321 : i32
        %slice3A_323 = vector.extract_strided_slice %get3A_82 {offsets = [4], sizes = [1], strides = [1]} : vector<16xi32> to vector<1xi32>
        %squeeze3A_324 = vector.extract %slice3A_323[0] : i32 from vector<1xi32>
        %slice3A_325 = vector.extract_strided_slice %get3A_86 {offsets = [4], sizes = [1], strides = [1]} : vector<16xi32> to vector<1xi32>
        %squeeze3A_326 = vector.extract %slice3A_325[0] : i32 from vector<1xi32>
        %slice3A_327 = vector.extract_strided_slice %get3A_90 {offsets = [4], sizes = [1], strides = [1]} : vector<16xi32> to vector<1xi32>
        %squeeze3A_328 = vector.extract %slice3A_327[0] : i32 from vector<1xi32>
        %shift_right_logical3A_329 = arith.constant 1 : i32
        %shift_right_logical3A_330 = arith.shrui %squeeze3A_324, %shift_right_logical3A_329 : i32
        %and3A_331 = arith.constant 1 : i32
        %and3A_332 = arith.andi %squeeze3A_324, %and3A_331 : i32
        %dma_start3A_333 = arith.constant 0 : i32
        %dma_start3A_334 = tpu.memref_slice %arg11[%add3A_322, %dma_start3A_333] : memref<128x64xf32, #tpu.memory_space<vmem>> -> memref<1x64xf32, #tpu.memory_space<vmem>>
        %dma_start3A_335 = tpu.memref_squeeze %dma_start3A_334 : memref<1x64xf32, #tpu.memory_space<vmem>> -> memref<64xf32, #tpu.memory_space<vmem>>
        %dma_start3A_336 = arith.constant 0 : i32
        %dma_start3A_337 = tpu.memref_slice %arg5[%shift_right_logical3A_330, %and3A_332, %dma_start3A_336] : memref<500000x2x64xf32, #tpu.memory_space<hbm>> -> memref<1x1x64xf32, #tpu.memory_space<hbm>>
        %dma_start3A_338 = tpu.memref_squeeze %dma_start3A_337 : memref<1x1x64xf32, #tpu.memory_space<hbm>> -> memref<64xf32, #tpu.memory_space<hbm>>
        %dma_start3A_339 = arith.constant 0 : i32
        %dma_start3A_340 = tpu.memref_slice %arg11[%add3A_322, %dma_start3A_339] : memref<128x64xf32, #tpu.memory_space<vmem>> -> memref<1x64xf32, #tpu.memory_space<vmem>>
        %dma_start3A_341 = tpu.memref_squeeze %dma_start3A_340 : memref<1x64xf32, #tpu.memory_space<vmem>> -> memref<64xf32, #tpu.memory_space<vmem>>
        %dma_start3A_342 = arith.constant 0 : i32
        %dma_start3A_343 = tpu.memref_slice %arg5[%shift_right_logical3A_330, %and3A_332, %dma_start3A_342] : memref<500000x2x64xf32, #tpu.memory_space<hbm>> -> memref<1x1x64xf32, #tpu.memory_space<hbm>>
        %dma_start3A_344 = tpu.memref_squeeze %dma_start3A_343 : memref<1x1x64xf32, #tpu.memory_space<hbm>> -> memref<64xf32, #tpu.memory_space<hbm>>
        tpu.enqueue_dma source(%dma_start3A_344 : memref<64xf32, #tpu.memory_space<hbm>>) target(%dma_start3A_341 : memref<64xf32, #tpu.memory_space<vmem>>) target_semaphore(%arg15 : memref<!tpu.dma_semaphore, #tpu.memory_space<semaphore_mem>>)
        %shift_right_logical3A_345 = arith.constant 1 : i32
        %shift_right_logical3A_346 = arith.shrui %squeeze3A_326, %shift_right_logical3A_345 : i32
        %and3A_347 = arith.constant 1 : i32
        %and3A_348 = arith.andi %squeeze3A_326, %and3A_347 : i32
        %dma_start3A_349 = arith.constant 0 : i32
        %dma_start3A_350 = tpu.memref_slice %arg12[%add3A_322, %dma_start3A_349] : memref<128x64xf32, #tpu.memory_space<vmem>> -> memref<1x64xf32, #tpu.memory_space<vmem>>
        %dma_start3A_351 = tpu.memref_squeeze %dma_start3A_350 : memref<1x64xf32, #tpu.memory_space<vmem>> -> memref<64xf32, #tpu.memory_space<vmem>>
        %dma_start3A_352 = arith.constant 0 : i32
        %dma_start3A_353 = tpu.memref_slice %arg5[%shift_right_logical3A_346, %and3A_348, %dma_start3A_352] : memref<500000x2x64xf32, #tpu.memory_space<hbm>> -> memref<1x1x64xf32, #tpu.memory_space<hbm>>
        %dma_start3A_354 = tpu.memref_squeeze %dma_start3A_353 : memref<1x1x64xf32, #tpu.memory_space<hbm>> -> memref<64xf32, #tpu.memory_space<hbm>>
        %dma_start3A_355 = arith.constant 0 : i32
        %dma_start3A_356 = tpu.memref_slice %arg12[%add3A_322, %dma_start3A_355] : memref<128x64xf32, #tpu.memory_space<vmem>> -> memref<1x64xf32, #tpu.memory_space<vmem>>
        %dma_start3A_357 = tpu.memref_squeeze %dma_start3A_356 : memref<1x64xf32, #tpu.memory_space<vmem>> -> memref<64xf32, #tpu.memory_space<vmem>>
        %dma_start3A_358 = arith.constant 0 : i32
        %dma_start3A_359 = tpu.memref_slice %arg5[%shift_right_logical3A_346, %and3A_348, %dma_start3A_358] : memref<500000x2x64xf32, #tpu.memory_space<hbm>> -> memref<1x1x64xf32, #tpu.memory_space<hbm>>
        %dma_start3A_360 = tpu.memref_squeeze %dma_start3A_359 : memref<1x1x64xf32, #tpu.memory_space<hbm>> -> memref<64xf32, #tpu.memory_space<hbm>>
        tpu.enqueue_dma source(%dma_start3A_360 : memref<64xf32, #tpu.memory_space<hbm>>) target(%dma_start3A_357 : memref<64xf32, #tpu.memory_space<vmem>>) target_semaphore(%arg15 : memref<!tpu.dma_semaphore, #tpu.memory_space<semaphore_mem>>)
        %shift_right_logical3A_361 = arith.constant 1 : i32
        %shift_right_logical3A_362 = arith.shrui %squeeze3A_328, %shift_right_logical3A_361 : i32
        %and3A_363 = arith.constant 1 : i32
        %and3A_364 = arith.andi %squeeze3A_328, %and3A_363 : i32
        %dma_start3A_365 = arith.constant 0 : i32
        %dma_start3A_366 = tpu.memref_slice %arg13[%add3A_322, %dma_start3A_365] : memref<128x64xf32, #tpu.memory_space<vmem>> -> memref<1x64xf32, #tpu.memory_space<vmem>>
        %dma_start3A_367 = tpu.memref_squeeze %dma_start3A_366 : memref<1x64xf32, #tpu.memory_space<vmem>> -> memref<64xf32, #tpu.memory_space<vmem>>
        %dma_start3A_368 = arith.constant 0 : i32
        %dma_start3A_369 = tpu.memref_slice %arg6[%shift_right_logical3A_362, %and3A_364, %dma_start3A_368] : memref<500x2x64xf32, #tpu.memory_space<hbm>> -> memref<1x1x64xf32, #tpu.memory_space<hbm>>
        %dma_start3A_370 = tpu.memref_squeeze %dma_start3A_369 : memref<1x1x64xf32, #tpu.memory_space<hbm>> -> memref<64xf32, #tpu.memory_space<hbm>>
        %dma_start3A_371 = arith.constant 0 : i32
        %dma_start3A_372 = tpu.memref_slice %arg13[%add3A_322, %dma_start3A_371] : memref<128x64xf32, #tpu.memory_space<vmem>> -> memref<1x64xf32, #tpu.memory_space<vmem>>
        %dma_start3A_373 = tpu.memref_squeeze %dma_start3A_372 : memref<1x64xf32, #tpu.memory_space<vmem>> -> memref<64xf32, #tpu.memory_space<vmem>>
        %dma_start3A_374 = arith.constant 0 : i32
        %dma_start3A_375 = tpu.memref_slice %arg6[%shift_right_logical3A_362, %and3A_364, %dma_start3A_374] : memref<500x2x64xf32, #tpu.memory_space<hbm>> -> memref<1x1x64xf32, #tpu.memory_space<hbm>>
        %dma_start3A_376 = tpu.memref_squeeze %dma_start3A_375 : memref<1x1x64xf32, #tpu.memory_space<hbm>> -> memref<64xf32, #tpu.memory_space<hbm>>
        tpu.enqueue_dma source(%dma_start3A_376 : memref<64xf32, #tpu.memory_space<hbm>>) target(%dma_start3A_373 : memref<64xf32, #tpu.memory_space<vmem>>) target_semaphore(%arg15 : memref<!tpu.dma_semaphore, #tpu.memory_space<semaphore_mem>>)
        %mul3A_377 = arith.constant 16 : i32
        %mul3A_378 = arith.muli %mul3A_377, %scan3A_79 : i32
        %add3A_379 = arith.constant 5 : i32
        %add3A_380 = arith.addi %mul3A_378, %add3A_379 : i32
        %slice3A_381 = vector.extract_strided_slice %get3A_82 {offsets = [5], sizes = [1], strides = [1]} : vector<16xi32> to vector<1xi32>
        %squeeze3A_382 = vector.extract %slice3A_381[0] : i32 from vector<1xi32>
        %slice3A_383 = vector.extract_strided_slice %get3A_86 {offsets = [5], sizes = [1], strides = [1]} : vector<16xi32> to vector<1xi32>
        %squeeze3A_384 = vector.extract %slice3A_383[0] : i32 from vector<1xi32>
        %slice3A_385 = vector.extract_strided_slice %get3A_90 {offsets = [5], sizes = [1], strides = [1]} : vector<16xi32> to vector<1xi32>
        %squeeze3A_386 = vector.extract %slice3A_385[0] : i32 from vector<1xi32>
        %shift_right_logical3A_387 = arith.constant 1 : i32
        %shift_right_logical3A_388 = arith.shrui %squeeze3A_382, %shift_right_logical3A_387 : i32
        %and3A_389 = arith.constant 1 : i32
        %and3A_390 = arith.andi %squeeze3A_382, %and3A_389 : i32
        %dma_start3A_391 = arith.constant 0 : i32
        %dma_start3A_392 = tpu.memref_slice %arg11[%add3A_380, %dma_start3A_391] : memref<128x64xf32, #tpu.memory_space<vmem>> -> memref<1x64xf32, #tpu.memory_space<vmem>>
        %dma_start3A_393 = tpu.memref_squeeze %dma_start3A_392 : memref<1x64xf32, #tpu.memory_space<vmem>> -> memref<64xf32, #tpu.memory_space<vmem>>
        %dma_start3A_394 = arith.constant 0 : i32
        %dma_start3A_395 = tpu.memref_slice %arg5[%shift_right_logical3A_388, %and3A_390, %dma_start3A_394] : memref<500000x2x64xf32, #tpu.memory_space<hbm>> -> memref<1x1x64xf32, #tpu.memory_space<hbm>>
        %dma_start3A_396 = tpu.memref_squeeze %dma_start3A_395 : memref<1x1x64xf32, #tpu.memory_space<hbm>> -> memref<64xf32, #tpu.memory_space<hbm>>
        %dma_start3A_397 = arith.constant 0 : i32
        %dma_start3A_398 = tpu.memref_slice %arg11[%add3A_380, %dma_start3A_397] : memref<128x64xf32, #tpu.memory_space<vmem>> -> memref<1x64xf32, #tpu.memory_space<vmem>>
        %dma_start3A_399 = tpu.memref_squeeze %dma_start3A_398 : memref<1x64xf32, #tpu.memory_space<vmem>> -> memref<64xf32, #tpu.memory_space<vmem>>
        %dma_start3A_400 = arith.constant 0 : i32
        %dma_start3A_401 = tpu.memref_slice %arg5[%shift_right_logical3A_388, %and3A_390, %dma_start3A_400] : memref<500000x2x64xf32, #tpu.memory_space<hbm>> -> memref<1x1x64xf32, #tpu.memory_space<hbm>>
        %dma_start3A_402 = tpu.memref_squeeze %dma_start3A_401 : memref<1x1x64xf32, #tpu.memory_space<hbm>> -> memref<64xf32, #tpu.memory_space<hbm>>
        tpu.enqueue_dma source(%dma_start3A_402 : memref<64xf32, #tpu.memory_space<hbm>>) target(%dma_start3A_399 : memref<64xf32, #tpu.memory_space<vmem>>) target_semaphore(%arg15 : memref<!tpu.dma_semaphore, #tpu.memory_space<semaphore_mem>>)
        %shift_right_logical3A_403 = arith.constant 1 : i32
        %shift_right_logical3A_404 = arith.shrui %squeeze3A_384, %shift_right_logical3A_403 : i32
        %and3A_405 = arith.constant 1 : i32
        %and3A_406 = arith.andi %squeeze3A_384, %and3A_405 : i32
        %dma_start3A_407 = arith.constant 0 : i32
        %dma_start3A_408 = tpu.memref_slice %arg12[%add3A_380, %dma_start3A_407] : memref<128x64xf32, #tpu.memory_space<vmem>> -> memref<1x64xf32, #tpu.memory_space<vmem>>
        %dma_start3A_409 = tpu.memref_squeeze %dma_start3A_408 : memref<1x64xf32, #tpu.memory_space<vmem>> -> memref<64xf32, #tpu.memory_space<vmem>>
        %dma_start3A_410 = arith.constant 0 : i32
        %dma_start3A_411 = tpu.memref_slice %arg5[%shift_right_logical3A_404, %and3A_406, %dma_start3A_410] : memref<500000x2x64xf32, #tpu.memory_space<hbm>> -> memref<1x1x64xf32, #tpu.memory_space<hbm>>
        %dma_start3A_412 = tpu.memref_squeeze %dma_start3A_411 : memref<1x1x64xf32, #tpu.memory_space<hbm>> -> memref<64xf32, #tpu.memory_space<hbm>>
        %dma_start3A_413 = arith.constant 0 : i32
        %dma_start3A_414 = tpu.memref_slice %arg12[%add3A_380, %dma_start3A_413] : memref<128x64xf32, #tpu.memory_space<vmem>> -> memref<1x64xf32, #tpu.memory_space<vmem>>
        %dma_start3A_415 = tpu.memref_squeeze %dma_start3A_414 : memref<1x64xf32, #tpu.memory_space<vmem>> -> memref<64xf32, #tpu.memory_space<vmem>>
        %dma_start3A_416 = arith.constant 0 : i32
        %dma_start3A_417 = tpu.memref_slice %arg5[%shift_right_logical3A_404, %and3A_406, %dma_start3A_416] : memref<500000x2x64xf32, #tpu.memory_space<hbm>> -> memref<1x1x64xf32, #tpu.memory_space<hbm>>
        %dma_start3A_418 = tpu.memref_squeeze %dma_start3A_417 : memref<1x1x64xf32, #tpu.memory_space<hbm>> -> memref<64xf32, #tpu.memory_space<hbm>>
        tpu.enqueue_dma source(%dma_start3A_418 : memref<64xf32, #tpu.memory_space<hbm>>) target(%dma_start3A_415 : memref<64xf32, #tpu.memory_space<vmem>>) target_semaphore(%arg15 : memref<!tpu.dma_semaphore, #tpu.memory_space<semaphore_mem>>)
        %shift_right_logical3A_419 = arith.constant 1 : i32
        %shift_right_logical3A_420 = arith.shrui %squeeze3A_386, %shift_right_logical3A_419 : i32
        %and3A_421 = arith.constant 1 : i32
        %and3A_422 = arith.andi %squeeze3A_386, %and3A_421 : i32
        %dma_start3A_423 = arith.constant 0 : i32
        %dma_start3A_424 = tpu.memref_slice %arg13[%add3A_380, %dma_start3A_423] : memref<128x64xf32, #tpu.memory_space<vmem>> -> memref<1x64xf32, #tpu.memory_space<vmem>>
        %dma_start3A_425 = tpu.memref_squeeze %dma_start3A_424 : memref<1x64xf32, #tpu.memory_space<vmem>> -> memref<64xf32, #tpu.memory_space<vmem>>
        %dma_start3A_426 = arith.constant 0 : i32
        %dma_start3A_427 = tpu.memref_slice %arg6[%shift_right_logical3A_420, %and3A_422, %dma_start3A_426] : memref<500x2x64xf32, #tpu.memory_space<hbm>> -> memref<1x1x64xf32, #tpu.memory_space<hbm>>
        %dma_start3A_428 = tpu.memref_squeeze %dma_start3A_427 : memref<1x1x64xf32, #tpu.memory_space<hbm>> -> memref<64xf32, #tpu.memory_space<hbm>>
        %dma_start3A_429 = arith.constant 0 : i32
        %dma_start3A_430 = tpu.memref_slice %arg13[%add3A_380, %dma_start3A_429] : memref<128x64xf32, #tpu.memory_space<vmem>> -> memref<1x64xf32, #tpu.memory_space<vmem>>
        %dma_start3A_431 = tpu.memref_squeeze %dma_start3A_430 : memref<1x64xf32, #tpu.memory_space<vmem>> -> memref<64xf32, #tpu.memory_space<vmem>>
        %dma_start3A_432 = arith.constant 0 : i32
        %dma_start3A_433 = tpu.memref_slice %arg6[%shift_right_logical3A_420, %and3A_422, %dma_start3A_432] : memref<500x2x64xf32, #tpu.memory_space<hbm>> -> memref<1x1x64xf32, #tpu.memory_space<hbm>>
        %dma_start3A_434 = tpu.memref_squeeze %dma_start3A_433 : memref<1x1x64xf32, #tpu.memory_space<hbm>> -> memref<64xf32, #tpu.memory_space<hbm>>
        tpu.enqueue_dma source(%dma_start3A_434 : memref<64xf32, #tpu.memory_space<hbm>>) target(%dma_start3A_431 : memref<64xf32, #tpu.memory_space<vmem>>) target_semaphore(%arg15 : memref<!tpu.dma_semaphore, #tpu.memory_space<semaphore_mem>>)
        %mul3A_435 = arith.constant 16 : i32
        %mul3A_436 = arith.muli %mul3A_435, %scan3A_79 : i32
        %add3A_437 = arith.constant 6 : i32
        %add3A_438 = arith.addi %mul3A_436, %add3A_437 : i32
        %slice3A_439 = vector.extract_strided_slice %get3A_82 {offsets = [6], sizes = [1], strides = [1]} : vector<16xi32> to vector<1xi32>
        %squeeze3A_440 = vector.extract %slice3A_439[0] : i32 from vector<1xi32>
        %slice3A_441 = vector.extract_strided_slice %get3A_86 {offsets = [6], sizes = [1], strides = [1]} : vector<16xi32> to vector<1xi32>
        %squeeze3A_442 = vector.extract %slice3A_441[0] : i32 from vector<1xi32>
        %slice3A_443 = vector.extract_strided_slice %get3A_90 {offsets = [6], sizes = [1], strides = [1]} : vector<16xi32> to vector<1xi32>
        %squeeze3A_444 = vector.extract %slice3A_443[0] : i32 from vector<1xi32>
        %shift_right_logical3A_445 = arith.constant 1 : i32
        %shift_right_logical3A_446 = arith.shrui %squeeze3A_440, %shift_right_logical3A_445 : i32
        %and3A_447 = arith.constant 1 : i32
        %and3A_448 = arith.andi %squeeze3A_440, %and3A_447 : i32
        %dma_start3A_449 = arith.constant 0 : i32
        %dma_start3A_450 = tpu.memref_slice %arg11[%add3A_438, %dma_start3A_449] : memref<128x64xf32, #tpu.memory_space<vmem>> -> memref<1x64xf32, #tpu.memory_space<vmem>>
        %dma_start3A_451 = tpu.memref_squeeze %dma_start3A_450 : memref<1x64xf32, #tpu.memory_space<vmem>> -> memref<64xf32, #tpu.memory_space<vmem>>
        %dma_start3A_452 = arith.constant 0 : i32
        %dma_start3A_453 = tpu.memref_slice %arg5[%shift_right_logical3A_446, %and3A_448, %dma_start3A_452] : memref<500000x2x64xf32, #tpu.memory_space<hbm>> -> memref<1x1x64xf32, #tpu.memory_space<hbm>>
        %dma_start3A_454 = tpu.memref_squeeze %dma_start3A_453 : memref<1x1x64xf32, #tpu.memory_space<hbm>> -> memref<64xf32, #tpu.memory_space<hbm>>
        %dma_start3A_455 = arith.constant 0 : i32
        %dma_start3A_456 = tpu.memref_slice %arg11[%add3A_438, %dma_start3A_455] : memref<128x64xf32, #tpu.memory_space<vmem>> -> memref<1x64xf32, #tpu.memory_space<vmem>>
        %dma_start3A_457 = tpu.memref_squeeze %dma_start3A_456 : memref<1x64xf32, #tpu.memory_space<vmem>> -> memref<64xf32, #tpu.memory_space<vmem>>
        %dma_start3A_458 = arith.constant 0 : i32
        %dma_start3A_459 = tpu.memref_slice %arg5[%shift_right_logical3A_446, %and3A_448, %dma_start3A_458] : memref<500000x2x64xf32, #tpu.memory_space<hbm>> -> memref<1x1x64xf32, #tpu.memory_space<hbm>>
        %dma_start3A_460 = tpu.memref_squeeze %dma_start3A_459 : memref<1x1x64xf32, #tpu.memory_space<hbm>> -> memref<64xf32, #tpu.memory_space<hbm>>
        tpu.enqueue_dma source(%dma_start3A_460 : memref<64xf32, #tpu.memory_space<hbm>>) target(%dma_start3A_457 : memref<64xf32, #tpu.memory_space<vmem>>) target_semaphore(%arg15 : memref<!tpu.dma_semaphore, #tpu.memory_space<semaphore_mem>>)
        %shift_right_logical3A_461 = arith.constant 1 : i32
        %shift_right_logical3A_462 = arith.shrui %squeeze3A_442, %shift_right_logical3A_461 : i32
        %and3A_463 = arith.constant 1 : i32
        %and3A_464 = arith.andi %squeeze3A_442, %and3A_463 : i32
        %dma_start3A_465 = arith.constant 0 : i32
        %dma_start3A_466 = tpu.memref_slice %arg12[%add3A_438, %dma_start3A_465] : memref<128x64xf32, #tpu.memory_space<vmem>> -> memref<1x64xf32, #tpu.memory_space<vmem>>
        %dma_start3A_467 = tpu.memref_squeeze %dma_start3A_466 : memref<1x64xf32, #tpu.memory_space<vmem>> -> memref<64xf32, #tpu.memory_space<vmem>>
        %dma_start3A_468 = arith.constant 0 : i32
        %dma_start3A_469 = tpu.memref_slice %arg5[%shift_right_logical3A_462, %and3A_464, %dma_start3A_468] : memref<500000x2x64xf32, #tpu.memory_space<hbm>> -> memref<1x1x64xf32, #tpu.memory_space<hbm>>
        %dma_start3A_470 = tpu.memref_squeeze %dma_start3A_469 : memref<1x1x64xf32, #tpu.memory_space<hbm>> -> memref<64xf32, #tpu.memory_space<hbm>>
        %dma_start3A_471 = arith.constant 0 : i32
        %dma_start3A_472 = tpu.memref_slice %arg12[%add3A_438, %dma_start3A_471] : memref<128x64xf32, #tpu.memory_space<vmem>> -> memref<1x64xf32, #tpu.memory_space<vmem>>
        %dma_start3A_473 = tpu.memref_squeeze %dma_start3A_472 : memref<1x64xf32, #tpu.memory_space<vmem>> -> memref<64xf32, #tpu.memory_space<vmem>>
        %dma_start3A_474 = arith.constant 0 : i32
        %dma_start3A_475 = tpu.memref_slice %arg5[%shift_right_logical3A_462, %and3A_464, %dma_start3A_474] : memref<500000x2x64xf32, #tpu.memory_space<hbm>> -> memref<1x1x64xf32, #tpu.memory_space<hbm>>
        %dma_start3A_476 = tpu.memref_squeeze %dma_start3A_475 : memref<1x1x64xf32, #tpu.memory_space<hbm>> -> memref<64xf32, #tpu.memory_space<hbm>>
        tpu.enqueue_dma source(%dma_start3A_476 : memref<64xf32, #tpu.memory_space<hbm>>) target(%dma_start3A_473 : memref<64xf32, #tpu.memory_space<vmem>>) target_semaphore(%arg15 : memref<!tpu.dma_semaphore, #tpu.memory_space<semaphore_mem>>)
        %shift_right_logical3A_477 = arith.constant 1 : i32
        %shift_right_logical3A_478 = arith.shrui %squeeze3A_444, %shift_right_logical3A_477 : i32
        %and3A_479 = arith.constant 1 : i32
        %and3A_480 = arith.andi %squeeze3A_444, %and3A_479 : i32
        %dma_start3A_481 = arith.constant 0 : i32
        %dma_start3A_482 = tpu.memref_slice %arg13[%add3A_438, %dma_start3A_481] : memref<128x64xf32, #tpu.memory_space<vmem>> -> memref<1x64xf32, #tpu.memory_space<vmem>>
        %dma_start3A_483 = tpu.memref_squeeze %dma_start3A_482 : memref<1x64xf32, #tpu.memory_space<vmem>> -> memref<64xf32, #tpu.memory_space<vmem>>
        %dma_start3A_484 = arith.constant 0 : i32
        %dma_start3A_485 = tpu.memref_slice %arg6[%shift_right_logical3A_478, %and3A_480, %dma_start3A_484] : memref<500x2x64xf32, #tpu.memory_space<hbm>> -> memref<1x1x64xf32, #tpu.memory_space<hbm>>
        %dma_start3A_486 = tpu.memref_squeeze %dma_start3A_485 : memref<1x1x64xf32, #tpu.memory_space<hbm>> -> memref<64xf32, #tpu.memory_space<hbm>>
        %dma_start3A_487 = arith.constant 0 : i32
        %dma_start3A_488 = tpu.memref_slice %arg13[%add3A_438, %dma_start3A_487] : memref<128x64xf32, #tpu.memory_space<vmem>> -> memref<1x64xf32, #tpu.memory_space<vmem>>
        %dma_start3A_489 = tpu.memref_squeeze %dma_start3A_488 : memref<1x64xf32, #tpu.memory_space<vmem>> -> memref<64xf32, #tpu.memory_space<vmem>>
        %dma_start3A_490 = arith.constant 0 : i32
        %dma_start3A_491 = tpu.memref_slice %arg6[%shift_right_logical3A_478, %and3A_480, %dma_start3A_490] : memref<500x2x64xf32, #tpu.memory_space<hbm>> -> memref<1x1x64xf32, #tpu.memory_space<hbm>>
        %dma_start3A_492 = tpu.memref_squeeze %dma_start3A_491 : memref<1x1x64xf32, #tpu.memory_space<hbm>> -> memref<64xf32, #tpu.memory_space<hbm>>
        tpu.enqueue_dma source(%dma_start3A_492 : memref<64xf32, #tpu.memory_space<hbm>>) target(%dma_start3A_489 : memref<64xf32, #tpu.memory_space<vmem>>) target_semaphore(%arg15 : memref<!tpu.dma_semaphore, #tpu.memory_space<semaphore_mem>>)
        %mul3A_493 = arith.constant 16 : i32
        %mul3A_494 = arith.muli %mul3A_493, %scan3A_79 : i32
        %add3A_495 = arith.constant 7 : i32
        %add3A_496 = arith.addi %mul3A_494, %add3A_495 : i32
        %slice3A_497 = vector.extract_strided_slice %get3A_82 {offsets = [7], sizes = [1], strides = [1]} : vector<16xi32> to vector<1xi32>
        %squeeze3A_498 = vector.extract %slice3A_497[0] : i32 from vector<1xi32>
        %slice3A_499 = vector.extract_strided_slice %get3A_86 {offsets = [7], sizes = [1], strides = [1]} : vector<16xi32> to vector<1xi32>
        %squeeze3A_500 = vector.extract %slice3A_499[0] : i32 from vector<1xi32>
        %slice3A_501 = vector.extract_strided_slice %get3A_90 {offsets = [7], sizes = [1], strides = [1]} : vector<16xi32> to vector<1xi32>
        %squeeze3A_502 = vector.extract %slice3A_501[0] : i32 from vector<1xi32>
        %shift_right_logical3A_503 = arith.constant 1 : i32
        %shift_right_logical3A_504 = arith.shrui %squeeze3A_498, %shift_right_logical3A_503 : i32
        %and3A_505 = arith.constant 1 : i32
        %and3A_506 = arith.andi %squeeze3A_498, %and3A_505 : i32
        %dma_start3A_507 = arith.constant 0 : i32
        %dma_start3A_508 = tpu.memref_slice %arg11[%add3A_496, %dma_start3A_507] : memref<128x64xf32, #tpu.memory_space<vmem>> -> memref<1x64xf32, #tpu.memory_space<vmem>>
        %dma_start3A_509 = tpu.memref_squeeze %dma_start3A_508 : memref<1x64xf32, #tpu.memory_space<vmem>> -> memref<64xf32, #tpu.memory_space<vmem>>
        %dma_start3A_510 = arith.constant 0 : i32
        %dma_start3A_511 = tpu.memref_slice %arg5[%shift_right_logical3A_504, %and3A_506, %dma_start3A_510] : memref<500000x2x64xf32, #tpu.memory_space<hbm>> -> memref<1x1x64xf32, #tpu.memory_space<hbm>>
        %dma_start3A_512 = tpu.memref_squeeze %dma_start3A_511 : memref<1x1x64xf32, #tpu.memory_space<hbm>> -> memref<64xf32, #tpu.memory_space<hbm>>
        %dma_start3A_513 = arith.constant 0 : i32
        %dma_start3A_514 = tpu.memref_slice %arg11[%add3A_496, %dma_start3A_513] : memref<128x64xf32, #tpu.memory_space<vmem>> -> memref<1x64xf32, #tpu.memory_space<vmem>>
        %dma_start3A_515 = tpu.memref_squeeze %dma_start3A_514 : memref<1x64xf32, #tpu.memory_space<vmem>> -> memref<64xf32, #tpu.memory_space<vmem>>
        %dma_start3A_516 = arith.constant 0 : i32
        %dma_start3A_517 = tpu.memref_slice %arg5[%shift_right_logical3A_504, %and3A_506, %dma_start3A_516] : memref<500000x2x64xf32, #tpu.memory_space<hbm>> -> memref<1x1x64xf32, #tpu.memory_space<hbm>>
        %dma_start3A_518 = tpu.memref_squeeze %dma_start3A_517 : memref<1x1x64xf32, #tpu.memory_space<hbm>> -> memref<64xf32, #tpu.memory_space<hbm>>
        tpu.enqueue_dma source(%dma_start3A_518 : memref<64xf32, #tpu.memory_space<hbm>>) target(%dma_start3A_515 : memref<64xf32, #tpu.memory_space<vmem>>) target_semaphore(%arg15 : memref<!tpu.dma_semaphore, #tpu.memory_space<semaphore_mem>>)
        %shift_right_logical3A_519 = arith.constant 1 : i32
        %shift_right_logical3A_520 = arith.shrui %squeeze3A_500, %shift_right_logical3A_519 : i32
        %and3A_521 = arith.constant 1 : i32
        %and3A_522 = arith.andi %squeeze3A_500, %and3A_521 : i32
        %dma_start3A_523 = arith.constant 0 : i32
        %dma_start3A_524 = tpu.memref_slice %arg12[%add3A_496, %dma_start3A_523] : memref<128x64xf32, #tpu.memory_space<vmem>> -> memref<1x64xf32, #tpu.memory_space<vmem>>
        %dma_start3A_525 = tpu.memref_squeeze %dma_start3A_524 : memref<1x64xf32, #tpu.memory_space<vmem>> -> memref<64xf32, #tpu.memory_space<vmem>>
        %dma_start3A_526 = arith.constant 0 : i32
        %dma_start3A_527 = tpu.memref_slice %arg5[%shift_right_logical3A_520, %and3A_522, %dma_start3A_526] : memref<500000x2x64xf32, #tpu.memory_space<hbm>> -> memref<1x1x64xf32, #tpu.memory_space<hbm>>
        %dma_start3A_528 = tpu.memref_squeeze %dma_start3A_527 : memref<1x1x64xf32, #tpu.memory_space<hbm>> -> memref<64xf32, #tpu.memory_space<hbm>>
        %dma_start3A_529 = arith.constant 0 : i32
        %dma_start3A_530 = tpu.memref_slice %arg12[%add3A_496, %dma_start3A_529] : memref<128x64xf32, #tpu.memory_space<vmem>> -> memref<1x64xf32, #tpu.memory_space<vmem>>
        %dma_start3A_531 = tpu.memref_squeeze %dma_start3A_530 : memref<1x64xf32, #tpu.memory_space<vmem>> -> memref<64xf32, #tpu.memory_space<vmem>>
        %dma_start3A_532 = arith.constant 0 : i32
        %dma_start3A_533 = tpu.memref_slice %arg5[%shift_right_logical3A_520, %and3A_522, %dma_start3A_532] : memref<500000x2x64xf32, #tpu.memory_space<hbm>> -> memref<1x1x64xf32, #tpu.memory_space<hbm>>
        %dma_start3A_534 = tpu.memref_squeeze %dma_start3A_533 : memref<1x1x64xf32, #tpu.memory_space<hbm>> -> memref<64xf32, #tpu.memory_space<hbm>>
        tpu.enqueue_dma source(%dma_start3A_534 : memref<64xf32, #tpu.memory_space<hbm>>) target(%dma_start3A_531 : memref<64xf32, #tpu.memory_space<vmem>>) target_semaphore(%arg15 : memref<!tpu.dma_semaphore, #tpu.memory_space<semaphore_mem>>)
        %shift_right_logical3A_535 = arith.constant 1 : i32
        %shift_right_logical3A_536 = arith.shrui %squeeze3A_502, %shift_right_logical3A_535 : i32
        %and3A_537 = arith.constant 1 : i32
        %and3A_538 = arith.andi %squeeze3A_502, %and3A_537 : i32
        %dma_start3A_539 = arith.constant 0 : i32
        %dma_start3A_540 = tpu.memref_slice %arg13[%add3A_496, %dma_start3A_539] : memref<128x64xf32, #tpu.memory_space<vmem>> -> memref<1x64xf32, #tpu.memory_space<vmem>>
        %dma_start3A_541 = tpu.memref_squeeze %dma_start3A_540 : memref<1x64xf32, #tpu.memory_space<vmem>> -> memref<64xf32, #tpu.memory_space<vmem>>
        %dma_start3A_542 = arith.constant 0 : i32
        %dma_start3A_543 = tpu.memref_slice %arg6[%shift_right_logical3A_536, %and3A_538, %dma_start3A_542] : memref<500x2x64xf32, #tpu.memory_space<hbm>> -> memref<1x1x64xf32, #tpu.memory_space<hbm>>
        %dma_start3A_544 = tpu.memref_squeeze %dma_start3A_543 : memref<1x1x64xf32, #tpu.memory_space<hbm>> -> memref<64xf32, #tpu.memory_space<hbm>>
        %dma_start3A_545 = arith.constant 0 : i32
        %dma_start3A_546 = tpu.memref_slice %arg13[%add3A_496, %dma_start3A_545] : memref<128x64xf32, #tpu.memory_space<vmem>> -> memref<1x64xf32, #tpu.memory_space<vmem>>
        %dma_start3A_547 = tpu.memref_squeeze %dma_start3A_546 : memref<1x64xf32, #tpu.memory_space<vmem>> -> memref<64xf32, #tpu.memory_space<vmem>>
        %dma_start3A_548 = arith.constant 0 : i32
        %dma_start3A_549 = tpu.memref_slice %arg6[%shift_right_logical3A_536, %and3A_538, %dma_start3A_548] : memref<500x2x64xf32, #tpu.memory_space<hbm>> -> memref<1x1x64xf32, #tpu.memory_space<hbm>>
        %dma_start3A_550 = tpu.memref_squeeze %dma_start3A_549 : memref<1x1x64xf32, #tpu.memory_space<hbm>> -> memref<64xf32, #tpu.memory_space<hbm>>
        tpu.enqueue_dma source(%dma_start3A_550 : memref<64xf32, #tpu.memory_space<hbm>>) target(%dma_start3A_547 : memref<64xf32, #tpu.memory_space<vmem>>) target_semaphore(%arg15 : memref<!tpu.dma_semaphore, #tpu.memory_space<semaphore_mem>>)
        %mul3A_551 = arith.constant 16 : i32
        %mul3A_552 = arith.muli %mul3A_551, %scan3A_79 : i32
        %add3A_553 = arith.constant 8 : i32
        %add3A_554 = arith.addi %mul3A_552, %add3A_553 : i32
        %slice3A_555 = vector.extract_strided_slice %get3A_82 {offsets = [8], sizes = [1], strides = [1]} : vector<16xi32> to vector<1xi32>
        %squeeze3A_556 = vector.extract %slice3A_555[0] : i32 from vector<1xi32>
        %slice3A_557 = vector.extract_strided_slice %get3A_86 {offsets = [8], sizes = [1], strides = [1]} : vector<16xi32> to vector<1xi32>
        %squeeze3A_558 = vector.extract %slice3A_557[0] : i32 from vector<1xi32>
        %slice3A_559 = vector.extract_strided_slice %get3A_90 {offsets = [8], sizes = [1], strides = [1]} : vector<16xi32> to vector<1xi32>
        %squeeze3A_560 = vector.extract %slice3A_559[0] : i32 from vector<1xi32>
        %shift_right_logical3A_561 = arith.constant 1 : i32
        %shift_right_logical3A_562 = arith.shrui %squeeze3A_556, %shift_right_logical3A_561 : i32
        %and3A_563 = arith.constant 1 : i32
        %and3A_564 = arith.andi %squeeze3A_556, %and3A_563 : i32
        %dma_start3A_565 = arith.constant 0 : i32
        %dma_start3A_566 = tpu.memref_slice %arg11[%add3A_554, %dma_start3A_565] : memref<128x64xf32, #tpu.memory_space<vmem>> -> memref<1x64xf32, #tpu.memory_space<vmem>>
        %dma_start3A_567 = tpu.memref_squeeze %dma_start3A_566 : memref<1x64xf32, #tpu.memory_space<vmem>> -> memref<64xf32, #tpu.memory_space<vmem>>
        %dma_start3A_568 = arith.constant 0 : i32
        %dma_start3A_569 = tpu.memref_slice %arg5[%shift_right_logical3A_562, %and3A_564, %dma_start3A_568] : memref<500000x2x64xf32, #tpu.memory_space<hbm>> -> memref<1x1x64xf32, #tpu.memory_space<hbm>>
        %dma_start3A_570 = tpu.memref_squeeze %dma_start3A_569 : memref<1x1x64xf32, #tpu.memory_space<hbm>> -> memref<64xf32, #tpu.memory_space<hbm>>
        %dma_start3A_571 = arith.constant 0 : i32
        %dma_start3A_572 = tpu.memref_slice %arg11[%add3A_554, %dma_start3A_571] : memref<128x64xf32, #tpu.memory_space<vmem>> -> memref<1x64xf32, #tpu.memory_space<vmem>>
        %dma_start3A_573 = tpu.memref_squeeze %dma_start3A_572 : memref<1x64xf32, #tpu.memory_space<vmem>> -> memref<64xf32, #tpu.memory_space<vmem>>
        %dma_start3A_574 = arith.constant 0 : i32
        %dma_start3A_575 = tpu.memref_slice %arg5[%shift_right_logical3A_562, %and3A_564, %dma_start3A_574] : memref<500000x2x64xf32, #tpu.memory_space<hbm>> -> memref<1x1x64xf32, #tpu.memory_space<hbm>>
        %dma_start3A_576 = tpu.memref_squeeze %dma_start3A_575 : memref<1x1x64xf32, #tpu.memory_space<hbm>> -> memref<64xf32, #tpu.memory_space<hbm>>
        tpu.enqueue_dma source(%dma_start3A_576 : memref<64xf32, #tpu.memory_space<hbm>>) target(%dma_start3A_573 : memref<64xf32, #tpu.memory_space<vmem>>) target_semaphore(%arg15 : memref<!tpu.dma_semaphore, #tpu.memory_space<semaphore_mem>>)
        %shift_right_logical3A_577 = arith.constant 1 : i32
        %shift_right_logical3A_578 = arith.shrui %squeeze3A_558, %shift_right_logical3A_577 : i32
        %and3A_579 = arith.constant 1 : i32
        %and3A_580 = arith.andi %squeeze3A_558, %and3A_579 : i32
        %dma_start3A_581 = arith.constant 0 : i32
        %dma_start3A_582 = tpu.memref_slice %arg12[%add3A_554, %dma_start3A_581] : memref<128x64xf32, #tpu.memory_space<vmem>> -> memref<1x64xf32, #tpu.memory_space<vmem>>
        %dma_start3A_583 = tpu.memref_squeeze %dma_start3A_582 : memref<1x64xf32, #tpu.memory_space<vmem>> -> memref<64xf32, #tpu.memory_space<vmem>>
        %dma_start3A_584 = arith.constant 0 : i32
        %dma_start3A_585 = tpu.memref_slice %arg5[%shift_right_logical3A_578, %and3A_580, %dma_start3A_584] : memref<500000x2x64xf32, #tpu.memory_space<hbm>> -> memref<1x1x64xf32, #tpu.memory_space<hbm>>
        %dma_start3A_586 = tpu.memref_squeeze %dma_start3A_585 : memref<1x1x64xf32, #tpu.memory_space<hbm>> -> memref<64xf32, #tpu.memory_space<hbm>>
        %dma_start3A_587 = arith.constant 0 : i32
        %dma_start3A_588 = tpu.memref_slice %arg12[%add3A_554, %dma_start3A_587] : memref<128x64xf32, #tpu.memory_space<vmem>> -> memref<1x64xf32, #tpu.memory_space<vmem>>
        %dma_start3A_589 = tpu.memref_squeeze %dma_start3A_588 : memref<1x64xf32, #tpu.memory_space<vmem>> -> memref<64xf32, #tpu.memory_space<vmem>>
        %dma_start3A_590 = arith.constant 0 : i32
        %dma_start3A_591 = tpu.memref_slice %arg5[%shift_right_logical3A_578, %and3A_580, %dma_start3A_590] : memref<500000x2x64xf32, #tpu.memory_space<hbm>> -> memref<1x1x64xf32, #tpu.memory_space<hbm>>
        %dma_start3A_592 = tpu.memref_squeeze %dma_start3A_591 : memref<1x1x64xf32, #tpu.memory_space<hbm>> -> memref<64xf32, #tpu.memory_space<hbm>>
        tpu.enqueue_dma source(%dma_start3A_592 : memref<64xf32, #tpu.memory_space<hbm>>) target(%dma_start3A_589 : memref<64xf32, #tpu.memory_space<vmem>>) target_semaphore(%arg15 : memref<!tpu.dma_semaphore, #tpu.memory_space<semaphore_mem>>)
        %shift_right_logical3A_593 = arith.constant 1 : i32
        %shift_right_logical3A_594 = arith.shrui %squeeze3A_560, %shift_right_logical3A_593 : i32
        %and3A_595 = arith.constant 1 : i32
        %and3A_596 = arith.andi %squeeze3A_560, %and3A_595 : i32
        %dma_start3A_597 = arith.constant 0 : i32
        %dma_start3A_598 = tpu.memref_slice %arg13[%add3A_554, %dma_start3A_597] : memref<128x64xf32, #tpu.memory_space<vmem>> -> memref<1x64xf32, #tpu.memory_space<vmem>>
        %dma_start3A_599 = tpu.memref_squeeze %dma_start3A_598 : memref<1x64xf32, #tpu.memory_space<vmem>> -> memref<64xf32, #tpu.memory_space<vmem>>
        %dma_start3A_600 = arith.constant 0 : i32
        %dma_start3A_601 = tpu.memref_slice %arg6[%shift_right_logical3A_594, %and3A_596, %dma_start3A_600] : memref<500x2x64xf32, #tpu.memory_space<hbm>> -> memref<1x1x64xf32, #tpu.memory_space<hbm>>
        %dma_start3A_602 = tpu.memref_squeeze %dma_start3A_601 : memref<1x1x64xf32, #tpu.memory_space<hbm>> -> memref<64xf32, #tpu.memory_space<hbm>>
        %dma_start3A_603 = arith.constant 0 : i32
        %dma_start3A_604 = tpu.memref_slice %arg13[%add3A_554, %dma_start3A_603] : memref<128x64xf32, #tpu.memory_space<vmem>> -> memref<1x64xf32, #tpu.memory_space<vmem>>
        %dma_start3A_605 = tpu.memref_squeeze %dma_start3A_604 : memref<1x64xf32, #tpu.memory_space<vmem>> -> memref<64xf32, #tpu.memory_space<vmem>>
        %dma_start3A_606 = arith.constant 0 : i32
        %dma_start3A_607 = tpu.memref_slice %arg6[%shift_right_logical3A_594, %and3A_596, %dma_start3A_606] : memref<500x2x64xf32, #tpu.memory_space<hbm>> -> memref<1x1x64xf32, #tpu.memory_space<hbm>>
        %dma_start3A_608 = tpu.memref_squeeze %dma_start3A_607 : memref<1x1x64xf32, #tpu.memory_space<hbm>> -> memref<64xf32, #tpu.memory_space<hbm>>
        tpu.enqueue_dma source(%dma_start3A_608 : memref<64xf32, #tpu.memory_space<hbm>>) target(%dma_start3A_605 : memref<64xf32, #tpu.memory_space<vmem>>) target_semaphore(%arg15 : memref<!tpu.dma_semaphore, #tpu.memory_space<semaphore_mem>>)
        %mul3A_609 = arith.constant 16 : i32
        %mul3A_610 = arith.muli %mul3A_609, %scan3A_79 : i32
        %add3A_611 = arith.constant 9 : i32
        %add3A_612 = arith.addi %mul3A_610, %add3A_611 : i32
        %slice3A_613 = vector.extract_strided_slice %get3A_82 {offsets = [9], sizes = [1], strides = [1]} : vector<16xi32> to vector<1xi32>
        %squeeze3A_614 = vector.extract %slice3A_613[0] : i32 from vector<1xi32>
        %slice3A_615 = vector.extract_strided_slice %get3A_86 {offsets = [9], sizes = [1], strides = [1]} : vector<16xi32> to vector<1xi32>
        %squeeze3A_616 = vector.extract %slice3A_615[0] : i32 from vector<1xi32>
        %slice3A_617 = vector.extract_strided_slice %get3A_90 {offsets = [9], sizes = [1], strides = [1]} : vector<16xi32> to vector<1xi32>
        %squeeze3A_618 = vector.extract %slice3A_617[0] : i32 from vector<1xi32>
        %shift_right_logical3A_619 = arith.constant 1 : i32
        %shift_right_logical3A_620 = arith.shrui %squeeze3A_614, %shift_right_logical3A_619 : i32
        %and3A_621 = arith.constant 1 : i32
        %and3A_622 = arith.andi %squeeze3A_614, %and3A_621 : i32
        %dma_start3A_623 = arith.constant 0 : i32
        %dma_start3A_624 = tpu.memref_slice %arg11[%add3A_612, %dma_start3A_623] : memref<128x64xf32, #tpu.memory_space<vmem>> -> memref<1x64xf32, #tpu.memory_space<vmem>>
        %dma_start3A_625 = tpu.memref_squeeze %dma_start3A_624 : memref<1x64xf32, #tpu.memory_space<vmem>> -> memref<64xf32, #tpu.memory_space<vmem>>
        %dma_start3A_626 = arith.constant 0 : i32
        %dma_start3A_627 = tpu.memref_slice %arg5[%shift_right_logical3A_620, %and3A_622, %dma_start3A_626] : memref<500000x2x64xf32, #tpu.memory_space<hbm>> -> memref<1x1x64xf32, #tpu.memory_space<hbm>>
        %dma_start3A_628 = tpu.memref_squeeze %dma_start3A_627 : memref<1x1x64xf32, #tpu.memory_space<hbm>> -> memref<64xf32, #tpu.memory_space<hbm>>
        %dma_start3A_629 = arith.constant 0 : i32
        %dma_start3A_630 = tpu.memref_slice %arg11[%add3A_612, %dma_start3A_629] : memref<128x64xf32, #tpu.memory_space<vmem>> -> memref<1x64xf32, #tpu.memory_space<vmem>>
        %dma_start3A_631 = tpu.memref_squeeze %dma_start3A_630 : memref<1x64xf32, #tpu.memory_space<vmem>> -> memref<64xf32, #tpu.memory_space<vmem>>
        %dma_start3A_632 = arith.constant 0 : i32
        %dma_start3A_633 = tpu.memref_slice %arg5[%shift_right_logical3A_620, %and3A_622, %dma_start3A_632] : memref<500000x2x64xf32, #tpu.memory_space<hbm>> -> memref<1x1x64xf32, #tpu.memory_space<hbm>>
        %dma_start3A_634 = tpu.memref_squeeze %dma_start3A_633 : memref<1x1x64xf32, #tpu.memory_space<hbm>> -> memref<64xf32, #tpu.memory_space<hbm>>
        tpu.enqueue_dma source(%dma_start3A_634 : memref<64xf32, #tpu.memory_space<hbm>>) target(%dma_start3A_631 : memref<64xf32, #tpu.memory_space<vmem>>) target_semaphore(%arg15 : memref<!tpu.dma_semaphore, #tpu.memory_space<semaphore_mem>>)
        %shift_right_logical3A_635 = arith.constant 1 : i32
        %shift_right_logical3A_636 = arith.shrui %squeeze3A_616, %shift_right_logical3A_635 : i32
        %and3A_637 = arith.constant 1 : i32
        %and3A_638 = arith.andi %squeeze3A_616, %and3A_637 : i32
        %dma_start3A_639 = arith.constant 0 : i32
        %dma_start3A_640 = tpu.memref_slice %arg12[%add3A_612, %dma_start3A_639] : memref<128x64xf32, #tpu.memory_space<vmem>> -> memref<1x64xf32, #tpu.memory_space<vmem>>
        %dma_start3A_641 = tpu.memref_squeeze %dma_start3A_640 : memref<1x64xf32, #tpu.memory_space<vmem>> -> memref<64xf32, #tpu.memory_space<vmem>>
        %dma_start3A_642 = arith.constant 0 : i32
        %dma_start3A_643 = tpu.memref_slice %arg5[%shift_right_logical3A_636, %and3A_638, %dma_start3A_642] : memref<500000x2x64xf32, #tpu.memory_space<hbm>> -> memref<1x1x64xf32, #tpu.memory_space<hbm>>
        %dma_start3A_644 = tpu.memref_squeeze %dma_start3A_643 : memref<1x1x64xf32, #tpu.memory_space<hbm>> -> memref<64xf32, #tpu.memory_space<hbm>>
        %dma_start3A_645 = arith.constant 0 : i32
        %dma_start3A_646 = tpu.memref_slice %arg12[%add3A_612, %dma_start3A_645] : memref<128x64xf32, #tpu.memory_space<vmem>> -> memref<1x64xf32, #tpu.memory_space<vmem>>
        %dma_start3A_647 = tpu.memref_squeeze %dma_start3A_646 : memref<1x64xf32, #tpu.memory_space<vmem>> -> memref<64xf32, #tpu.memory_space<vmem>>
        %dma_start3A_648 = arith.constant 0 : i32
        %dma_start3A_649 = tpu.memref_slice %arg5[%shift_right_logical3A_636, %and3A_638, %dma_start3A_648] : memref<500000x2x64xf32, #tpu.memory_space<hbm>> -> memref<1x1x64xf32, #tpu.memory_space<hbm>>
        %dma_start3A_650 = tpu.memref_squeeze %dma_start3A_649 : memref<1x1x64xf32, #tpu.memory_space<hbm>> -> memref<64xf32, #tpu.memory_space<hbm>>
        tpu.enqueue_dma source(%dma_start3A_650 : memref<64xf32, #tpu.memory_space<hbm>>) target(%dma_start3A_647 : memref<64xf32, #tpu.memory_space<vmem>>) target_semaphore(%arg15 : memref<!tpu.dma_semaphore, #tpu.memory_space<semaphore_mem>>)
        %shift_right_logical3A_651 = arith.constant 1 : i32
        %shift_right_logical3A_652 = arith.shrui %squeeze3A_618, %shift_right_logical3A_651 : i32
        %and3A_653 = arith.constant 1 : i32
        %and3A_654 = arith.andi %squeeze3A_618, %and3A_653 : i32
        %dma_start3A_655 = arith.constant 0 : i32
        %dma_start3A_656 = tpu.memref_slice %arg13[%add3A_612, %dma_start3A_655] : memref<128x64xf32, #tpu.memory_space<vmem>> -> memref<1x64xf32, #tpu.memory_space<vmem>>
        %dma_start3A_657 = tpu.memref_squeeze %dma_start3A_656 : memref<1x64xf32, #tpu.memory_space<vmem>> -> memref<64xf32, #tpu.memory_space<vmem>>
        %dma_start3A_658 = arith.constant 0 : i32
        %dma_start3A_659 = tpu.memref_slice %arg6[%shift_right_logical3A_652, %and3A_654, %dma_start3A_658] : memref<500x2x64xf32, #tpu.memory_space<hbm>> -> memref<1x1x64xf32, #tpu.memory_space<hbm>>
        %dma_start3A_660 = tpu.memref_squeeze %dma_start3A_659 : memref<1x1x64xf32, #tpu.memory_space<hbm>> -> memref<64xf32, #tpu.memory_space<hbm>>
        %dma_start3A_661 = arith.constant 0 : i32
        %dma_start3A_662 = tpu.memref_slice %arg13[%add3A_612, %dma_start3A_661] : memref<128x64xf32, #tpu.memory_space<vmem>> -> memref<1x64xf32, #tpu.memory_space<vmem>>
        %dma_start3A_663 = tpu.memref_squeeze %dma_start3A_662 : memref<1x64xf32, #tpu.memory_space<vmem>> -> memref<64xf32, #tpu.memory_space<vmem>>
        %dma_start3A_664 = arith.constant 0 : i32
        %dma_start3A_665 = tpu.memref_slice %arg6[%shift_right_logical3A_652, %and3A_654, %dma_start3A_664] : memref<500x2x64xf32, #tpu.memory_space<hbm>> -> memref<1x1x64xf32, #tpu.memory_space<hbm>>
        %dma_start3A_666 = tpu.memref_squeeze %dma_start3A_665 : memref<1x1x64xf32, #tpu.memory_space<hbm>> -> memref<64xf32, #tpu.memory_space<hbm>>
        tpu.enqueue_dma source(%dma_start3A_666 : memref<64xf32, #tpu.memory_space<hbm>>) target(%dma_start3A_663 : memref<64xf32, #tpu.memory_space<vmem>>) target_semaphore(%arg15 : memref<!tpu.dma_semaphore, #tpu.memory_space<semaphore_mem>>)
        %mul3A_667 = arith.constant 16 : i32
        %mul3A_668 = arith.muli %mul3A_667, %scan3A_79 : i32
        %add3A_669 = arith.constant 10 : i32
        %add3A_670 = arith.addi %mul3A_668, %add3A_669 : i32
        %slice3A_671 = vector.extract_strided_slice %get3A_82 {offsets = [10], sizes = [1], strides = [1]} : vector<16xi32> to vector<1xi32>
        %squeeze3A_672 = vector.extract %slice3A_671[0] : i32 from vector<1xi32>
        %slice3A_673 = vector.extract_strided_slice %get3A_86 {offsets = [10], sizes = [1], strides = [1]} : vector<16xi32> to vector<1xi32>
        %squeeze3A_674 = vector.extract %slice3A_673[0] : i32 from vector<1xi32>
        %slice3A_675 = vector.extract_strided_slice %get3A_90 {offsets = [10], sizes = [1], strides = [1]} : vector<16xi32> to vector<1xi32>
        %squeeze3A_676 = vector.extract %slice3A_675[0] : i32 from vector<1xi32>
        %shift_right_logical3A_677 = arith.constant 1 : i32
        %shift_right_logical3A_678 = arith.shrui %squeeze3A_672, %shift_right_logical3A_677 : i32
        %and3A_679 = arith.constant 1 : i32
        %and3A_680 = arith.andi %squeeze3A_672, %and3A_679 : i32
        %dma_start3A_681 = arith.constant 0 : i32
        %dma_start3A_682 = tpu.memref_slice %arg11[%add3A_670, %dma_start3A_681] : memref<128x64xf32, #tpu.memory_space<vmem>> -> memref<1x64xf32, #tpu.memory_space<vmem>>
        %dma_start3A_683 = tpu.memref_squeeze %dma_start3A_682 : memref<1x64xf32, #tpu.memory_space<vmem>> -> memref<64xf32, #tpu.memory_space<vmem>>
        %dma_start3A_684 = arith.constant 0 : i32
        %dma_start3A_685 = tpu.memref_slice %arg5[%shift_right_logical3A_678, %and3A_680, %dma_start3A_684] : memref<500000x2x64xf32, #tpu.memory_space<hbm>> -> memref<1x1x64xf32, #tpu.memory_space<hbm>>
        %dma_start3A_686 = tpu.memref_squeeze %dma_start3A_685 : memref<1x1x64xf32, #tpu.memory_space<hbm>> -> memref<64xf32, #tpu.memory_space<hbm>>
        %dma_start3A_687 = arith.constant 0 : i32
        %dma_start3A_688 = tpu.memref_slice %arg11[%add3A_670, %dma_start3A_687] : memref<128x64xf32, #tpu.memory_space<vmem>> -> memref<1x64xf32, #tpu.memory_space<vmem>>
        %dma_start3A_689 = tpu.memref_squeeze %dma_start3A_688 : memref<1x64xf32, #tpu.memory_space<vmem>> -> memref<64xf32, #tpu.memory_space<vmem>>
        %dma_start3A_690 = arith.constant 0 : i32
        %dma_start3A_691 = tpu.memref_slice %arg5[%shift_right_logical3A_678, %and3A_680, %dma_start3A_690] : memref<500000x2x64xf32, #tpu.memory_space<hbm>> -> memref<1x1x64xf32, #tpu.memory_space<hbm>>
        %dma_start3A_692 = tpu.memref_squeeze %dma_start3A_691 : memref<1x1x64xf32, #tpu.memory_space<hbm>> -> memref<64xf32, #tpu.memory_space<hbm>>
        tpu.enqueue_dma source(%dma_start3A_692 : memref<64xf32, #tpu.memory_space<hbm>>) target(%dma_start3A_689 : memref<64xf32, #tpu.memory_space<vmem>>) target_semaphore(%arg15 : memref<!tpu.dma_semaphore, #tpu.memory_space<semaphore_mem>>)
        %shift_right_logical3A_693 = arith.constant 1 : i32
        %shift_right_logical3A_694 = arith.shrui %squeeze3A_674, %shift_right_logical3A_693 : i32
        %and3A_695 = arith.constant 1 : i32
        %and3A_696 = arith.andi %squeeze3A_674, %and3A_695 : i32
        %dma_start3A_697 = arith.constant 0 : i32
        %dma_start3A_698 = tpu.memref_slice %arg12[%add3A_670, %dma_start3A_697] : memref<128x64xf32, #tpu.memory_space<vmem>> -> memref<1x64xf32, #tpu.memory_space<vmem>>
        %dma_start3A_699 = tpu.memref_squeeze %dma_start3A_698 : memref<1x64xf32, #tpu.memory_space<vmem>> -> memref<64xf32, #tpu.memory_space<vmem>>
        %dma_start3A_700 = arith.constant 0 : i32
        %dma_start3A_701 = tpu.memref_slice %arg5[%shift_right_logical3A_694, %and3A_696, %dma_start3A_700] : memref<500000x2x64xf32, #tpu.memory_space<hbm>> -> memref<1x1x64xf32, #tpu.memory_space<hbm>>
        %dma_start3A_702 = tpu.memref_squeeze %dma_start3A_701 : memref<1x1x64xf32, #tpu.memory_space<hbm>> -> memref<64xf32, #tpu.memory_space<hbm>>
        %dma_start3A_703 = arith.constant 0 : i32
        %dma_start3A_704 = tpu.memref_slice %arg12[%add3A_670, %dma_start3A_703] : memref<128x64xf32, #tpu.memory_space<vmem>> -> memref<1x64xf32, #tpu.memory_space<vmem>>
        %dma_start3A_705 = tpu.memref_squeeze %dma_start3A_704 : memref<1x64xf32, #tpu.memory_space<vmem>> -> memref<64xf32, #tpu.memory_space<vmem>>
        %dma_start3A_706 = arith.constant 0 : i32
        %dma_start3A_707 = tpu.memref_slice %arg5[%shift_right_logical3A_694, %and3A_696, %dma_start3A_706] : memref<500000x2x64xf32, #tpu.memory_space<hbm>> -> memref<1x1x64xf32, #tpu.memory_space<hbm>>
        %dma_start3A_708 = tpu.memref_squeeze %dma_start3A_707 : memref<1x1x64xf32, #tpu.memory_space<hbm>> -> memref<64xf32, #tpu.memory_space<hbm>>
        tpu.enqueue_dma source(%dma_start3A_708 : memref<64xf32, #tpu.memory_space<hbm>>) target(%dma_start3A_705 : memref<64xf32, #tpu.memory_space<vmem>>) target_semaphore(%arg15 : memref<!tpu.dma_semaphore, #tpu.memory_space<semaphore_mem>>)
        %shift_right_logical3A_709 = arith.constant 1 : i32
        %shift_right_logical3A_710 = arith.shrui %squeeze3A_676, %shift_right_logical3A_709 : i32
        %and3A_711 = arith.constant 1 : i32
        %and3A_712 = arith.andi %squeeze3A_676, %and3A_711 : i32
        %dma_start3A_713 = arith.constant 0 : i32
        %dma_start3A_714 = tpu.memref_slice %arg13[%add3A_670, %dma_start3A_713] : memref<128x64xf32, #tpu.memory_space<vmem>> -> memref<1x64xf32, #tpu.memory_space<vmem>>
        %dma_start3A_715 = tpu.memref_squeeze %dma_start3A_714 : memref<1x64xf32, #tpu.memory_space<vmem>> -> memref<64xf32, #tpu.memory_space<vmem>>
        %dma_start3A_716 = arith.constant 0 : i32
        %dma_start3A_717 = tpu.memref_slice %arg6[%shift_right_logical3A_710, %and3A_712, %dma_start3A_716] : memref<500x2x64xf32, #tpu.memory_space<hbm>> -> memref<1x1x64xf32, #tpu.memory_space<hbm>>
        %dma_start3A_718 = tpu.memref_squeeze %dma_start3A_717 : memref<1x1x64xf32, #tpu.memory_space<hbm>> -> memref<64xf32, #tpu.memory_space<hbm>>
        %dma_start3A_719 = arith.constant 0 : i32
        %dma_start3A_720 = tpu.memref_slice %arg13[%add3A_670, %dma_start3A_719] : memref<128x64xf32, #tpu.memory_space<vmem>> -> memref<1x64xf32, #tpu.memory_space<vmem>>
        %dma_start3A_721 = tpu.memref_squeeze %dma_start3A_720 : memref<1x64xf32, #tpu.memory_space<vmem>> -> memref<64xf32, #tpu.memory_space<vmem>>
        %dma_start3A_722 = arith.constant 0 : i32
        %dma_start3A_723 = tpu.memref_slice %arg6[%shift_right_logical3A_710, %and3A_712, %dma_start3A_722] : memref<500x2x64xf32, #tpu.memory_space<hbm>> -> memref<1x1x64xf32, #tpu.memory_space<hbm>>
        %dma_start3A_724 = tpu.memref_squeeze %dma_start3A_723 : memref<1x1x64xf32, #tpu.memory_space<hbm>> -> memref<64xf32, #tpu.memory_space<hbm>>
        tpu.enqueue_dma source(%dma_start3A_724 : memref<64xf32, #tpu.memory_space<hbm>>) target(%dma_start3A_721 : memref<64xf32, #tpu.memory_space<vmem>>) target_semaphore(%arg15 : memref<!tpu.dma_semaphore, #tpu.memory_space<semaphore_mem>>)
        %mul3A_725 = arith.constant 16 : i32
        %mul3A_726 = arith.muli %mul3A_725, %scan3A_79 : i32
        %add3A_727 = arith.constant 11 : i32
        %add3A_728 = arith.addi %mul3A_726, %add3A_727 : i32
        %slice3A_729 = vector.extract_strided_slice %get3A_82 {offsets = [11], sizes = [1], strides = [1]} : vector<16xi32> to vector<1xi32>
        %squeeze3A_730 = vector.extract %slice3A_729[0] : i32 from vector<1xi32>
        %slice3A_731 = vector.extract_strided_slice %get3A_86 {offsets = [11], sizes = [1], strides = [1]} : vector<16xi32> to vector<1xi32>
        %squeeze3A_732 = vector.extract %slice3A_731[0] : i32 from vector<1xi32>
        %slice3A_733 = vector.extract_strided_slice %get3A_90 {offsets = [11], sizes = [1], strides = [1]} : vector<16xi32> to vector<1xi32>
        %squeeze3A_734 = vector.extract %slice3A_733[0] : i32 from vector<1xi32>
        %shift_right_logical3A_735 = arith.constant 1 : i32
        %shift_right_logical3A_736 = arith.shrui %squeeze3A_730, %shift_right_logical3A_735 : i32
        %and3A_737 = arith.constant 1 : i32
        %and3A_738 = arith.andi %squeeze3A_730, %and3A_737 : i32
        %dma_start3A_739 = arith.constant 0 : i32
        %dma_start3A_740 = tpu.memref_slice %arg11[%add3A_728, %dma_start3A_739] : memref<128x64xf32, #tpu.memory_space<vmem>> -> memref<1x64xf32, #tpu.memory_space<vmem>>
        %dma_start3A_741 = tpu.memref_squeeze %dma_start3A_740 : memref<1x64xf32, #tpu.memory_space<vmem>> -> memref<64xf32, #tpu.memory_space<vmem>>
        %dma_start3A_742 = arith.constant 0 : i32
        %dma_start3A_743 = tpu.memref_slice %arg5[%shift_right_logical3A_736, %and3A_738, %dma_start3A_742] : memref<500000x2x64xf32, #tpu.memory_space<hbm>> -> memref<1x1x64xf32, #tpu.memory_space<hbm>>
        %dma_start3A_744 = tpu.memref_squeeze %dma_start3A_743 : memref<1x1x64xf32, #tpu.memory_space<hbm>> -> memref<64xf32, #tpu.memory_space<hbm>>
        %dma_start3A_745 = arith.constant 0 : i32
        %dma_start3A_746 = tpu.memref_slice %arg11[%add3A_728, %dma_start3A_745] : memref<128x64xf32, #tpu.memory_space<vmem>> -> memref<1x64xf32, #tpu.memory_space<vmem>>
        %dma_start3A_747 = tpu.memref_squeeze %dma_start3A_746 : memref<1x64xf32, #tpu.memory_space<vmem>> -> memref<64xf32, #tpu.memory_space<vmem>>
        %dma_start3A_748 = arith.constant 0 : i32
        %dma_start3A_749 = tpu.memref_slice %arg5[%shift_right_logical3A_736, %and3A_738, %dma_start3A_748] : memref<500000x2x64xf32, #tpu.memory_space<hbm>> -> memref<1x1x64xf32, #tpu.memory_space<hbm>>
        %dma_start3A_750 = tpu.memref_squeeze %dma_start3A_749 : memref<1x1x64xf32, #tpu.memory_space<hbm>> -> memref<64xf32, #tpu.memory_space<hbm>>
        tpu.enqueue_dma source(%dma_start3A_750 : memref<64xf32, #tpu.memory_space<hbm>>) target(%dma_start3A_747 : memref<64xf32, #tpu.memory_space<vmem>>) target_semaphore(%arg15 : memref<!tpu.dma_semaphore, #tpu.memory_space<semaphore_mem>>)
        %shift_right_logical3A_751 = arith.constant 1 : i32
        %shift_right_logical3A_752 = arith.shrui %squeeze3A_732, %shift_right_logical3A_751 : i32
        %and3A_753 = arith.constant 1 : i32
        %and3A_754 = arith.andi %squeeze3A_732, %and3A_753 : i32
        %dma_start3A_755 = arith.constant 0 : i32
        %dma_start3A_756 = tpu.memref_slice %arg12[%add3A_728, %dma_start3A_755] : memref<128x64xf32, #tpu.memory_space<vmem>> -> memref<1x64xf32, #tpu.memory_space<vmem>>
        %dma_start3A_757 = tpu.memref_squeeze %dma_start3A_756 : memref<1x64xf32, #tpu.memory_space<vmem>> -> memref<64xf32, #tpu.memory_space<vmem>>
        %dma_start3A_758 = arith.constant 0 : i32
        %dma_start3A_759 = tpu.memref_slice %arg5[%shift_right_logical3A_752, %and3A_754, %dma_start3A_758] : memref<500000x2x64xf32, #tpu.memory_space<hbm>> -> memref<1x1x64xf32, #tpu.memory_space<hbm>>
        %dma_start3A_760 = tpu.memref_squeeze %dma_start3A_759 : memref<1x1x64xf32, #tpu.memory_space<hbm>> -> memref<64xf32, #tpu.memory_space<hbm>>
        %dma_start3A_761 = arith.constant 0 : i32
        %dma_start3A_762 = tpu.memref_slice %arg12[%add3A_728, %dma_start3A_761] : memref<128x64xf32, #tpu.memory_space<vmem>> -> memref<1x64xf32, #tpu.memory_space<vmem>>
        %dma_start3A_763 = tpu.memref_squeeze %dma_start3A_762 : memref<1x64xf32, #tpu.memory_space<vmem>> -> memref<64xf32, #tpu.memory_space<vmem>>
        %dma_start3A_764 = arith.constant 0 : i32
        %dma_start3A_765 = tpu.memref_slice %arg5[%shift_right_logical3A_752, %and3A_754, %dma_start3A_764] : memref<500000x2x64xf32, #tpu.memory_space<hbm>> -> memref<1x1x64xf32, #tpu.memory_space<hbm>>
        %dma_start3A_766 = tpu.memref_squeeze %dma_start3A_765 : memref<1x1x64xf32, #tpu.memory_space<hbm>> -> memref<64xf32, #tpu.memory_space<hbm>>
        tpu.enqueue_dma source(%dma_start3A_766 : memref<64xf32, #tpu.memory_space<hbm>>) target(%dma_start3A_763 : memref<64xf32, #tpu.memory_space<vmem>>) target_semaphore(%arg15 : memref<!tpu.dma_semaphore, #tpu.memory_space<semaphore_mem>>)
        %shift_right_logical3A_767 = arith.constant 1 : i32
        %shift_right_logical3A_768 = arith.shrui %squeeze3A_734, %shift_right_logical3A_767 : i32
        %and3A_769 = arith.constant 1 : i32
        %and3A_770 = arith.andi %squeeze3A_734, %and3A_769 : i32
        %dma_start3A_771 = arith.constant 0 : i32
        %dma_start3A_772 = tpu.memref_slice %arg13[%add3A_728, %dma_start3A_771] : memref<128x64xf32, #tpu.memory_space<vmem>> -> memref<1x64xf32, #tpu.memory_space<vmem>>
        %dma_start3A_773 = tpu.memref_squeeze %dma_start3A_772 : memref<1x64xf32, #tpu.memory_space<vmem>> -> memref<64xf32, #tpu.memory_space<vmem>>
        %dma_start3A_774 = arith.constant 0 : i32
        %dma_start3A_775 = tpu.memref_slice %arg6[%shift_right_logical3A_768, %and3A_770, %dma_start3A_774] : memref<500x2x64xf32, #tpu.memory_space<hbm>> -> memref<1x1x64xf32, #tpu.memory_space<hbm>>
        %dma_start3A_776 = tpu.memref_squeeze %dma_start3A_775 : memref<1x1x64xf32, #tpu.memory_space<hbm>> -> memref<64xf32, #tpu.memory_space<hbm>>
        %dma_start3A_777 = arith.constant 0 : i32
        %dma_start3A_778 = tpu.memref_slice %arg13[%add3A_728, %dma_start3A_777] : memref<128x64xf32, #tpu.memory_space<vmem>> -> memref<1x64xf32, #tpu.memory_space<vmem>>
        %dma_start3A_779 = tpu.memref_squeeze %dma_start3A_778 : memref<1x64xf32, #tpu.memory_space<vmem>> -> memref<64xf32, #tpu.memory_space<vmem>>
        %dma_start3A_780 = arith.constant 0 : i32
        %dma_start3A_781 = tpu.memref_slice %arg6[%shift_right_logical3A_768, %and3A_770, %dma_start3A_780] : memref<500x2x64xf32, #tpu.memory_space<hbm>> -> memref<1x1x64xf32, #tpu.memory_space<hbm>>
        %dma_start3A_782 = tpu.memref_squeeze %dma_start3A_781 : memref<1x1x64xf32, #tpu.memory_space<hbm>> -> memref<64xf32, #tpu.memory_space<hbm>>
        tpu.enqueue_dma source(%dma_start3A_782 : memref<64xf32, #tpu.memory_space<hbm>>) target(%dma_start3A_779 : memref<64xf32, #tpu.memory_space<vmem>>) target_semaphore(%arg15 : memref<!tpu.dma_semaphore, #tpu.memory_space<semaphore_mem>>)
        %mul3A_783 = arith.constant 16 : i32
        %mul3A_784 = arith.muli %mul3A_783, %scan3A_79 : i32
        %add3A_785 = arith.constant 12 : i32
        %add3A_786 = arith.addi %mul3A_784, %add3A_785 : i32
        %slice3A_787 = vector.extract_strided_slice %get3A_82 {offsets = [12], sizes = [1], strides = [1]} : vector<16xi32> to vector<1xi32>
        %squeeze3A_788 = vector.extract %slice3A_787[0] : i32 from vector<1xi32>
        %slice3A_789 = vector.extract_strided_slice %get3A_86 {offsets = [12], sizes = [1], strides = [1]} : vector<16xi32> to vector<1xi32>
        %squeeze3A_790 = vector.extract %slice3A_789[0] : i32 from vector<1xi32>
        %slice3A_791 = vector.extract_strided_slice %get3A_90 {offsets = [12], sizes = [1], strides = [1]} : vector<16xi32> to vector<1xi32>
        %squeeze3A_792 = vector.extract %slice3A_791[0] : i32 from vector<1xi32>
        %shift_right_logical3A_793 = arith.constant 1 : i32
        %shift_right_logical3A_794 = arith.shrui %squeeze3A_788, %shift_right_logical3A_793 : i32
        %and3A_795 = arith.constant 1 : i32
        %and3A_796 = arith.andi %squeeze3A_788, %and3A_795 : i32
        %dma_start3A_797 = arith.constant 0 : i32
        %dma_start3A_798 = tpu.memref_slice %arg11[%add3A_786, %dma_start3A_797] : memref<128x64xf32, #tpu.memory_space<vmem>> -> memref<1x64xf32, #tpu.memory_space<vmem>>
        %dma_start3A_799 = tpu.memref_squeeze %dma_start3A_798 : memref<1x64xf32, #tpu.memory_space<vmem>> -> memref<64xf32, #tpu.memory_space<vmem>>
        %dma_start3A_800 = arith.constant 0 : i32
        %dma_start3A_801 = tpu.memref_slice %arg5[%shift_right_logical3A_794, %and3A_796, %dma_start3A_800] : memref<500000x2x64xf32, #tpu.memory_space<hbm>> -> memref<1x1x64xf32, #tpu.memory_space<hbm>>
        %dma_start3A_802 = tpu.memref_squeeze %dma_start3A_801 : memref<1x1x64xf32, #tpu.memory_space<hbm>> -> memref<64xf32, #tpu.memory_space<hbm>>
        %dma_start3A_803 = arith.constant 0 : i32
        %dma_start3A_804 = tpu.memref_slice %arg11[%add3A_786, %dma_start3A_803] : memref<128x64xf32, #tpu.memory_space<vmem>> -> memref<1x64xf32, #tpu.memory_space<vmem>>
        %dma_start3A_805 = tpu.memref_squeeze %dma_start3A_804 : memref<1x64xf32, #tpu.memory_space<vmem>> -> memref<64xf32, #tpu.memory_space<vmem>>
        %dma_start3A_806 = arith.constant 0 : i32
        %dma_start3A_807 = tpu.memref_slice %arg5[%shift_right_logical3A_794, %and3A_796, %dma_start3A_806] : memref<500000x2x64xf32, #tpu.memory_space<hbm>> -> memref<1x1x64xf32, #tpu.memory_space<hbm>>
        %dma_start3A_808 = tpu.memref_squeeze %dma_start3A_807 : memref<1x1x64xf32, #tpu.memory_space<hbm>> -> memref<64xf32, #tpu.memory_space<hbm>>
        tpu.enqueue_dma source(%dma_start3A_808 : memref<64xf32, #tpu.memory_space<hbm>>) target(%dma_start3A_805 : memref<64xf32, #tpu.memory_space<vmem>>) target_semaphore(%arg15 : memref<!tpu.dma_semaphore, #tpu.memory_space<semaphore_mem>>)
        %shift_right_logical3A_809 = arith.constant 1 : i32
        %shift_right_logical3A_810 = arith.shrui %squeeze3A_790, %shift_right_logical3A_809 : i32
        %and3A_811 = arith.constant 1 : i32
        %and3A_812 = arith.andi %squeeze3A_790, %and3A_811 : i32
        %dma_start3A_813 = arith.constant 0 : i32
        %dma_start3A_814 = tpu.memref_slice %arg12[%add3A_786, %dma_start3A_813] : memref<128x64xf32, #tpu.memory_space<vmem>> -> memref<1x64xf32, #tpu.memory_space<vmem>>
        %dma_start3A_815 = tpu.memref_squeeze %dma_start3A_814 : memref<1x64xf32, #tpu.memory_space<vmem>> -> memref<64xf32, #tpu.memory_space<vmem>>
        %dma_start3A_816 = arith.constant 0 : i32
        %dma_start3A_817 = tpu.memref_slice %arg5[%shift_right_logical3A_810, %and3A_812, %dma_start3A_816] : memref<500000x2x64xf32, #tpu.memory_space<hbm>> -> memref<1x1x64xf32, #tpu.memory_space<hbm>>
        %dma_start3A_818 = tpu.memref_squeeze %dma_start3A_817 : memref<1x1x64xf32, #tpu.memory_space<hbm>> -> memref<64xf32, #tpu.memory_space<hbm>>
        %dma_start3A_819 = arith.constant 0 : i32
        %dma_start3A_820 = tpu.memref_slice %arg12[%add3A_786, %dma_start3A_819] : memref<128x64xf32, #tpu.memory_space<vmem>> -> memref<1x64xf32, #tpu.memory_space<vmem>>
        %dma_start3A_821 = tpu.memref_squeeze %dma_start3A_820 : memref<1x64xf32, #tpu.memory_space<vmem>> -> memref<64xf32, #tpu.memory_space<vmem>>
        %dma_start3A_822 = arith.constant 0 : i32
        %dma_start3A_823 = tpu.memref_slice %arg5[%shift_right_logical3A_810, %and3A_812, %dma_start3A_822] : memref<500000x2x64xf32, #tpu.memory_space<hbm>> -> memref<1x1x64xf32, #tpu.memory_space<hbm>>
        %dma_start3A_824 = tpu.memref_squeeze %dma_start3A_823 : memref<1x1x64xf32, #tpu.memory_space<hbm>> -> memref<64xf32, #tpu.memory_space<hbm>>
        tpu.enqueue_dma source(%dma_start3A_824 : memref<64xf32, #tpu.memory_space<hbm>>) target(%dma_start3A_821 : memref<64xf32, #tpu.memory_space<vmem>>) target_semaphore(%arg15 : memref<!tpu.dma_semaphore, #tpu.memory_space<semaphore_mem>>)
        %shift_right_logical3A_825 = arith.constant 1 : i32
        %shift_right_logical3A_826 = arith.shrui %squeeze3A_792, %shift_right_logical3A_825 : i32
        %and3A_827 = arith.constant 1 : i32
        %and3A_828 = arith.andi %squeeze3A_792, %and3A_827 : i32
        %dma_start3A_829 = arith.constant 0 : i32
        %dma_start3A_830 = tpu.memref_slice %arg13[%add3A_786, %dma_start3A_829] : memref<128x64xf32, #tpu.memory_space<vmem>> -> memref<1x64xf32, #tpu.memory_space<vmem>>
        %dma_start3A_831 = tpu.memref_squeeze %dma_start3A_830 : memref<1x64xf32, #tpu.memory_space<vmem>> -> memref<64xf32, #tpu.memory_space<vmem>>
        %dma_start3A_832 = arith.constant 0 : i32
        %dma_start3A_833 = tpu.memref_slice %arg6[%shift_right_logical3A_826, %and3A_828, %dma_start3A_832] : memref<500x2x64xf32, #tpu.memory_space<hbm>> -> memref<1x1x64xf32, #tpu.memory_space<hbm>>
        %dma_start3A_834 = tpu.memref_squeeze %dma_start3A_833 : memref<1x1x64xf32, #tpu.memory_space<hbm>> -> memref<64xf32, #tpu.memory_space<hbm>>
        %dma_start3A_835 = arith.constant 0 : i32
        %dma_start3A_836 = tpu.memref_slice %arg13[%add3A_786, %dma_start3A_835] : memref<128x64xf32, #tpu.memory_space<vmem>> -> memref<1x64xf32, #tpu.memory_space<vmem>>
        %dma_start3A_837 = tpu.memref_squeeze %dma_start3A_836 : memref<1x64xf32, #tpu.memory_space<vmem>> -> memref<64xf32, #tpu.memory_space<vmem>>
        %dma_start3A_838 = arith.constant 0 : i32
        %dma_start3A_839 = tpu.memref_slice %arg6[%shift_right_logical3A_826, %and3A_828, %dma_start3A_838] : memref<500x2x64xf32, #tpu.memory_space<hbm>> -> memref<1x1x64xf32, #tpu.memory_space<hbm>>
        %dma_start3A_840 = tpu.memref_squeeze %dma_start3A_839 : memref<1x1x64xf32, #tpu.memory_space<hbm>> -> memref<64xf32, #tpu.memory_space<hbm>>
        tpu.enqueue_dma source(%dma_start3A_840 : memref<64xf32, #tpu.memory_space<hbm>>) target(%dma_start3A_837 : memref<64xf32, #tpu.memory_space<vmem>>) target_semaphore(%arg15 : memref<!tpu.dma_semaphore, #tpu.memory_space<semaphore_mem>>)
        %mul3A_841 = arith.constant 16 : i32
        %mul3A_842 = arith.muli %mul3A_841, %scan3A_79 : i32
        %add3A_843 = arith.constant 13 : i32
        %add3A_844 = arith.addi %mul3A_842, %add3A_843 : i32
        %slice3A_845 = vector.extract_strided_slice %get3A_82 {offsets = [13], sizes = [1], strides = [1]} : vector<16xi32> to vector<1xi32>
        %squeeze3A_846 = vector.extract %slice3A_845[0] : i32 from vector<1xi32>
        %slice3A_847 = vector.extract_strided_slice %get3A_86 {offsets = [13], sizes = [1], strides = [1]} : vector<16xi32> to vector<1xi32>
        %squeeze3A_848 = vector.extract %slice3A_847[0] : i32 from vector<1xi32>
        %slice3A_849 = vector.extract_strided_slice %get3A_90 {offsets = [13], sizes = [1], strides = [1]} : vector<16xi32> to vector<1xi32>
        %squeeze3A_850 = vector.extract %slice3A_849[0] : i32 from vector<1xi32>
        %shift_right_logical3A_851 = arith.constant 1 : i32
        %shift_right_logical3A_852 = arith.shrui %squeeze3A_846, %shift_right_logical3A_851 : i32
        %and3A_853 = arith.constant 1 : i32
        %and3A_854 = arith.andi %squeeze3A_846, %and3A_853 : i32
        %dma_start3A_855 = arith.constant 0 : i32
        %dma_start3A_856 = tpu.memref_slice %arg11[%add3A_844, %dma_start3A_855] : memref<128x64xf32, #tpu.memory_space<vmem>> -> memref<1x64xf32, #tpu.memory_space<vmem>>
        %dma_start3A_857 = tpu.memref_squeeze %dma_start3A_856 : memref<1x64xf32, #tpu.memory_space<vmem>> -> memref<64xf32, #tpu.memory_space<vmem>>
        %dma_start3A_858 = arith.constant 0 : i32
        %dma_start3A_859 = tpu.memref_slice %arg5[%shift_right_logical3A_852, %and3A_854, %dma_start3A_858] : memref<500000x2x64xf32, #tpu.memory_space<hbm>> -> memref<1x1x64xf32, #tpu.memory_space<hbm>>
        %dma_start3A_860 = tpu.memref_squeeze %dma_start3A_859 : memref<1x1x64xf32, #tpu.memory_space<hbm>> -> memref<64xf32, #tpu.memory_space<hbm>>
        %dma_start3A_861 = arith.constant 0 : i32
        %dma_start3A_862 = tpu.memref_slice %arg11[%add3A_844, %dma_start3A_861] : memref<128x64xf32, #tpu.memory_space<vmem>> -> memref<1x64xf32, #tpu.memory_space<vmem>>
        %dma_start3A_863 = tpu.memref_squeeze %dma_start3A_862 : memref<1x64xf32, #tpu.memory_space<vmem>> -> memref<64xf32, #tpu.memory_space<vmem>>
        %dma_start3A_864 = arith.constant 0 : i32
        %dma_start3A_865 = tpu.memref_slice %arg5[%shift_right_logical3A_852, %and3A_854, %dma_start3A_864] : memref<500000x2x64xf32, #tpu.memory_space<hbm>> -> memref<1x1x64xf32, #tpu.memory_space<hbm>>
        %dma_start3A_866 = tpu.memref_squeeze %dma_start3A_865 : memref<1x1x64xf32, #tpu.memory_space<hbm>> -> memref<64xf32, #tpu.memory_space<hbm>>
        tpu.enqueue_dma source(%dma_start3A_866 : memref<64xf32, #tpu.memory_space<hbm>>) target(%dma_start3A_863 : memref<64xf32, #tpu.memory_space<vmem>>) target_semaphore(%arg15 : memref<!tpu.dma_semaphore, #tpu.memory_space<semaphore_mem>>)
        %shift_right_logical3A_867 = arith.constant 1 : i32
        %shift_right_logical3A_868 = arith.shrui %squeeze3A_848, %shift_right_logical3A_867 : i32
        %and3A_869 = arith.constant 1 : i32
        %and3A_870 = arith.andi %squeeze3A_848, %and3A_869 : i32
        %dma_start3A_871 = arith.constant 0 : i32
        %dma_start3A_872 = tpu.memref_slice %arg12[%add3A_844, %dma_start3A_871] : memref<128x64xf32, #tpu.memory_space<vmem>> -> memref<1x64xf32, #tpu.memory_space<vmem>>
        %dma_start3A_873 = tpu.memref_squeeze %dma_start3A_872 : memref<1x64xf32, #tpu.memory_space<vmem>> -> memref<64xf32, #tpu.memory_space<vmem>>
        %dma_start3A_874 = arith.constant 0 : i32
        %dma_start3A_875 = tpu.memref_slice %arg5[%shift_right_logical3A_868, %and3A_870, %dma_start3A_874] : memref<500000x2x64xf32, #tpu.memory_space<hbm>> -> memref<1x1x64xf32, #tpu.memory_space<hbm>>
        %dma_start3A_876 = tpu.memref_squeeze %dma_start3A_875 : memref<1x1x64xf32, #tpu.memory_space<hbm>> -> memref<64xf32, #tpu.memory_space<hbm>>
        %dma_start3A_877 = arith.constant 0 : i32
        %dma_start3A_878 = tpu.memref_slice %arg12[%add3A_844, %dma_start3A_877] : memref<128x64xf32, #tpu.memory_space<vmem>> -> memref<1x64xf32, #tpu.memory_space<vmem>>
        %dma_start3A_879 = tpu.memref_squeeze %dma_start3A_878 : memref<1x64xf32, #tpu.memory_space<vmem>> -> memref<64xf32, #tpu.memory_space<vmem>>
        %dma_start3A_880 = arith.constant 0 : i32
        %dma_start3A_881 = tpu.memref_slice %arg5[%shift_right_logical3A_868, %and3A_870, %dma_start3A_880] : memref<500000x2x64xf32, #tpu.memory_space<hbm>> -> memref<1x1x64xf32, #tpu.memory_space<hbm>>
        %dma_start3A_882 = tpu.memref_squeeze %dma_start3A_881 : memref<1x1x64xf32, #tpu.memory_space<hbm>> -> memref<64xf32, #tpu.memory_space<hbm>>
        tpu.enqueue_dma source(%dma_start3A_882 : memref<64xf32, #tpu.memory_space<hbm>>) target(%dma_start3A_879 : memref<64xf32, #tpu.memory_space<vmem>>) target_semaphore(%arg15 : memref<!tpu.dma_semaphore, #tpu.memory_space<semaphore_mem>>)
        %shift_right_logical3A_883 = arith.constant 1 : i32
        %shift_right_logical3A_884 = arith.shrui %squeeze3A_850, %shift_right_logical3A_883 : i32
        %and3A_885 = arith.constant 1 : i32
        %and3A_886 = arith.andi %squeeze3A_850, %and3A_885 : i32
        %dma_start3A_887 = arith.constant 0 : i32
        %dma_start3A_888 = tpu.memref_slice %arg13[%add3A_844, %dma_start3A_887] : memref<128x64xf32, #tpu.memory_space<vmem>> -> memref<1x64xf32, #tpu.memory_space<vmem>>
        %dma_start3A_889 = tpu.memref_squeeze %dma_start3A_888 : memref<1x64xf32, #tpu.memory_space<vmem>> -> memref<64xf32, #tpu.memory_space<vmem>>
        %dma_start3A_890 = arith.constant 0 : i32
        %dma_start3A_891 = tpu.memref_slice %arg6[%shift_right_logical3A_884, %and3A_886, %dma_start3A_890] : memref<500x2x64xf32, #tpu.memory_space<hbm>> -> memref<1x1x64xf32, #tpu.memory_space<hbm>>
        %dma_start3A_892 = tpu.memref_squeeze %dma_start3A_891 : memref<1x1x64xf32, #tpu.memory_space<hbm>> -> memref<64xf32, #tpu.memory_space<hbm>>
        %dma_start3A_893 = arith.constant 0 : i32
        %dma_start3A_894 = tpu.memref_slice %arg13[%add3A_844, %dma_start3A_893] : memref<128x64xf32, #tpu.memory_space<vmem>> -> memref<1x64xf32, #tpu.memory_space<vmem>>
        %dma_start3A_895 = tpu.memref_squeeze %dma_start3A_894 : memref<1x64xf32, #tpu.memory_space<vmem>> -> memref<64xf32, #tpu.memory_space<vmem>>
        %dma_start3A_896 = arith.constant 0 : i32
        %dma_start3A_897 = tpu.memref_slice %arg6[%shift_right_logical3A_884, %and3A_886, %dma_start3A_896] : memref<500x2x64xf32, #tpu.memory_space<hbm>> -> memref<1x1x64xf32, #tpu.memory_space<hbm>>
        %dma_start3A_898 = tpu.memref_squeeze %dma_start3A_897 : memref<1x1x64xf32, #tpu.memory_space<hbm>> -> memref<64xf32, #tpu.memory_space<hbm>>
        tpu.enqueue_dma source(%dma_start3A_898 : memref<64xf32, #tpu.memory_space<hbm>>) target(%dma_start3A_895 : memref<64xf32, #tpu.memory_space<vmem>>) target_semaphore(%arg15 : memref<!tpu.dma_semaphore, #tpu.memory_space<semaphore_mem>>)
        %mul3A_899 = arith.constant 16 : i32
        %mul3A_900 = arith.muli %mul3A_899, %scan3A_79 : i32
        %add3A_901 = arith.constant 14 : i32
        %add3A_902 = arith.addi %mul3A_900, %add3A_901 : i32
        %slice3A_903 = vector.extract_strided_slice %get3A_82 {offsets = [14], sizes = [1], strides = [1]} : vector<16xi32> to vector<1xi32>
        %squeeze3A_904 = vector.extract %slice3A_903[0] : i32 from vector<1xi32>
        %slice3A_905 = vector.extract_strided_slice %get3A_86 {offsets = [14], sizes = [1], strides = [1]} : vector<16xi32> to vector<1xi32>
        %squeeze3A_906 = vector.extract %slice3A_905[0] : i32 from vector<1xi32>
        %slice3A_907 = vector.extract_strided_slice %get3A_90 {offsets = [14], sizes = [1], strides = [1]} : vector<16xi32> to vector<1xi32>
        %squeeze3A_908 = vector.extract %slice3A_907[0] : i32 from vector<1xi32>
        %shift_right_logical3A_909 = arith.constant 1 : i32
        %shift_right_logical3A_910 = arith.shrui %squeeze3A_904, %shift_right_logical3A_909 : i32
        %and3A_911 = arith.constant 1 : i32
        %and3A_912 = arith.andi %squeeze3A_904, %and3A_911 : i32
        %dma_start3A_913 = arith.constant 0 : i32
        %dma_start3A_914 = tpu.memref_slice %arg11[%add3A_902, %dma_start3A_913] : memref<128x64xf32, #tpu.memory_space<vmem>> -> memref<1x64xf32, #tpu.memory_space<vmem>>
        %dma_start3A_915 = tpu.memref_squeeze %dma_start3A_914 : memref<1x64xf32, #tpu.memory_space<vmem>> -> memref<64xf32, #tpu.memory_space<vmem>>
        %dma_start3A_916 = arith.constant 0 : i32
        %dma_start3A_917 = tpu.memref_slice %arg5[%shift_right_logical3A_910, %and3A_912, %dma_start3A_916] : memref<500000x2x64xf32, #tpu.memory_space<hbm>> -> memref<1x1x64xf32, #tpu.memory_space<hbm>>
        %dma_start3A_918 = tpu.memref_squeeze %dma_start3A_917 : memref<1x1x64xf32, #tpu.memory_space<hbm>> -> memref<64xf32, #tpu.memory_space<hbm>>
        %dma_start3A_919 = arith.constant 0 : i32
        %dma_start3A_920 = tpu.memref_slice %arg11[%add3A_902, %dma_start3A_919] : memref<128x64xf32, #tpu.memory_space<vmem>> -> memref<1x64xf32, #tpu.memory_space<vmem>>
        %dma_start3A_921 = tpu.memref_squeeze %dma_start3A_920 : memref<1x64xf32, #tpu.memory_space<vmem>> -> memref<64xf32, #tpu.memory_space<vmem>>
        %dma_start3A_922 = arith.constant 0 : i32
        %dma_start3A_923 = tpu.memref_slice %arg5[%shift_right_logical3A_910, %and3A_912, %dma_start3A_922] : memref<500000x2x64xf32, #tpu.memory_space<hbm>> -> memref<1x1x64xf32, #tpu.memory_space<hbm>>
        %dma_start3A_924 = tpu.memref_squeeze %dma_start3A_923 : memref<1x1x64xf32, #tpu.memory_space<hbm>> -> memref<64xf32, #tpu.memory_space<hbm>>
        tpu.enqueue_dma source(%dma_start3A_924 : memref<64xf32, #tpu.memory_space<hbm>>) target(%dma_start3A_921 : memref<64xf32, #tpu.memory_space<vmem>>) target_semaphore(%arg15 : memref<!tpu.dma_semaphore, #tpu.memory_space<semaphore_mem>>)
        %shift_right_logical3A_925 = arith.constant 1 : i32
        %shift_right_logical3A_926 = arith.shrui %squeeze3A_906, %shift_right_logical3A_925 : i32
        %and3A_927 = arith.constant 1 : i32
        %and3A_928 = arith.andi %squeeze3A_906, %and3A_927 : i32
        %dma_start3A_929 = arith.constant 0 : i32
        %dma_start3A_930 = tpu.memref_slice %arg12[%add3A_902, %dma_start3A_929] : memref<128x64xf32, #tpu.memory_space<vmem>> -> memref<1x64xf32, #tpu.memory_space<vmem>>
        %dma_start3A_931 = tpu.memref_squeeze %dma_start3A_930 : memref<1x64xf32, #tpu.memory_space<vmem>> -> memref<64xf32, #tpu.memory_space<vmem>>
        %dma_start3A_932 = arith.constant 0 : i32
        %dma_start3A_933 = tpu.memref_slice %arg5[%shift_right_logical3A_926, %and3A_928, %dma_start3A_932] : memref<500000x2x64xf32, #tpu.memory_space<hbm>> -> memref<1x1x64xf32, #tpu.memory_space<hbm>>
        %dma_start3A_934 = tpu.memref_squeeze %dma_start3A_933 : memref<1x1x64xf32, #tpu.memory_space<hbm>> -> memref<64xf32, #tpu.memory_space<hbm>>
        %dma_start3A_935 = arith.constant 0 : i32
        %dma_start3A_936 = tpu.memref_slice %arg12[%add3A_902, %dma_start3A_935] : memref<128x64xf32, #tpu.memory_space<vmem>> -> memref<1x64xf32, #tpu.memory_space<vmem>>
        %dma_start3A_937 = tpu.memref_squeeze %dma_start3A_936 : memref<1x64xf32, #tpu.memory_space<vmem>> -> memref<64xf32, #tpu.memory_space<vmem>>
        %dma_start3A_938 = arith.constant 0 : i32
        %dma_start3A_939 = tpu.memref_slice %arg5[%shift_right_logical3A_926, %and3A_928, %dma_start3A_938] : memref<500000x2x64xf32, #tpu.memory_space<hbm>> -> memref<1x1x64xf32, #tpu.memory_space<hbm>>
        %dma_start3A_940 = tpu.memref_squeeze %dma_start3A_939 : memref<1x1x64xf32, #tpu.memory_space<hbm>> -> memref<64xf32, #tpu.memory_space<hbm>>
        tpu.enqueue_dma source(%dma_start3A_940 : memref<64xf32, #tpu.memory_space<hbm>>) target(%dma_start3A_937 : memref<64xf32, #tpu.memory_space<vmem>>) target_semaphore(%arg15 : memref<!tpu.dma_semaphore, #tpu.memory_space<semaphore_mem>>)
        %shift_right_logical3A_941 = arith.constant 1 : i32
        %shift_right_logical3A_942 = arith.shrui %squeeze3A_908, %shift_right_logical3A_941 : i32
        %and3A_943 = arith.constant 1 : i32
        %and3A_944 = arith.andi %squeeze3A_908, %and3A_943 : i32
        %dma_start3A_945 = arith.constant 0 : i32
        %dma_start3A_946 = tpu.memref_slice %arg13[%add3A_902, %dma_start3A_945] : memref<128x64xf32, #tpu.memory_space<vmem>> -> memref<1x64xf32, #tpu.memory_space<vmem>>
        %dma_start3A_947 = tpu.memref_squeeze %dma_start3A_946 : memref<1x64xf32, #tpu.memory_space<vmem>> -> memref<64xf32, #tpu.memory_space<vmem>>
        %dma_start3A_948 = arith.constant 0 : i32
        %dma_start3A_949 = tpu.memref_slice %arg6[%shift_right_logical3A_942, %and3A_944, %dma_start3A_948] : memref<500x2x64xf32, #tpu.memory_space<hbm>> -> memref<1x1x64xf32, #tpu.memory_space<hbm>>
        %dma_start3A_950 = tpu.memref_squeeze %dma_start3A_949 : memref<1x1x64xf32, #tpu.memory_space<hbm>> -> memref<64xf32, #tpu.memory_space<hbm>>
        %dma_start3A_951 = arith.constant 0 : i32
        %dma_start3A_952 = tpu.memref_slice %arg13[%add3A_902, %dma_start3A_951] : memref<128x64xf32, #tpu.memory_space<vmem>> -> memref<1x64xf32, #tpu.memory_space<vmem>>
        %dma_start3A_953 = tpu.memref_squeeze %dma_start3A_952 : memref<1x64xf32, #tpu.memory_space<vmem>> -> memref<64xf32, #tpu.memory_space<vmem>>
        %dma_start3A_954 = arith.constant 0 : i32
        %dma_start3A_955 = tpu.memref_slice %arg6[%shift_right_logical3A_942, %and3A_944, %dma_start3A_954] : memref<500x2x64xf32, #tpu.memory_space<hbm>> -> memref<1x1x64xf32, #tpu.memory_space<hbm>>
        %dma_start3A_956 = tpu.memref_squeeze %dma_start3A_955 : memref<1x1x64xf32, #tpu.memory_space<hbm>> -> memref<64xf32, #tpu.memory_space<hbm>>
        tpu.enqueue_dma source(%dma_start3A_956 : memref<64xf32, #tpu.memory_space<hbm>>) target(%dma_start3A_953 : memref<64xf32, #tpu.memory_space<vmem>>) target_semaphore(%arg15 : memref<!tpu.dma_semaphore, #tpu.memory_space<semaphore_mem>>)
        %mul3A_957 = arith.constant 16 : i32
        %mul3A_958 = arith.muli %mul3A_957, %scan3A_79 : i32
        %add3A_959 = arith.constant 15 : i32
        %add3A_960 = arith.addi %mul3A_958, %add3A_959 : i32
        %slice3A_961 = vector.extract_strided_slice %get3A_82 {offsets = [15], sizes = [1], strides = [1]} : vector<16xi32> to vector<1xi32>
        %squeeze3A_962 = vector.extract %slice3A_961[0] : i32 from vector<1xi32>
        %slice3A_963 = vector.extract_strided_slice %get3A_86 {offsets = [15], sizes = [1], strides = [1]} : vector<16xi32> to vector<1xi32>
        %squeeze3A_964 = vector.extract %slice3A_963[0] : i32 from vector<1xi32>
        %slice3A_965 = vector.extract_strided_slice %get3A_90 {offsets = [15], sizes = [1], strides = [1]} : vector<16xi32> to vector<1xi32>
        %squeeze3A_966 = vector.extract %slice3A_965[0] : i32 from vector<1xi32>
        %shift_right_logical3A_967 = arith.constant 1 : i32
        %shift_right_logical3A_968 = arith.shrui %squeeze3A_962, %shift_right_logical3A_967 : i32
        %and3A_969 = arith.constant 1 : i32
        %and3A_970 = arith.andi %squeeze3A_962, %and3A_969 : i32
        %dma_start3A_971 = arith.constant 0 : i32
        %dma_start3A_972 = tpu.memref_slice %arg11[%add3A_960, %dma_start3A_971] : memref<128x64xf32, #tpu.memory_space<vmem>> -> memref<1x64xf32, #tpu.memory_space<vmem>>
        %dma_start3A_973 = tpu.memref_squeeze %dma_start3A_972 : memref<1x64xf32, #tpu.memory_space<vmem>> -> memref<64xf32, #tpu.memory_space<vmem>>
        %dma_start3A_974 = arith.constant 0 : i32
        %dma_start3A_975 = tpu.memref_slice %arg5[%shift_right_logical3A_968, %and3A_970, %dma_start3A_974] : memref<500000x2x64xf32, #tpu.memory_space<hbm>> -> memref<1x1x64xf32, #tpu.memory_space<hbm>>
        %dma_start3A_976 = tpu.memref_squeeze %dma_start3A_975 : memref<1x1x64xf32, #tpu.memory_space<hbm>> -> memref<64xf32, #tpu.memory_space<hbm>>
        %dma_start3A_977 = arith.constant 0 : i32
        %dma_start3A_978 = tpu.memref_slice %arg11[%add3A_960, %dma_start3A_977] : memref<128x64xf32, #tpu.memory_space<vmem>> -> memref<1x64xf32, #tpu.memory_space<vmem>>
        %dma_start3A_979 = tpu.memref_squeeze %dma_start3A_978 : memref<1x64xf32, #tpu.memory_space<vmem>> -> memref<64xf32, #tpu.memory_space<vmem>>
        %dma_start3A_980 = arith.constant 0 : i32
        %dma_start3A_981 = tpu.memref_slice %arg5[%shift_right_logical3A_968, %and3A_970, %dma_start3A_980] : memref<500000x2x64xf32, #tpu.memory_space<hbm>> -> memref<1x1x64xf32, #tpu.memory_space<hbm>>
        %dma_start3A_982 = tpu.memref_squeeze %dma_start3A_981 : memref<1x1x64xf32, #tpu.memory_space<hbm>> -> memref<64xf32, #tpu.memory_space<hbm>>
        tpu.enqueue_dma source(%dma_start3A_982 : memref<64xf32, #tpu.memory_space<hbm>>) target(%dma_start3A_979 : memref<64xf32, #tpu.memory_space<vmem>>) target_semaphore(%arg15 : memref<!tpu.dma_semaphore, #tpu.memory_space<semaphore_mem>>)
        %shift_right_logical3A_983 = arith.constant 1 : i32
        %shift_right_logical3A_984 = arith.shrui %squeeze3A_964, %shift_right_logical3A_983 : i32
        %and3A_985 = arith.constant 1 : i32
        %and3A_986 = arith.andi %squeeze3A_964, %and3A_985 : i32
        %dma_start3A_987 = arith.constant 0 : i32
        %dma_start3A_988 = tpu.memref_slice %arg12[%add3A_960, %dma_start3A_987] : memref<128x64xf32, #tpu.memory_space<vmem>> -> memref<1x64xf32, #tpu.memory_space<vmem>>
        %dma_start3A_989 = tpu.memref_squeeze %dma_start3A_988 : memref<1x64xf32, #tpu.memory_space<vmem>> -> memref<64xf32, #tpu.memory_space<vmem>>
        %dma_start3A_990 = arith.constant 0 : i32
        %dma_start3A_991 = tpu.memref_slice %arg5[%shift_right_logical3A_984, %and3A_986, %dma_start3A_990] : memref<500000x2x64xf32, #tpu.memory_space<hbm>> -> memref<1x1x64xf32, #tpu.memory_space<hbm>>
        %dma_start3A_992 = tpu.memref_squeeze %dma_start3A_991 : memref<1x1x64xf32, #tpu.memory_space<hbm>> -> memref<64xf32, #tpu.memory_space<hbm>>
        %dma_start3A_993 = arith.constant 0 : i32
        %dma_start3A_994 = tpu.memref_slice %arg12[%add3A_960, %dma_start3A_993] : memref<128x64xf32, #tpu.memory_space<vmem>> -> memref<1x64xf32, #tpu.memory_space<vmem>>
        %dma_start3A_995 = tpu.memref_squeeze %dma_start3A_994 : memref<1x64xf32, #tpu.memory_space<vmem>> -> memref<64xf32, #tpu.memory_space<vmem>>
        %dma_start3A_996 = arith.constant 0 : i32
        %dma_start3A_997 = tpu.memref_slice %arg5[%shift_right_logical3A_984, %and3A_986, %dma_start3A_996] : memref<500000x2x64xf32, #tpu.memory_space<hbm>> -> memref<1x1x64xf32, #tpu.memory_space<hbm>>
        %dma_start3A_998 = tpu.memref_squeeze %dma_start3A_997 : memref<1x1x64xf32, #tpu.memory_space<hbm>> -> memref<64xf32, #tpu.memory_space<hbm>>
        tpu.enqueue_dma source(%dma_start3A_998 : memref<64xf32, #tpu.memory_space<hbm>>) target(%dma_start3A_995 : memref<64xf32, #tpu.memory_space<vmem>>) target_semaphore(%arg15 : memref<!tpu.dma_semaphore, #tpu.memory_space<semaphore_mem>>)
        %shift_right_logical3A_999 = arith.constant 1 : i32
        %shift_right_logical3A_1000 = arith.shrui %squeeze3A_966, %shift_right_logical3A_999 : i32
        %and3A_1001 = arith.constant 1 : i32
        %and3A_1002 = arith.andi %squeeze3A_966, %and3A_1001 : i32
        %dma_start3A_1003 = arith.constant 0 : i32
        %dma_start3A_1004 = tpu.memref_slice %arg13[%add3A_960, %dma_start3A_1003] : memref<128x64xf32, #tpu.memory_space<vmem>> -> memref<1x64xf32, #tpu.memory_space<vmem>>
        %dma_start3A_1005 = tpu.memref_squeeze %dma_start3A_1004 : memref<1x64xf32, #tpu.memory_space<vmem>> -> memref<64xf32, #tpu.memory_space<vmem>>
        %dma_start3A_1006 = arith.constant 0 : i32
        %dma_start3A_1007 = tpu.memref_slice %arg6[%shift_right_logical3A_1000, %and3A_1002, %dma_start3A_1006] : memref<500x2x64xf32, #tpu.memory_space<hbm>> -> memref<1x1x64xf32, #tpu.memory_space<hbm>>
        %dma_start3A_1008 = tpu.memref_squeeze %dma_start3A_1007 : memref<1x1x64xf32, #tpu.memory_space<hbm>> -> memref<64xf32, #tpu.memory_space<hbm>>
        %dma_start3A_1009 = arith.constant 0 : i32
        %dma_start3A_1010 = tpu.memref_slice %arg13[%add3A_960, %dma_start3A_1009] : memref<128x64xf32, #tpu.memory_space<vmem>> -> memref<1x64xf32, #tpu.memory_space<vmem>>
        %dma_start3A_1011 = tpu.memref_squeeze %dma_start3A_1010 : memref<1x64xf32, #tpu.memory_space<vmem>> -> memref<64xf32, #tpu.memory_space<vmem>>
        %dma_start3A_1012 = arith.constant 0 : i32
        %dma_start3A_1013 = tpu.memref_slice %arg6[%shift_right_logical3A_1000, %and3A_1002, %dma_start3A_1012] : memref<500x2x64xf32, #tpu.memory_space<hbm>> -> memref<1x1x64xf32, #tpu.memory_space<hbm>>
        %dma_start3A_1014 = tpu.memref_squeeze %dma_start3A_1013 : memref<1x1x64xf32, #tpu.memory_space<hbm>> -> memref<64xf32, #tpu.memory_space<hbm>>
        tpu.enqueue_dma source(%dma_start3A_1014 : memref<64xf32, #tpu.memory_space<hbm>>) target(%dma_start3A_1011 : memref<64xf32, #tpu.memory_space<vmem>>) target_semaphore(%arg15 : memref<!tpu.dma_semaphore, #tpu.memory_space<semaphore_mem>>)
      }
      %scan3A_43 = arith.constant 8 : i32
      %dma_wait3A = tpu.memref_reshape %arg11 : memref<128x64xf32, #tpu.memory_space<vmem>> -> memref<64x2x64xf32, #tpu.memory_space<vmem>>
      %dma_wait3A_44 = arith.constant 0 : i32
      %dma_wait3A_45 = arith.constant 0 : i32
      %dma_wait3A_46 = arith.constant 0 : i32
      %dma_wait3A_47 = tpu.memref_slice %arg5[%dma_wait3A_44, %dma_wait3A_45, %dma_wait3A_46] : memref<500000x2x64xf32, #tpu.memory_space<hbm>> -> memref<64x2x64xf32, #tpu.memory_space<hbm>>
      %dma_wait3A_48 = tpu.memref_reshape %arg11 : memref<128x64xf32, #tpu.memory_space<vmem>> -> memref<64x2x64xf32, #tpu.memory_space<vmem>>
      %dma_wait3A_49 = arith.constant 0 : i32
      %dma_wait3A_50 = arith.constant 0 : i32
      %dma_wait3A_51 = arith.constant 0 : i32
      %dma_wait3A_52 = tpu.memref_slice %arg5[%dma_wait3A_49, %dma_wait3A_50, %dma_wait3A_51] : memref<500000x2x64xf32, #tpu.memory_space<hbm>> -> memref<64x2x64xf32, #tpu.memory_space<hbm>>
      tpu.wait_dma2 semaphore(%arg15 : memref<!tpu.dma_semaphore, #tpu.memory_space<semaphore_mem>>) src(%dma_wait3A_52 : memref<64x2x64xf32, #tpu.memory_space<hbm>>) dst(%dma_wait3A_48 : memref<64x2x64xf32, #tpu.memory_space<vmem>>)
      %dma_wait3A_53 = tpu.memref_reshape %arg12 : memref<128x64xf32, #tpu.memory_space<vmem>> -> memref<64x2x64xf32, #tpu.memory_space<vmem>>
      %dma_wait3A_54 = arith.constant 0 : i32
      %dma_wait3A_55 = arith.constant 0 : i32
      %dma_wait3A_56 = arith.constant 0 : i32
      %dma_wait3A_57 = tpu.memref_slice %arg5[%dma_wait3A_54, %dma_wait3A_55, %dma_wait3A_56] : memref<500000x2x64xf32, #tpu.memory_space<hbm>> -> memref<64x2x64xf32, #tpu.memory_space<hbm>>
      %dma_wait3A_58 = tpu.memref_reshape %arg12 : memref<128x64xf32, #tpu.memory_space<vmem>> -> memref<64x2x64xf32, #tpu.memory_space<vmem>>
      %dma_wait3A_59 = arith.constant 0 : i32
      %dma_wait3A_60 = arith.constant 0 : i32
      %dma_wait3A_61 = arith.constant 0 : i32
      %dma_wait3A_62 = tpu.memref_slice %arg5[%dma_wait3A_59, %dma_wait3A_60, %dma_wait3A_61] : memref<500000x2x64xf32, #tpu.memory_space<hbm>> -> memref<64x2x64xf32, #tpu.memory_space<hbm>>
      tpu.wait_dma2 semaphore(%arg15 : memref<!tpu.dma_semaphore, #tpu.memory_space<semaphore_mem>>) src(%dma_wait3A_62 : memref<64x2x64xf32, #tpu.memory_space<hbm>>) dst(%dma_wait3A_58 : memref<64x2x64xf32, #tpu.memory_space<vmem>>)
      %dma_wait3A_63 = tpu.memref_reshape %arg13 : memref<128x64xf32, #tpu.memory_space<vmem>> -> memref<64x2x64xf32, #tpu.memory_space<vmem>>
      %dma_wait3A_64 = arith.constant 0 : i32
      %dma_wait3A_65 = arith.constant 0 : i32
      %dma_wait3A_66 = arith.constant 0 : i32
      %dma_wait3A_67 = tpu.memref_slice %arg5[%dma_wait3A_64, %dma_wait3A_65, %dma_wait3A_66] : memref<500000x2x64xf32, #tpu.memory_space<hbm>> -> memref<64x2x64xf32, #tpu.memory_space<hbm>>
      %dma_wait3A_68 = tpu.memref_reshape %arg13 : memref<128x64xf32, #tpu.memory_space<vmem>> -> memref<64x2x64xf32, #tpu.memory_space<vmem>>
      %dma_wait3A_69 = arith.constant 0 : i32
      %dma_wait3A_70 = arith.constant 0 : i32
      %dma_wait3A_71 = arith.constant 0 : i32
      %dma_wait3A_72 = tpu.memref_slice %arg5[%dma_wait3A_69, %dma_wait3A_70, %dma_wait3A_71] : memref<500000x2x64xf32, #tpu.memory_space<hbm>> -> memref<64x2x64xf32, #tpu.memory_space<hbm>>
      tpu.wait_dma2 semaphore(%arg15 : memref<!tpu.dma_semaphore, #tpu.memory_space<semaphore_mem>>) src(%dma_wait3A_72 : memref<64x2x64xf32, #tpu.memory_space<hbm>>) dst(%dma_wait3A_68 : memref<64x2x64xf32, #tpu.memory_space<vmem>>)
      %scan3A_73 = arith.constant 0 : i32
      %scan3A_74 = arith.constant 0 : i32
      %scan3A_75 = arith.constant 128 : i32
      %scan3A_76 = arith.addi %scan3A_74, %scan3A_75 : i32
      %scan3A_77 = arith.constant 1 : i32
      scf.for %scan3A_79 = %scan3A_74 to %scan3A_76 step %scan3A_77  : i32 {
        %get3A = arith.index_cast %scan3A_79 : i32 to index
        %get3A_80 = arith.constant 0 : index
        %get3A_81 = tpu.vector_load %arg11[%get3A, %get3A_80] {strides = array<i32>} : memref<128x64xf32, #tpu.memory_space<vmem>>, vector<16xf32>,
        %get3A_82 = arith.index_cast %scan3A_79 : i32 to index
        %get3A_83 = arith.constant 16 : index
        %get3A_84 = tpu.vector_load %arg11[%get3A_82, %get3A_83] {strides = array<i32>} : memref<128x64xf32, #tpu.memory_space<vmem>>, vector<16xf32>,
        %get3A_85 = arith.index_cast %scan3A_79 : i32 to index
        %get3A_86 = arith.constant 32 : index
        %get3A_87 = tpu.vector_load %arg11[%get3A_85, %get3A_86] {strides = array<i32>} : memref<128x64xf32, #tpu.memory_space<vmem>>, vector<16xf32>,
        %get3A_88 = arith.index_cast %scan3A_79 : i32 to index
        %get3A_89 = arith.constant 48 : index
        %get3A_90 = tpu.vector_load %arg11[%get3A_88, %get3A_89] {strides = array<i32>} : memref<128x64xf32, #tpu.memory_space<vmem>>, vector<16xf32>,
        %get3A_91 = arith.index_cast %scan3A_79 : i32 to index
        %get3A_92 = arith.constant 0 : index
        %get3A_93 = tpu.vector_load %arg12[%get3A_91, %get3A_92] {strides = array<i32>} : memref<128x64xf32, #tpu.memory_space<vmem>>, vector<16xf32>,
        %get3A_94 = arith.index_cast %scan3A_79 : i32 to index
        %get3A_95 = arith.constant 16 : index
        %get3A_96 = tpu.vector_load %arg12[%get3A_94, %get3A_95] {strides = array<i32>} : memref<128x64xf32, #tpu.memory_space<vmem>>, vector<16xf32>,
        %get3A_97 = arith.index_cast %scan3A_79 : i32 to index
        %get3A_98 = arith.constant 32 : index
        %get3A_99 = tpu.vector_load %arg12[%get3A_97, %get3A_98] {strides = array<i32>} : memref<128x64xf32, #tpu.memory_space<vmem>>, vector<16xf32>,
        %get3A_100 = arith.index_cast %scan3A_79 : i32 to index
        %get3A_101 = arith.constant 48 : index
        %get3A_102 = tpu.vector_load %arg12[%get3A_100, %get3A_101] {strides = array<i32>} : memref<128x64xf32, #tpu.memory_space<vmem>>, vector<16xf32>,
        %get3A_103 = arith.index_cast %scan3A_79 : i32 to index
        %get3A_104 = arith.constant 0 : index
        %get3A_105 = tpu.vector_load %arg13[%get3A_103, %get3A_104] {strides = array<i32>} : memref<128x64xf32, #tpu.memory_space<vmem>>, vector<16xf32>,
        %get3A_106 = arith.index_cast %scan3A_79 : i32 to index
        %get3A_107 = arith.constant 16 : index
        %get3A_108 = tpu.vector_load %arg13[%get3A_106, %get3A_107] {strides = array<i32>} : memref<128x64xf32, #tpu.memory_space<vmem>>, vector<16xf32>,
        %get3A_109 = arith.index_cast %scan3A_79 : i32 to index
        %get3A_110 = arith.constant 32 : index
        %get3A_111 = tpu.vector_load %arg13[%get3A_109, %get3A_110] {strides = array<i32>} : memref<128x64xf32, #tpu.memory_space<vmem>>, vector<16xf32>,
        %get3A_112 = arith.index_cast %scan3A_79 : i32 to index
        %get3A_113 = arith.constant 48 : index
        %get3A_114 = tpu.vector_load %arg13[%get3A_112, %get3A_113] {strides = array<i32>} : memref<128x64xf32, #tpu.memory_space<vmem>>, vector<16xf32>,
        %mul3A_115 = arith.mulf %get3A_81, %get3A_81 : vector<16xf32>
        %mul3A_116 = arith.mulf %get3A_84, %get3A_84 : vector<16xf32>
        %add3A_117 = arith.addf %mul3A_115, %mul3A_116 : vector<16xf32>
        %mul3A_118 = arith.mulf %get3A_87, %get3A_87 : vector<16xf32>
        %add3A_119 = arith.addf %add3A_117, %mul3A_118 : vector<16xf32>
        %mul3A_120 = arith.mulf %get3A_90, %get3A_90 : vector<16xf32>
        %add3A_121 = arith.addf %add3A_119, %mul3A_120 : vector<16xf32>
        %mul3A_122 = arith.mulf %get3A_93, %get3A_93 : vector<16xf32>
        %mul3A_123 = arith.mulf %get3A_96, %get3A_96 : vector<16xf32>
        %add3A_124 = arith.addf %mul3A_122, %mul3A_123 : vector<16xf32>
        %mul3A_125 = arith.mulf %get3A_99, %get3A_99 : vector<16xf32>
        %add3A_126 = arith.addf %add3A_124, %mul3A_125 : vector<16xf32>
        %mul3A_127 = arith.mulf %get3A_102, %get3A_102 : vector<16xf32>
        %add3A_128 = arith.addf %add3A_126, %mul3A_127 : vector<16xf32>
        %mul3A_129 = arith.mulf %get3A_105, %get3A_105 : vector<16xf32>
        %mul3A_130 = arith.mulf %get3A_108, %get3A_108 : vector<16xf32>
        %add3A_131 = arith.addf %mul3A_129, %mul3A_130 : vector<16xf32>
        %mul3A_132 = arith.mulf %get3A_111, %get3A_111 : vector<16xf32>
        %add3A_133 = arith.addf %add3A_131, %mul3A_132 : vector<16xf32>
        %mul3A_134 = arith.mulf %get3A_114, %get3A_114 : vector<16xf32>
        %add3A_135 = arith.addf %add3A_133, %mul3A_134 : vector<16xf32>
        %gather3A = vector.shape_cast %reshape3A : vector<16x1xi32> to vector<16xi32>
        %gather3A_136 = tpu.dynamic_gather %add3A_121[%gather3A] in [0] : vector<16xf32>, vector<16xi32> -> vector<16xf32>
        %add3A_137 = arith.addf %add3A_121, %gather3A_136 : vector<16xf32>
        %gather3A_138 = vector.shape_cast %reshape3A_12 : vector<16x1xi32> to vector<16xi32>
        %gather3A_139 = tpu.dynamic_gather %add3A_137[%gather3A_138] in [0] : vector<16xf32>, vector<16xi32> -> vector<16xf32>
        %add3A_140 = arith.addf %add3A_137, %gather3A_139 : vector<16xf32>
        %gather3A_141 = vector.shape_cast %reshape3A_19 : vector<16x1xi32> to vector<16xi32>
        %gather3A_142 = tpu.dynamic_gather %add3A_140[%gather3A_141] in [0] : vector<16xf32>, vector<16xi32> -> vector<16xf32>
        %add3A_143 = arith.addf %add3A_140, %gather3A_142 : vector<16xf32>
        %gather3A_144 = vector.shape_cast %reshape3A_26 : vector<16x1xi32> to vector<16xi32>
        %gather3A_145 = tpu.dynamic_gather %add3A_143[%gather3A_144] in [0] : vector<16xf32>, vector<16xi32> -> vector<16xf32>
        %add3A_146 = arith.addf %add3A_143, %gather3A_145 : vector<16xf32>
        %max3A = arith.constant 1.000000e-24 : f32
        %max3A_147 = vector.broadcast %max3A : f32 to vector<16xf32>
        %max3A_148 = arith.maximumf %add3A_146, %max3A_147 : vector<16xf32>
        %bitcast3A = vector.bitcast %max3A_148 : vector<16xf32> to vector<16xi32>
        %shift_right_logical3A = arith.constant 1 : i32
        %shift_right_logical3A_149 = vector.broadcast %shift_right_logical3A : i32 to vector<16xi32>
        %shift_right_logical3A_150 = arith.shrui %bitcast3A, %shift_right_logical3A_149 : vector<16xi32>
        %sub3A = arith.constant 1597463007 : i32
        %sub3A_151 = vector.broadcast %sub3A : i32 to vector<16xi32>
        %sub3A_152 = arith.subi %sub3A_151, %shift_right_logical3A_150 : vector<16xi32>
        %bitcast3A_153 = vector.bitcast %sub3A_152 : vector<16xi32> to vector<16xf32>
        %mul3A_154 = arith.constant 5.000000e-01 : f32
        %mul3A_155 = vector.broadcast %mul3A_154 : f32 to vector<16xf32>
        %mul3A_156 = arith.mulf %mul3A_155, %max3A_148 : vector<16xf32>
        %mul3A_157 = arith.mulf %mul3A_156, %bitcast3A_153 : vector<16xf32>
        %mul3A_158 = arith.mulf %mul3A_157, %bitcast3A_153 : vector<16xf32>
        %sub3A_159 = arith.constant 1.500000e+00 : f32
        %sub3A_160 = vector.broadcast %sub3A_159 : f32 to vector<16xf32>
        %sub3A_161 = arith.subf %sub3A_160, %mul3A_158 : vector<16xf32>
        %mul3A_162 = arith.mulf %bitcast3A_153, %sub3A_161 : vector<16xf32>
        %mul3A_163 = arith.mulf %mul3A_156, %mul3A_162 : vector<16xf32>
        %mul3A_164 = arith.mulf %mul3A_163, %mul3A_162 : vector<16xf32>
        %sub3A_165 = arith.constant 1.500000e+00 : f32
        %sub3A_166 = vector.broadcast %sub3A_165 : f32 to vector<16xf32>
        %sub3A_167 = arith.subf %sub3A_166, %mul3A_164 : vector<16xf32>
        %mul3A_168 = arith.mulf %mul3A_162, %sub3A_167 : vector<16xf32>
        %mul3A_169 = arith.mulf %mul3A_156, %mul3A_168 : vector<16xf32>
        %mul3A_170 = arith.mulf %mul3A_169, %mul3A_168 : vector<16xf32>
        %sub3A_171 = arith.constant 1.500000e+00 : f32
        %sub3A_172 = vector.broadcast %sub3A_171 : f32 to vector<16xf32>
        %sub3A_173 = arith.subf %sub3A_172, %mul3A_170 : vector<16xf32>
        %mul3A_174 = arith.mulf %mul3A_168, %sub3A_173 : vector<16xf32>
        %gather3A_175 = vector.shape_cast %reshape3A : vector<16x1xi32> to vector<16xi32>
        %gather3A_176 = tpu.dynamic_gather %add3A_128[%gather3A_175] in [0] : vector<16xf32>, vector<16xi32> -> vector<16xf32>
        %add3A_177 = arith.addf %add3A_128, %gather3A_176 : vector<16xf32>
        %gather3A_178 = vector.shape_cast %reshape3A_12 : vector<16x1xi32> to vector<16xi32>
        %gather3A_179 = tpu.dynamic_gather %add3A_177[%gather3A_178] in [0] : vector<16xf32>, vector<16xi32> -> vector<16xf32>
        %add3A_180 = arith.addf %add3A_177, %gather3A_179 : vector<16xf32>
        %gather3A_181 = vector.shape_cast %reshape3A_19 : vector<16x1xi32> to vector<16xi32>
        %gather3A_182 = tpu.dynamic_gather %add3A_180[%gather3A_181] in [0] : vector<16xf32>, vector<16xi32> -> vector<16xf32>
        %add3A_183 = arith.addf %add3A_180, %gather3A_182 : vector<16xf32>
        %gather3A_184 = vector.shape_cast %reshape3A_26 : vector<16x1xi32> to vector<16xi32>
        %gather3A_185 = tpu.dynamic_gather %add3A_183[%gather3A_184] in [0] : vector<16xf32>, vector<16xi32> -> vector<16xf32>
        %add3A_186 = arith.addf %add3A_183, %gather3A_185 : vector<16xf32>
        %max3A_187 = arith.constant 1.000000e-24 : f32
        %max3A_188 = vector.broadcast %max3A_187 : f32 to vector<16xf32>
        %max3A_189 = arith.maximumf %add3A_186, %max3A_188 : vector<16xf32>
        %bitcast3A_190 = vector.bitcast %max3A_189 : vector<16xf32> to vector<16xi32>
        %shift_right_logical3A_191 = arith.constant 1 : i32
        %shift_right_logical3A_192 = vector.broadcast %shift_right_logical3A_191 : i32 to vector<16xi32>
        %shift_right_logical3A_193 = arith.shrui %bitcast3A_190, %shift_right_logical3A_192 : vector<16xi32>
        %sub3A_194 = arith.constant 1597463007 : i32
        %sub3A_195 = vector.broadcast %sub3A_194 : i32 to vector<16xi32>
        %sub3A_196 = arith.subi %sub3A_195, %shift_right_logical3A_193 : vector<16xi32>
        %bitcast3A_197 = vector.bitcast %sub3A_196 : vector<16xi32> to vector<16xf32>
        %mul3A_198 = arith.constant 5.000000e-01 : f32
        %mul3A_199 = vector.broadcast %mul3A_198 : f32 to vector<16xf32>
        %mul3A_200 = arith.mulf %mul3A_199, %max3A_189 : vector<16xf32>
        %mul3A_201 = arith.mulf %mul3A_200, %bitcast3A_197 : vector<16xf32>
        %mul3A_202 = arith.mulf %mul3A_201, %bitcast3A_197 : vector<16xf32>
        %sub3A_203 = arith.constant 1.500000e+00 : f32
        %sub3A_204 = vector.broadcast %sub3A_203 : f32 to vector<16xf32>
        %sub3A_205 = arith.subf %sub3A_204, %mul3A_202 : vector<16xf32>
        %mul3A_206 = arith.mulf %bitcast3A_197, %sub3A_205 : vector<16xf32>
        %mul3A_207 = arith.mulf %mul3A_200, %mul3A_206 : vector<16xf32>
        %mul3A_208 = arith.mulf %mul3A_207, %mul3A_206 : vector<16xf32>
        %sub3A_209 = arith.constant 1.500000e+00 : f32
        %sub3A_210 = vector.broadcast %sub3A_209 : f32 to vector<16xf32>
        %sub3A_211 = arith.subf %sub3A_210, %mul3A_208 : vector<16xf32>
        %mul3A_212 = arith.mulf %mul3A_206, %sub3A_211 : vector<16xf32>
        %mul3A_213 = arith.mulf %mul3A_200, %mul3A_212 : vector<16xf32>
        %mul3A_214 = arith.mulf %mul3A_213, %mul3A_212 : vector<16xf32>
        %sub3A_215 = arith.constant 1.500000e+00 : f32
        %sub3A_216 = vector.broadcast %sub3A_215 : f32 to vector<16xf32>
        %sub3A_217 = arith.subf %sub3A_216, %mul3A_214 : vector<16xf32>
        %mul3A_218 = arith.mulf %mul3A_212, %sub3A_217 : vector<16xf32>
        %gather3A_219 = vector.shape_cast %reshape3A : vector<16x1xi32> to vector<16xi32>
        %gather3A_220 = tpu.dynamic_gather %add3A_135[%gather3A_219] in [0] : vector<16xf32>, vector<16xi32> -> vector<16xf32>
        %add3A_221 = arith.addf %add3A_135, %gather3A_220 : vector<16xf32>
        %gather3A_222 = vector.shape_cast %reshape3A_12 : vector<16x1xi32> to vector<16xi32>
        %gather3A_223 = tpu.dynamic_gather %add3A_221[%gather3A_222] in [0] : vector<16xf32>, vector<16xi32> -> vector<16xf32>
        %add3A_224 = arith.addf %add3A_221, %gather3A_223 : vector<16xf32>
        %gather3A_225 = vector.shape_cast %reshape3A_19 : vector<16x1xi32> to vector<16xi32>
        %gather3A_226 = tpu.dynamic_gather %add3A_224[%gather3A_225] in [0] : vector<16xf32>, vector<16xi32> -> vector<16xf32>
        %add3A_227 = arith.addf %add3A_224, %gather3A_226 : vector<16xf32>
        %gather3A_228 = vector.shape_cast %reshape3A_26 : vector<16x1xi32> to vector<16xi32>
        %gather3A_229 = tpu.dynamic_gather %add3A_227[%gather3A_228] in [0] : vector<16xf32>, vector<16xi32> -> vector<16xf32>
        %add3A_230 = arith.addf %add3A_227, %gather3A_229 : vector<16xf32>
        %max3A_231 = arith.constant 1.000000e-24 : f32
        %max3A_232 = vector.broadcast %max3A_231 : f32 to vector<16xf32>
        %max3A_233 = arith.maximumf %add3A_230, %max3A_232 : vector<16xf32>
        %bitcast3A_234 = vector.bitcast %max3A_233 : vector<16xf32> to vector<16xi32>
        %shift_right_logical3A_235 = arith.constant 1 : i32
        %shift_right_logical3A_236 = vector.broadcast %shift_right_logical3A_235 : i32 to vector<16xi32>
        %shift_right_logical3A_237 = arith.shrui %bitcast3A_234, %shift_right_logical3A_236 : vector<16xi32>
        %sub3A_238 = arith.constant 1597463007 : i32
        %sub3A_239 = vector.broadcast %sub3A_238 : i32 to vector<16xi32>
        %sub3A_240 = arith.subi %sub3A_239, %shift_right_logical3A_237 : vector<16xi32>
        %bitcast3A_241 = vector.bitcast %sub3A_240 : vector<16xi32> to vector<16xf32>
        %mul3A_242 = arith.constant 5.000000e-01 : f32
        %mul3A_243 = vector.broadcast %mul3A_242 : f32 to vector<16xf32>
        %mul3A_244 = arith.mulf %mul3A_243, %max3A_233 : vector<16xf32>
        %mul3A_245 = arith.mulf %mul3A_244, %bitcast3A_241 : vector<16xf32>
        %mul3A_246 = arith.mulf %mul3A_245, %bitcast3A_241 : vector<16xf32>
        %sub3A_247 = arith.constant 1.500000e+00 : f32
        %sub3A_248 = vector.broadcast %sub3A_247 : f32 to vector<16xf32>
        %sub3A_249 = arith.subf %sub3A_248, %mul3A_246 : vector<16xf32>
        %mul3A_250 = arith.mulf %bitcast3A_241, %sub3A_249 : vector<16xf32>
        %mul3A_251 = arith.mulf %mul3A_244, %mul3A_250 : vector<16xf32>
        %mul3A_252 = arith.mulf %mul3A_251, %mul3A_250 : vector<16xf32>
        %sub3A_253 = arith.constant 1.500000e+00 : f32
        %sub3A_254 = vector.broadcast %sub3A_253 : f32 to vector<16xf32>
        %sub3A_255 = arith.subf %sub3A_254, %mul3A_252 : vector<16xf32>
        %mul3A_256 = arith.mulf %mul3A_250, %sub3A_255 : vector<16xf32>
        %mul3A_257 = arith.mulf %mul3A_244, %mul3A_256 : vector<16xf32>
        %mul3A_258 = arith.mulf %mul3A_257, %mul3A_256 : vector<16xf32>
        %sub3A_259 = arith.constant 1.500000e+00 : f32
        %sub3A_260 = vector.broadcast %sub3A_259 : f32 to vector<16xf32>
        %sub3A_261 = arith.subf %sub3A_260, %mul3A_258 : vector<16xf32>
        %mul3A_262 = arith.mulf %mul3A_256, %sub3A_261 : vector<16xf32>
        %mul3A_263 = arith.mulf %get3A_81, %mul3A_174 : vector<16xf32>
        %mul3A_264 = arith.mulf %get3A_105, %mul3A_262 : vector<16xf32>
        %add3A_265 = arith.addf %mul3A_263, %mul3A_264 : vector<16xf32>
        %mul3A_266 = arith.mulf %get3A_93, %mul3A_218 : vector<16xf32>
        %sub3A_267 = arith.subf %add3A_265, %mul3A_266 : vector<16xf32>
        %mul3A_268 = arith.mulf %get3A_84, %mul3A_174 : vector<16xf32>
        %mul3A_269 = arith.mulf %get3A_108, %mul3A_262 : vector<16xf32>
        %add3A_270 = arith.addf %mul3A_268, %mul3A_269 : vector<16xf32>
        %mul3A_271 = arith.mulf %get3A_96, %mul3A_218 : vector<16xf32>
        %sub3A_272 = arith.subf %add3A_270, %mul3A_271 : vector<16xf32>
        %mul3A_273 = arith.mulf %get3A_87, %mul3A_174 : vector<16xf32>
        %mul3A_274 = arith.mulf %get3A_111, %mul3A_262 : vector<16xf32>
        %add3A_275 = arith.addf %mul3A_273, %mul3A_274 : vector<16xf32>
        %mul3A_276 = arith.mulf %get3A_99, %mul3A_218 : vector<16xf32>
        %sub3A_277 = arith.subf %add3A_275, %mul3A_276 : vector<16xf32>
        %mul3A_278 = arith.mulf %get3A_90, %mul3A_174 : vector<16xf32>
        %mul3A_279 = arith.mulf %get3A_114, %mul3A_262 : vector<16xf32>
        %add3A_280 = arith.addf %mul3A_278, %mul3A_279 : vector<16xf32>
        %mul3A_281 = arith.mulf %get3A_102, %mul3A_218 : vector<16xf32>
        %sub3A_282 = arith.subf %add3A_280, %mul3A_281 : vector<16xf32>
        %abs3A = math.absf %sub3A_267 : vector<16xf32>
        %abs3A_283 = math.absf %sub3A_272 : vector<16xf32>
        %add3A_284 = arith.addf %abs3A, %abs3A_283 : vector<16xf32>
        %abs3A_285 = math.absf %sub3A_277 : vector<16xf32>
        %add3A_286 = arith.addf %add3A_284, %abs3A_285 : vector<16xf32>
        %abs3A_287 = math.absf %sub3A_282 : vector<16xf32>
        %add3A_288 = arith.addf %add3A_286, %abs3A_287 : vector<16xf32>
        %gather3A_289 = vector.shape_cast %reshape3A : vector<16x1xi32> to vector<16xi32>
        %gather3A_290 = tpu.dynamic_gather %add3A_288[%gather3A_289] in [0] : vector<16xf32>, vector<16xi32> -> vector<16xf32>
        %add3A_291 = arith.addf %add3A_288, %gather3A_290 : vector<16xf32>
        %gather3A_292 = vector.shape_cast %reshape3A_12 : vector<16x1xi32> to vector<16xi32>
        %gather3A_293 = tpu.dynamic_gather %add3A_291[%gather3A_292] in [0] : vector<16xf32>, vector<16xi32> -> vector<16xf32>
        %add3A_294 = arith.addf %add3A_291, %gather3A_293 : vector<16xf32>
        %gather3A_295 = vector.shape_cast %reshape3A_19 : vector<16x1xi32> to vector<16xi32>
        %gather3A_296 = tpu.dynamic_gather %add3A_294[%gather3A_295] in [0] : vector<16xf32>, vector<16xi32> -> vector<16xf32>
        %add3A_297 = arith.addf %add3A_294, %gather3A_296 : vector<16xf32>
        %gather3A_298 = vector.shape_cast %reshape3A_26 : vector<16x1xi32> to vector<16xi32>
        %gather3A_299 = tpu.dynamic_gather %add3A_297[%gather3A_298] in [0] : vector<16xf32>, vector<16xi32> -> vector<16xf32>
        %add3A_300 = arith.addf %add3A_297, %gather3A_299 : vector<16xf32>
        %max3A_301 = arith.constant 9.99999996E-13 : f32
        %max3A_302 = vector.broadcast %max3A_301 : f32 to vector<16xf32>
        %max3A_303 = arith.maximumf %add3A_300, %max3A_302 : vector<16xf32>
        %div3A = arith.constant 1.000000e+00 : f32
        %div3A_304 = vector.broadcast %div3A : f32 to vector<16xf32>
        %div3A_305 = arith.divf %div3A_304, %max3A_303 : vector<16xf32>
        %mul3A_306 = arith.mulf %sub3A_267, %div3A_305 : vector<16xf32>
        %swap3A = arith.index_cast %scan3A_79 : i32 to index
        %swap3A_307 = arith.constant 0 : index
        %swap3A_308 = tpu.vector_load %arg14[%swap3A, %swap3A_307] {strides = array<i32>} : memref<128x64xf32, #tpu.memory_space<vmem>>, vector<16xf32>,
        tpu.vector_store %arg14[%swap3A, %swap3A_307], %mul3A_306 {strides = array<i32>} : memref<128x64xf32, #tpu.memory_space<vmem>>, vector<16xf32>,
        %mul3A_309 = arith.mulf %sub3A_272, %div3A_305 : vector<16xf32>
        %swap3A_310 = arith.index_cast %scan3A_79 : i32 to index
        %swap3A_311 = arith.constant 16 : index
        %swap3A_312 = tpu.vector_load %arg14[%swap3A_310, %swap3A_311] {strides = array<i32>} : memref<128x64xf32, #tpu.memory_space<vmem>>, vector<16xf32>,
        tpu.vector_store %arg14[%swap3A_310, %swap3A_311], %mul3A_309 {strides = array<i32>} : memref<128x64xf32, #tpu.memory_space<vmem>>, vector<16xf32>,
        %mul3A_313 = arith.mulf %sub3A_277, %div3A_305 : vector<16xf32>
        %swap3A_314 = arith.index_cast %scan3A_79 : i32 to index
        %swap3A_315 = arith.constant 32 : index
        %swap3A_316 = tpu.vector_load %arg14[%swap3A_314, %swap3A_315] {strides = array<i32>} : memref<128x64xf32, #tpu.memory_space<vmem>>, vector<16xf32>,
        tpu.vector_store %arg14[%swap3A_314, %swap3A_315], %mul3A_313 {strides = array<i32>} : memref<128x64xf32, #tpu.memory_space<vmem>>, vector<16xf32>,
        %mul3A_317 = arith.mulf %sub3A_282, %div3A_305 : vector<16xf32>
        %swap3A_318 = arith.index_cast %scan3A_79 : i32 to index
        %swap3A_319 = arith.constant 48 : index
        %swap3A_320 = tpu.vector_load %arg14[%swap3A_318, %swap3A_319] {strides = array<i32>} : memref<128x64xf32, #tpu.memory_space<vmem>>, vector<16xf32>,
        tpu.vector_store %arg14[%swap3A_318, %swap3A_319], %mul3A_317 {strides = array<i32>} : memref<128x64xf32, #tpu.memory_space<vmem>>, vector<16xf32>,
      }
      %scan3A_78 = arith.constant 128 : i32
      "tpu.region"() ({
        %run_scoped3A = tpu.sem_alloc : memref<!tpu.dma_semaphore, #tpu.memory_space<semaphore_mem>>
        %dma_start3A = arith.constant 0 : i32
        %dma_start3A_79 = tpu.memref_slice %arg7[%add3A_37, %dma_start3A] : memref<16384x64xf32, #tpu.memory_space<hbm>> -> memref<128x64xf32, #tpu.memory_space<hbm>>
        %dma_start3A_80 = arith.constant 0 : i32
        %dma_start3A_81 = tpu.memref_slice %arg7[%add3A_37, %dma_start3A_80] : memref<16384x64xf32, #tpu.memory_space<hbm>> -> memref<128x64xf32, #tpu.memory_space<hbm>>
        tpu.enqueue_dma source(%arg14 : memref<128x64xf32, #tpu.memory_space<vmem>>) target(%dma_start3A_81 : memref<128x64xf32, #tpu.memory_space<hbm>>) target_semaphore(%run_scoped3A : memref<!tpu.dma_semaphore, #tpu.memory_space<semaphore_mem>>)
        %dma_wait3A_82 = arith.constant 0 : i32
        %dma_wait3A_83 = tpu.memref_slice %arg7[%add3A_37, %dma_wait3A_82] : memref<16384x64xf32, #tpu.memory_space<hbm>> -> memref<128x64xf32, #tpu.memory_space<hbm>>
        %dma_wait3A_84 = arith.constant 0 : i32
        %dma_wait3A_85 = tpu.memref_slice %arg7[%add3A_37, %dma_wait3A_84] : memref<16384x64xf32, #tpu.memory_space<hbm>> -> memref<128x64xf32, #tpu.memory_space<hbm>>
        tpu.wait_dma2 semaphore(%run_scoped3A : memref<!tpu.dma_semaphore, #tpu.memory_space<semaphore_mem>>) src(%arg14 : memref<128x64xf32, #tpu.memory_space<vmem>>) dst(%dma_wait3A_85 : memref<128x64xf32, #tpu.memory_space<hbm>>)
        tpu.yield
      }) : () -> ()
    }
    %scan3A_31 = arith.constant 4 : i32
    return
  }
}

</mosaic_0001>

<sc_bundles>
// kernel: kernel.3.cloned.1.call-start
scs
__scs_entry_jumppad:
0x0: {  	(pc) =	sbr.rel $0x88, $3  }
0x1: {  	(tag) =	ssettag $0x0;
	lr =	simm.s32 $0x1  }
0x2: {  	[smem:$0x3F9C] =	sst lr;
	_ =	strace $0xD0000000  }
0x3: {  	_ = 	snop  }
0x4: {  	_ = 	snop  }
0x5: {  	_ = 	snop  }
0x6: {  	_ = 	snop  }
0x7: {  	_ = 	snop  }
__scs_overlays_trampoline_lowered:
0x8: {  	[smem:$0x3FAB] =	sst s0  }
0x9: {  	[smem:$0x3FAC] =	sst s1  }
0xa: {  	[smem:$0x3FAD] =	sst s2  }
0xb: {  	[smem:$0x3FAE] =	sst s3  }
0xc: {  	[smem:$0x3FAF] =	sst s4  }
0xd: {  	[smem:$0x3FB0] =	sst s5  }
0xe: {  	[smem:$0x3FB1] =	sst s6  }
0xf: {  	[smem:$0x3FB2] =	sst s7  }
0x10: {  	[smem:$0x3FB3] =	sst s8  }
0x11: {  	[smem:$0x3FB4] =	sst s9;
	s0 =	simm.s32 @!p0 $0x0  }
0x12: {  	s1 =	sld [smem:$0x3F9A];
	s0 =	simm.s32 @p0 $0x1  }
0x13: {  	[smem:$0x3FB5] =	sst s0;
	s0 =	simm.s32 @!p1 $0x0  }
0x14: {  	s2 =	sld [smem:$0x3F99];
	s0 =	simm.s32 @p1 $0x1  }
0x15: {  	[smem:$0x3FB6] =	sst s0;
	s0 =	simm.s32 @!p2 $0x0  }
0x16: {  	s3 =	sld [smem:$0x3FDB];
	s0 =	simm.s32 @p2 $0x1  }
0x17: {  	s4 =	simm.s32 $0x1BF5;
	[smem:$0x3FB8] =	sst s0  }
0x18: {  	s0 =	sld [smem:$0x3F9B];
	_ =	swait.ge [sflag:s4], $0x0  }
0x19: {  	s7 =	sld [smem:$0x3F9C]  }
0x1a: {  	s8 =	sadd.s32 $0xFFFFE003, lr  }
0x1b: {  	s9 =	sadd.s32 $0xFFFFFEF7, lr;
	s5 =	simm.s32 $0xFFFFFFFF;
	p2 =	slt.u32 s8, $0xFFFFF086  }
0x1c: {  	p1 =	slt.u32 s9, $0xF7A;
	s5 =	simm.s32 @!p2 $0x0  }
0x1d: {  	s5 =	simm.s32 @p1 $0x1;
	p0 =	seq.s32 s7, s2  }
0x1e: {  	s7 =	smul.u32 @!p0 $0xF7A, s2;
	p2 =	seq.s32 @!p0 s5, $0x0  }
0x1f: {  	s9 =	smul.u32 $0xF7A, s1;
	s8 =	simm.s32 @!p0 $0x1BF5;
	p2 =	por !p2, p0  }
0x20: {  	[sflag:s8] =	ssyncset.s32 @!p0 $0xFFFFF086;
	s6 =	sadd.s32 @!p0 s3, s7;
	s7 =	simm.s32 @!p0 $0x108  }
0x21: {  	s3 =	sadd.s32 s3, s9;
	s6 =	sadd.s32 @!p0 $0x88, s6;
	s7 =	simm.s32 @p2 $0x1082  }
0x22: {  	[simem:s7], [sflag:s8] =	dma.local @!p0 [hbm:s6], $0xF7A  }
0x23: {  	s9 =	sor.u32 $0xD0000000, s2;
	s6 =	simm.s32 $0x108;
	_ =	swait.ge @!p0 [sflag:s8], $0x0  }
0x24: {  	s3 =	sadd.s32 $0x88, s3;
	s6 =	simm.s32 @!p1 $0x1082;
	[sflag:s4] =	ssyncset.s32 $0xFFFFF086  }
0x25: {  	[simem:s6], [sflag:s4] =	dma.local [hbm:s3], $0xF7A  }
0x26: {  	[smem:$0x3F9C] =	sst s1;
	(tag) =	ssettag s2;
	_ =	strace s9  }
0x27: {  	s1 =	sld [smem:$0x3FAC]  }
0x28: {  	s2 =	sld [smem:$0x3FAD]  }
0x29: {  	s4 =	sld [smem:$0x3FAF]  }
0x2a: {  	p0 =	seq.s32 s5, $0x0;
	s5 =	sld [smem:$0x3FB0]  }
0x2b: {  	s6 =	sld [smem:$0x3FB1]  }
0x2c: {  	s7 =	sld [smem:$0x3FB2]  }
0x2d: {  	s3 =	simm.s32 $0x108;
	s8 =	sld [smem:$0x3FB3]  }
0x2e: {  	s3 =	simm.s32 @!p0 $0x1082;
	s9 =	sld [smem:$0x3FB4]  }
0x2f: {  	lr =	sadd.s32 s0, s3;
	s0 =	sld [smem:$0x3FAB]  }
0x30: {  	s3 =	sld [smem:$0x3FAE]  }
0x31: {  	[smem:$0x3FB7] =	sst s10  }
0x32: {  	s10 =	sld [smem:$0x3FB5];
	_ =	sdelay $0x3  }
0x33: {  	p0 =	seq.s32 s10, $0x1;
	s10 =	sld [smem:$0x3FB7];
	_ =	sdelay $0x3  }
0x34: {  	[smem:$0x3FB7] =	sst s10  }
0x35: {  	s10 =	sld [smem:$0x3FB6];
	_ =	sdelay $0x3  }
0x36: {  	p1 =	seq.s32 s10, $0x1;
	s10 =	sld [smem:$0x3FB7];
	_ =	sdelay $0x3  }
0x37: {  	[smem:$0x3FB7] =	sst s10  }
0x38: {  	s10 =	sld [smem:$0x3FB8]  }
0x39: {  	_ = 	snop;
	(pc) =	sbr.ind lr, $3  }
0x3a: {  	_ = 	snop  }
0x3b: {  	_ = 	snop  }
0x3c: {  	p2 =	seq.s32 s10, $0x1;
	s10 =	sld [smem:$0x3FB7]  }
0x3d: {  	_ =	shalt  }
0x3e: {  	_ =	shalt  }
0x3f: {  	_ =	shalt  }
0x40: {  	_ =	shalt  }
0x41: {  	_ =	shalt  }
0x42: {  	_ =	shalt  }
0x43: {  	_ =	shalt  }
0x44: {  	_ =	shalt  }
0x45: {  	_ =	shalt  }
0x46: {  	_ =	shalt  }
0x47: {  	_ =	shalt  }
0x48: {  	_ =	shalt  }
0x49: {  	_ =	shalt  }
0x4a: {  	_ =	shalt  }
0x4b: {  	_ =	shalt  }
0x4c: {  	_ =	shalt  }
0x4d: {  	_ =	shalt  }
0x4e: {  	_ =	shalt  }
0x4f: {  	_ =	shalt  }
0x50: {  	_ =	shalt  }
0x51: {  	_ =	shalt  }
0x52: {  	_ =	shalt  }
0x53: {  	_ =	shalt  }
0x54: {  	_ =	shalt  }
0x55: {  	_ =	shalt  }
0x56: {  	_ =	shalt  }
0x57: {  	_ =	shalt  }
0x58: {  	_ =	shalt  }
0x59: {  	_ =	shalt  }
0x5a: {  	_ =	shalt  }
0x5b: {  	_ =	shalt  }
0x5c: {  	_ =	shalt  }
0x5d: {  	_ =	shalt  }
0x5e: {  	_ =	shalt  }
0x5f: {  	_ =	shalt  }
0x60: {  	_ =	shalt  }
0x61: {  	_ =	shalt  }
0x62: {  	_ =	shalt  }
0x63: {  	_ =	shalt  }
0x64: {  	_ =	shalt  }
0x65: {  	_ =	shalt  }
0x66: {  	_ =	shalt  }
0x67: {  	_ =	shalt  }
0x68: {  	_ =	shalt  }
0x69: {  	_ =	shalt  }
0x6a: {  	_ =	shalt  }
0x6b: {  	_ =	shalt  }
0x6c: {  	_ =	shalt  }
0x6d: {  	_ =	shalt  }
0x6e: {  	_ =	shalt  }
0x6f: {  	_ =	shalt  }
0x70: {  	_ =	shalt  }
0x71: {  	_ =	shalt  }
0x72: {  	_ =	shalt  }
0x73: {  	_ =	shalt  }
0x74: {  	_ =	shalt  }
0x75: {  	_ =	shalt  }
0x76: {  	_ =	shalt  }
0x77: {  	_ =	shalt  }
0x78: {  	_ =	shalt  }
0x79: {  	_ =	shalt  }
0x7a: {  	_ =	shalt  }
0x7b: {  	_ =	shalt  }
0x7c: {  	_ =	shalt  }
0x7d: {  	_ =	shalt  }
0x7e: {  	_ =	shalt  }
0x7f: {  	_ =	shalt  }
0x80: {  	_ =	shalt  }
0x81: {  	_ =	shalt  }
0x82: {  	_ =	shalt  }
0x83: {  	_ =	shalt  }
0x84: {  	_ =	shalt  }
0x85: {  	_ =	shalt  }
0x86: {  	_ =	shalt  }
0x87: {  	_ =	shalt  }
.Lfunc_end0:
.L_simem_size_0:
called_computation_lowered:
.L_overlay_start_0:
0x88: {  	s2 =	sld [smem:$0x3FD9]  }
0x89: {  	s3 =	sld [smem:$0x3FFE];
	_ =	sdelay $0x1  }
0x8a: {  	s1 =	srdreg.scid  }
0x8b: {  	s0 =	sand.u32 $0x1, s1  }
0x8c: {  	s17 =	sshll.u32 s0, $0xA;
	s2 =	sadd.s32 s3, s2  }
0x8d: {  	s2 =	sadd.s32 s2, s17  }
0x8e: {  	[smem:$0x3FC3] =	sst s2  }
0x8f: {  	_ = 	snop  }
0x90: {  	s2 =	sld [smem:$0x3FC9]  }
0x91: {  	s18 =	sld [smem:$0x3FC8]  }
0x92: {  	s4 =	sld [smem:$0x3FC7]  }
0x93: {  	s5 =	sld [smem:$0x3FD0];
	(tm) =	ssettm $0x1  }
0x94: {  	s6 =	sld [smem:$0x3FFB];
	_ =	sdelay $0x3  }
0x95: {  	_ =	strace s6  }
0x96: {  	s6 =	sld [smem:$0x3FFC];
	_ =	sdelay $0x3  }
0x97: {  	_ =	strace s6  }
0x98: {  	s6 =	sld [smem:$0x3FFD];
	_ =	sdelay $0x3  }
0x99: {  	_ =	strace s6  }
0x9a: {  	_ =	strace $0x8FFFFFFF  }
0x9b: {  	s19 =	sld [smem:$0x3FDB];
	_ =	sdelay $0x1  }
0x9c: {  	s7 =	simm.s32 $_scs_section_size  }
0x9d: {  	s8 =	simm.s32 $_size__tile_overlayer_lowered;
	s9 =	simm.s32 $_tile_overlayer_lowered  }
0x9e: {  	s22 =	simm.s32 $0x1BFF;
	s21 =	sshll.u32 s9, $0x1;
	s6 =	sadd.s32 s7, s19  }
0x9f: {  	s10 =	simm.s32 $0x0;
	s20 =	sshll.u32 s8, $0x1;
	s8 =	sadd.s32 s21, s6  }
0xa0: {  	[timem:s10], [sflag:s22] =	dma.local [hbm:s8], s20  }
0xa1: {  	_ =	swait.ge [sflag:s22], s20  }
0xa2: {  	s7 =	ssub.s32 $0x0, s20;
	[sflag:s22] =	ssyncset.done $0x0  }
0xa3: {  	[sflag:s22] =	ssyncadd.s32 s7;
	_ =	sdelay $0x1  }
0xa4: {  	s23 =	simm.s32 $0x1B8B  }
0xa5: {  	_ =	swait.ge [sflag:s23], $0x1  }
0xa6: {  	[sflag:s23] =	ssyncset.done $0x0  }
0xa7: {  	s25 =	simm.s32 $0x1B8E;
	s24 =	sld [smem:$0x3FFE];
	[sflag:s23] =	ssyncadd.s32 $0xFFFFFFFF  }
0xa8: {  	s26 =	simm.s32 $execute0_lowered;
	[smem:$0x3FD2] =	sst s25  }
0xa9: {  	s8 =	sshll.u32 s26, $0x1;
	_ =	strace $0x80000046;
	[dreg:$0x1] =	wrdreg $0xFFFFFFFF  }
0xaa: {  	s28 =	simm.s32 $_size_execute0_lowered;
	s6 =	sadd.s32 s6, s8;
	[dreg:$0x0] =	wrdreg $0x0  }
0xab: {  	s8 =	sshll.u32 s28, $0x1;
	[dreg:$0x2] =	wrdreg s6  }
0xac: {  	[dreg:$0x3] =	wrdreg s8  }
0xad: {  	[dreg:$0x4] =	wrdreg $0xC0  }
0xae: {  	_ =	task [dreg:s10], $0x5FFFF  }
0xaf: {  	[dreg:$0x1] =	wrdreg $0xFFFFFFFF  }
0xb0: {  	[dreg:$0x0] =	wrdreg $0x60  }
0xb1: {  	[dreg:$0x2] =	wrdreg s2  }
0xb2: {  	[dreg:$0x3] =	wrdreg s4  }
0xb3: {  	[dreg:$0x4] =	wrdreg s18  }
0xb4: {  	[dreg:$0x5] =	wrdreg s24  }
0xb5: {  	[dreg:$0x6] =	wrdreg s5  }
0xb6: {  	[dreg:$0x7] =	wrdreg $0x9  }
0xb7: {  	_ =	task.clear_ibuf [dreg:s10], $0x8FFFF;
	_ =	strace $0x90000046  }
0xb8: {  	s29 =	simm.s32 $0x9;
	_ =	strace $0x80000048  }
0xb9: {  	_ =	swait.ge [sflag:s29], $0x1  }
0xba: {  	[sflag:s29] =	ssyncadd.s32 $0xFFFFFFFF  }
0xbb: {  	_ =	strace $0x90000048  }
0xbc: {  	_ =	sfence  }
0xbd: {  	s30 =	sld [smem:$0x0];
	_ =	sdelay $0x2  }
0xbe: {  	s31 =	sshll.u32 s1, $0xD;
	s1 =	sshrl.u32 s1, $0x2  }
0xbf: {  	s3 =	sand.u32 $0x4000, s31;
	s1 =	sadd.s32 s1, s30  }
0xc0: {  	s0 =	sor.u32 s3, s0;
	s1 =	sshll.u32 s1, $0x11  }
0xc1: {  	s0 =	sor.u32 s1, s0  }
0xc2: {  	s0 =	sadd.s32 $0x8F2B, s0  }
0xc3: {  	[sflag:s0] =	ssyncadd.remote.s32 $0x1  }
0xc4: {  	_ =	sfence.sel $0xFFFF  }
0xc5: {  	[dreg:$0x0] =	wrdreg $0xFFFFFFFF;
	(pc) =	sbr.abs _section_cstart, $3  }
0xc6: {  	[dreg:$0x1] =	wrdreg $0xFFFFFFFF  }
0xc7: {  	_ =	task.clear_ibuf [dreg:s10], $0x2FFFF;
	_ =	strace $0x9FFFFFFF  }
0xc8: {  	(tm) =	ssettm $0x7FFFFFFF  }
0xc9: {  	_ =	shalt  }
tec
execute0_lowered:
.L_overlay_start_1:
0x0: {  	(tag) =	ssettag $0x1  }
0x1: {  	v0 =	vimm.s32 $0xFEDCBA98;
	v1 =	vimm.s32 $0x76543210  }
0x2: {  	v2 =	vimm.s32 $0x3210FEDC;
	v3 =	vimm.s32 $0xBA987654;
	v4 =	vimm.s32 $0x10FEDCBA  }
0x3: {  	v5 =	vimm.s32 $0x98765432;
	v6 =	vimm.s32 $0xFEDCBA9;
	v7 =	vimm.s32 $0x87654321  }
0x4: {  	v0 =	vunpack.c.l.s4.s8 v0;
	v2 =	vunpack.c.l.s4.s8 v2;
	v3 =	vunpack.c.l.s4.s8 v3  }
0x5: {  	v1 =	vunpack.c.l.s4.s8 v1;
	v4 =	vunpack.c.l.s4.s8 v4;
	v5 =	vunpack.c.l.s4.s8 v5  }
0x6: {  	s0 =	rddreg [dreg:$0x3];
	v6 =	vunpack.c.l.s4.s8 v6;
	v2 =	vunpack.c.0.s8.s32 v2;
	v3 =	vunpack.c.0.s8.s32 v3  }
0x7: {  	s14 =	rddreg [dreg:$0x4];
	v7 =	vunpack.c.l.s4.s8 v7;
	v4 =	vunpack.c.0.s8.s32 v4;
	v5 =	vunpack.c.0.s8.s32 v5  }
0x8: {  	s5 =	simm.s32 $0x0;
	s1 =	srdreg.scid;
	s3 =	stileid.u32;
	v0 =	vunpack.c.0.s8.s32 v0;
	v6 =	vunpack.c.0.s8.s32 v6;
	v2 =	vcombine.low v3, v2  }
0x9: {  	[smem:$0x7FF] =	sst s5;
	s1 =	sand.u32 $0x1, s1;
	s6 =	sadd.s32 $0x400, s0;
	v7 =	vunpack.c.0.s8.s32 v7;
	v1 =	vunpack.c.0.s8.s32 v1;
	v58 =	vcombine.low v5, v4  }
0xa: {  	s0 =	sadd.s32 $0xF42800, s0;
	s31 =	sshll.u32 s3, $0xA;
	s2 =	ssub.s32 $0x2, s1;
	v0 =	vand.u32 $0xF, v0;
	v30 =	vand.u32 $0xF, v2  }
0xb: {  	_ =	strace $0x80000047;
	s1 =	sshll.u32 s1, $0x9;
	s30 =	sshrl.u32 s2, $0x1;
	v59 =	vcombine.low v7, v6;
	v60 =	vcombine.low v0, v1;
	v36 =	vand.u32 $0xF, v58;
	[tilespmem:$0x1FFC0] =	vst v30  }
0xc: {  	[smem:$0x7FB] =	sst s0;
	s1 =	sor.u32 s1, s31;
	s0 =	ssub.s32 s2, s30;
	[tilespmem:$0x1FFD0] =	vst v36  }
0xd: {  	[smem:$0x7FC] =	sst s1;
	s0 =	smax.u32 s0, $0x1;
	v47 =	vand.u32 $0xF, v59;
	[tilespmem:$0x1FFE0] =	vst v60  }
0xe: {  	s4 =	simm.s32 $0x2;
	s1 =	simm.s32 $0x0;
	[smem:$0x7FD] =	sst s0;
	[tilespmem:$0x1FFF0] =	vst v47  }
.LBB2_1:
0xf: {  	[smem:$0x7FA] =	sst s1;
	s0 =	simm.s32 $0x0  }
.LBB2_2:
0x10: {  	s1 =	sld [smem:$0x7FC];
	_ =	sdelay $0x1  }
0x11: {  	[smem:$0x7F8] =	sst s0;
	s20 =	sshll.u32 s0, $0x7  }
0x12: {  	s21 =	rddreg [dreg:$0x0];
	s0 =	sadd.s32 s1, s20  }
0x13: {  	[smem:$0x7F9] =	sst s0;
	s0 =	sshrl.u32 s0, $0x3  }
0x14: {  	s2 =	simm.s32 $0x0;
	s1 =	sadd.s32 s21, s0  }
0x15: {  	[tilespmem:s2], [sflag:$0x2] =	stream.linear.gather [hbm4b:s1+s2], $0x80, $0x38;
	[tilespmem:$0x10180] =	vst v63  }
0x16: {  	_ =	swait.ge [sflag:s4], $0x80  }
0x17: {  	[sflag:s4] =	ssyncset.done $0x0  }
0x18: {  	[sflag:s4] =	ssyncadd.s32 $0xFFFFFF80  }
0x19: {  	s22 =	rddreg [dreg:$0x1]  }
0x1a: {  	s3 =	simm.s32 $0x80;
	s1 =	sadd.s32 s22, s0  }
0x1b: {  	[tilespmem:s3], [sflag:$0x2] =	stream.linear.gather [hbm4b:s1+s2], $0x80, $0x38;
	[tilespmem:$0x10180] =	vst v63  }
0x1c: {  	_ =	swait.ge [sflag:s4], $0x80  }
0x1d: {  	[sflag:s4] =	ssyncset.done $0x0  }
0x1e: {  	[sflag:s4] =	ssyncadd.s32 $0xFFFFFF80  }
0x1f: {  	s23 =	rddreg [dreg:$0x2]  }
0x20: {  	s24 =	simm.s32 $0x100;
	s0 =	sadd.s32 s23, s0  }
0x21: {  	[tilespmem:s24], [sflag:$0x2] =	stream.linear.gather [hbm4b:s0+s2], $0x80, $0x38;
	[tilespmem:$0x10180] =	vst v63  }
0x22: {  	_ =	swait.ge [sflag:s4], $0x80  }
0x23: {  	[sflag:s4] =	ssyncset.done $0x0  }
0x24: {  	[sflag:s4] =	ssyncadd.s32 $0xFFFFFF80  }
0x25: {  	v0 =	vld [tilespmem:s2+$0x0]  }
0x26: {  	v1 =	vld [tilespmem:s3+$0x0]  }
0x27: {  	v2 =	vld [tilespmem:s24+$0x0];
	_ =	sdelay $0x2  }
0x28: {  	v6 =	vshll.u32 v0, $0x4  }
0x29: {  	v5 =	vshll.u32 v1, $0x4;
	(v2sf) =	vpush v6, $0x0  }
0x2a: {  	v4 =	vshll.u32 v2, $0x4;
	(v2sf) =	vpush v5, $0x0  }
0x2b: {  	(v2sf) =	vpush v4, $0x0;
	_ =	sdelay $0x2  }
0x2c: {  	(v2sf) =	vpush v6, $0x1  }
0x2d: {  	(v2sf) =	vpush v5, $0x1;
	_ =	sdelay $0x1  }
0x2e: {  	(v2sf) =	vpush v4, $0x1;
	_ =	sdelay $0x1  }
0x2f: {  	s18 =	simm.s32 $0x2000;
	(v2sf) =	vpush v6, $0x2  }
0x30: {  	s17 =	simm.s32 $0x0;
	s26 =	simm.s32 $0x90;
	s16 =	simm.s32 $0x110  }
0x31: {  	s25 =	simm.s32 $0x8180;
	s28 =	simm.s32 $0x180;
	s7 =	simm.s32 $0x4180  }
0x32: {  	s10 =	simm.s32 $0x8200;
	s11 =	simm.s32 $0x300;
	s15 =	simm.s32 $0x200  }
0x33: {  	s29 =	simm.s32 $0x8800;
	s30 =	simm.s32 $0x4800;
	s20 =	simm.s32 $0x4200  }
0x34: {  	s1 =	simm.s32 $0x580;
	s0 =	simm.s32 $0x600;
	s8 =	spop (v2sf)  }
0x35: {  	s4 =	simm.s32 $0x4300;
	(v2sf) =	vpush v5, $0x2;
	s8 =	sand.u32 $0x1FFFFFF0, s8;
	s9 =	spop (v2sf)  }
0x36: {  	s2 =	simm.s32 $0x500;
	s8 =	sadd.s32 s6, s8;
	s12 =	spop (v2sf)  }
0x37: {  	(v2sf) =	vpush v4, $0x2;
	[tilespmem:s28], [sflag:$0x1] =	stream.linear.gather [hbm4b:s8+s5], $0x80, $0x38;
	[tilespmem:$0x10180] =	vst v63  }
0x38: {  	s3 =	simm.s32 $0x8600;
	s31 =	sand.u32 $0x1FFFFFF0, s9;
	(v2sf) =	vpush v6, $0x3;
	s9 =	sand.u32 $0x1FFFFFF0, s12  }
0x39: {  	s12 =	spop (v2sf);
	s8 =	sadd.s32 s6, s31;
	s28 =	simm.s32 $0x280  }
0x3a: {  	(v2sf) =	vpush v5, $0x3;
	s13 =	sand.u32 $0x1FFFFFF0, s12;
	s9 =	sadd.s32 s14, s9;
	s19 =	spop (v2sf)  }
0x3b: {  	[tilespmem:s7], [sflag:$0x1] =	stream.linear.gather [hbm4b:s8+s5], $0x80, $0x38;
	[tilespmem:$0x10180] =	vst v63  }
0x3c: {  	(v2sf) =	vpush v4, $0x3;
	s12 =	simm.s32 $0x4280;
	s7 =	simm.s32 $0x8300;
	s22 =	spop (v2sf)  }
0x3d: {  	[tilespmem:s25], [sflag:$0x1] =	stream.linear.gather [hbm4b:s9+s5], $0x80, $0x38;
	[tilespmem:$0x10180] =	vst v63  }
0x3e: {  	s8 =	sadd.s32 s6, s13;
	(v2sf) =	vpush v6, $0x4;
	s21 =	sand.u32 $0x1FFFFFF0, s19;
	s13 =	spop (v2sf)  }
0x3f: {  	[tilespmem:s15], [sflag:$0x1] =	stream.linear.gather [hbm4b:s8+s5], $0x80, $0x38;
	[tilespmem:$0x10180] =	vst v63  }
0x40: {  	s23 =	sand.u32 $0x1FFFFFF0, s22;
	(v2sf) =	vpush v5, $0x4;
	s25 =	sand.u32 $0x1FFFFFF0, s13;
	s8 =	sadd.s32 s6, s21  }
0x41: {  	[tilespmem:s20], [sflag:$0x1] =	stream.linear.gather [hbm4b:s8+s5], $0x80, $0x38;
	[tilespmem:$0x10180] =	vst v63  }
0x42: {  	s9 =	simm.s32 $0x4400;
	s24 =	sadd.s32 s14, s23;
	s8 =	sadd.s32 s6, s25  }
0x43: {  	[tilespmem:s10], [sflag:$0x1] =	stream.linear.gather [hbm4b:s24+s5], $0x80, $0x38;
	[tilespmem:$0x10180] =	vst v63  }
0x44: {  	s20 =	simm.s32 $0x8280;
	s24 =	simm.s32 $0x4380;
	s31 =	spop (v2sf);
	(v2sf) =	vpush v4, $0x4  }
0x45: {  	[tilespmem:s28], [sflag:$0x1] =	stream.linear.gather [hbm4b:s8+s5], $0x80, $0x38;
	[tilespmem:$0x10180] =	vst v63  }
0x46: {  	s13 =	sand.u32 $0x1FFFFFF0, s31;
	s15 =	spop (v2sf);
	s31 =	simm.s32 $0x8380  }
0x47: {  	(v2sf) =	vpush v6, $0x5;
	s8 =	sadd.s32 s6, s13;
	s10 =	sand.u32 $0x1FFFFFF0, s15;
	s19 =	spop (v2sf)  }
0x48: {  	[tilespmem:s12], [sflag:$0x1] =	stream.linear.gather [hbm4b:s8+s5], $0x80, $0x38;
	[tilespmem:$0x10180] =	vst v63  }
0x49: {  	(v2sf) =	vpush v5, $0x5;
	s21 =	sadd.s32 s14, s10;
	s22 =	sand.u32 $0x1FFFFFF0, s19;
	s23 =	spop (v2sf)  }
0x4a: {  	[tilespmem:s20], [sflag:$0x1] =	stream.linear.gather [hbm4b:s21+s5], $0x80, $0x38;
	[tilespmem:$0x10180] =	vst v63  }
0x4b: {  	s10 =	sadd.s32 s6, s22;
	s8 =	sand.u32 $0x1FFFFFF0, s23;
	s25 =	spop (v2sf)  }
0x4c: {  	(v2sf) =	vpush v4, $0x5;
	[tilespmem:s11], [sflag:$0x1] =	stream.linear.gather [hbm4b:s10+s5], $0x80, $0x38;
	[tilespmem:$0x10180] =	vst v63  }
0x4d: {  	(v2sf) =	vpush v6, $0x6;
	s8 =	sadd.s32 s6, s8;
	s28 =	spop (v2sf);
	s11 =	sand.u32 $0x1FFFFFF0, s25  }
0x4e: {  	(v2sf) =	vpush v5, $0x6;
	[tilespmem:s4], [sflag:$0x1] =	stream.linear.gather [hbm4b:s8+s5], $0x80, $0x38;
	[tilespmem:$0x10180] =	vst v63  }
0x4f: {  	s13 =	sand.u32 $0x1FFFFFF0, s28;
	s19 =	spop (v2sf);
	s11 =	sadd.s32 s14, s11  }
0x50: {  	(v2sf) =	vpush v4, $0x6;
	[tilespmem:s7], [sflag:$0x1] =	stream.linear.gather [hbm4b:s11+s5], $0x80, $0x38;
	[tilespmem:$0x10180] =	vst v63  }
0x51: {  	s15 =	simm.s32 $0x380;
	s20 =	sadd.s32 s6, s13;
	s21 =	sand.u32 $0x1FFFFFF0, s19  }
0x52: {  	(v2sf) =	vpush v6, $0x7;
	[tilespmem:s15], [sflag:$0x1] =	stream.linear.gather [hbm4b:s20+s5], $0x80, $0x38;
	[tilespmem:$0x10180] =	vst v63  }
0x53: {  	s12 =	simm.s32 $0x4900;
	s7 =	sadd.s32 s6, s21;
	s22 =	spop (v2sf)  }
0x54: {  	[tilespmem:s24], [sflag:$0x1] =	stream.linear.gather [hbm4b:s7+s5], $0x80, $0x38;
	[tilespmem:$0x10180] =	vst v63  }
0x55: {  	s28 =	simm.s32 $0x400;
	s10 =	simm.s32 $0x4480;
	s11 =	sand.u32 $0x1FFFFFF0, s22  }
0x56: {  	s8 =	simm.s32 $0x680;
	s23 =	spop (v2sf);
	s24 =	sadd.s32 s14, s11  }
0x57: {  	[tilespmem:s31], [sflag:$0x1] =	stream.linear.gather [hbm4b:s24+s5], $0x80, $0x38;
	[tilespmem:$0x10180] =	vst v63  }
0x58: {  	s21 =	simm.s32 $0x8400;
	(v2sf) =	vpush v5, $0x7;
	s25 =	sand.u32 $0x1FFFFFF0, s23;
	s31 =	spop (v2sf)  }
0x59: {  	s7 =	simm.s32 $0x4680;
	(v2sf) =	vpush v4, $0x7;
	s13 =	sadd.s32 s6, s25;
	s15 =	sand.u32 $0x1FFFFFF0, s31  }
0x5a: {  	[tilespmem:s28], [sflag:$0x1] =	stream.linear.gather [hbm4b:s13+s5], $0x80, $0x38;
	[tilespmem:$0x10180] =	vst v63  }
0x5b: {  	(v2sf) =	vpush v6, $0x8;
	s24 =	simm.s32 $0x480;
	s19 =	spop (v2sf);
	s4 =	sadd.s32 s6, s15  }
0x5c: {  	s11 =	sand.u32 $0x1FFFFFF0, s19;
	s20 =	spop (v2sf);
	s13 =	simm.s32 $0x8480  }
0x5d: {  	(v2sf) =	vpush v5, $0x8;
	s22 =	sadd.s32 s14, s11;
	s23 =	sand.u32 $0x1FFFFFF0, s20;
	s25 =	spop (v2sf)  }
0x5e: {  	[tilespmem:s9], [sflag:$0x1] =	stream.linear.gather [hbm4b:s4+s5], $0x80, $0x38;
	[tilespmem:$0x10180] =	vst v63  }
0x5f: {  	(v2sf) =	vpush v4, $0x8;
	s11 =	sadd.s32 s6, s23;
	s9 =	sand.u32 $0x1FFFFFF0, s25;
	s28 =	spop (v2sf)  }
0x60: {  	(v2sf) =	vpush v6, $0x9;
	[tilespmem:s21], [sflag:$0x1] =	stream.linear.gather [hbm4b:s22+s5], $0x80, $0x38;
	[tilespmem:$0x10180] =	vst v63  }
0x61: {  	s4 =	simm.s32 $0x4600;
	s9 =	sadd.s32 s6, s9;
	s31 =	spop (v2sf)  }
0x62: {  	[tilespmem:s24], [sflag:$0x1] =	stream.linear.gather [hbm4b:s11+s5], $0x80, $0x38;
	[tilespmem:$0x10180] =	vst v63  }
0x63: {  	s19 =	sand.u32 $0x1FFFFFF0, s31;
	s21 =	simm.s32 $0x4500;
	s11 =	sand.u32 $0x1FFFFFF0, s28  }
0x64: {  	(v2sf) =	vpush v5, $0x9;
	[tilespmem:s10], [sflag:$0x1] =	stream.linear.gather [hbm4b:s9+s5], $0x80, $0x38;
	[tilespmem:$0x10180] =	vst v63  }
0x65: {  	s31 =	simm.s32 $0x8580;
	s24 =	simm.s32 $0x8500;
	s15 =	sadd.s32 s14, s11  }
0x66: {  	[tilespmem:s13], [sflag:$0x1] =	stream.linear.gather [hbm4b:s15+s5], $0x80, $0x38;
	[tilespmem:$0x10180] =	vst v63  }
0x67: {  	s11 =	sadd.s32 s6, s19;
	s9 =	simm.s32 $0x4580;
	s20 =	spop (v2sf)  }
0x68: {  	(v2sf) =	vpush v4, $0x9;
	s13 =	simm.s32 $0x800;
	s10 =	sand.u32 $0x1FFFFFF0, s20;
	s22 =	spop (v2sf)  }
0x69: {  	(v2sf) =	vpush v6, $0xA;
	[tilespmem:s2], [sflag:$0x1] =	stream.linear.gather [hbm4b:s11+s5], $0x80, $0x38;
	[tilespmem:$0x10180] =	vst v63  }
0x6a: {  	s10 =	sadd.s32 s6, s10;
	s11 =	sand.u32 $0x1FFFFFF0, s22;
	s23 =	spop (v2sf)  }
0x6b: {  	(v2sf) =	vpush v5, $0xA;
	[tilespmem:s21], [sflag:$0x1] =	stream.linear.gather [hbm4b:s10+s5], $0x80, $0x38;
	[tilespmem:$0x10180] =	vst v63  }
0x6c: {  	s25 =	sadd.s32 s14, s11;
	s28 =	sand.u32 $0x1FFFFFF0, s23;
	s15 =	spop (v2sf)  }
0x6d: {  	(v2sf) =	vpush v4, $0xA;
	[tilespmem:s24], [sflag:$0x1] =	stream.linear.gather [hbm4b:s25+s5], $0x80, $0x38;
	[tilespmem:$0x10180] =	vst v63  }
0x6e: {  	s11 =	sadd.s32 s6, s28;
	s19 =	sand.u32 $0x1FFFFFF0, s15;
	s20 =	spop (v2sf)  }
0x6f: {  	(v2sf) =	vpush v6, $0xB;
	s10 =	sand.u32 $0x1FFFFFF0, s20;
	s21 =	spop (v2sf);
	s20 =	simm.s32 $0x8680  }
0x70: {  	(v2sf) =	vpush v5, $0xB;
	[tilespmem:s1], [sflag:$0x1] =	stream.linear.gather [hbm4b:s11+s5], $0x80, $0x38;
	[tilespmem:$0x10180] =	vst v63  }
0x71: {  	s1 =	sadd.s32 s6, s19;
	s22 =	sadd.s32 s14, s10;
	s23 =	sand.u32 $0x1FFFFFF0, s21  }
0x72: {  	(v2sf) =	vpush v4, $0xB;
	[tilespmem:s9], [sflag:$0x1] =	stream.linear.gather [hbm4b:s1+s5], $0x80, $0x38;
	[tilespmem:$0x10180] =	vst v63  }
0x73: {  	s21 =	simm.s32 $0x10;
	s24 =	spop (v2sf);
	s10 =	simm.s32 $0x8880  }
0x74: {  	(v2sf) =	vpush v6, $0xC;
	[tilespmem:s31], [sflag:$0x1] =	stream.linear.gather [hbm4b:s22+s5], $0x80, $0x38;
	[tilespmem:$0x10180] =	vst v63  }
0x75: {  	s25 =	sadd.s32 s6, s23;
	s23 =	simm.s32 $0x700;
	s1 =	sand.u32 $0x1FFFFFF0, s24  }
0x76: {  	[tilespmem:s0], [sflag:$0x1] =	stream.linear.gather [hbm4b:s25+s5], $0x80, $0x38;
	[tilespmem:$0x10180] =	vst v63  }
0x77: {  	s1 =	sadd.s32 s6, s1;
	s0 =	simm.s32 $0x4780;
	s28 =	spop (v2sf)  }
0x78: {  	s25 =	simm.s32 $0x4700;
	s2 =	sand.u32 $0x1FFFFFF0, s28;
	s31 =	spop (v2sf)  }
0x79: {  	(v2sf) =	vpush v5, $0xC;
	[tilespmem:s4], [sflag:$0x1] =	stream.linear.gather [hbm4b:s1+s5], $0x80, $0x38;
	[tilespmem:$0x10180] =	vst v63  }
0x7a: {  	s4 =	sadd.s32 s14, s2;
	s9 =	sand.u32 $0x1FFFFFF0, s31;
	s11 =	spop (v2sf)  }
0x7b: {  	(v2sf) =	vpush v4, $0xC;
	[tilespmem:s3], [sflag:$0x1] =	stream.linear.gather [hbm4b:s4+s5], $0x80, $0x38;
	[tilespmem:$0x10180] =	vst v63  }
0x7c: {  	s2 =	sadd.s32 s6, s9;
	s3 =	sand.u32 $0x1FFFFFF0, s11;
	s15 =	spop (v2sf)  }
0x7d: {  	(v2sf) =	vpush v6, $0xD;
	[tilespmem:s8], [sflag:$0x1] =	stream.linear.gather [hbm4b:s2+s5], $0x80, $0x38;
	[tilespmem:$0x10180] =	vst v63  }
0x7e: {  	s1 =	simm.s32 $0x8700;
	s3 =	sadd.s32 s6, s3;
	s19 =	spop (v2sf)  }
0x7f: {  	s4 =	sand.u32 $0x1FFFFFF0, s15;
	s2 =	simm.s32 $0x780;
	(v2sf) =	vpush v5, $0xD;
	s24 =	spop (v2sf)  }
0x80: {  	[tilespmem:s7], [sflag:$0x1] =	stream.linear.gather [hbm4b:s3+s5], $0x80, $0x38;
	[tilespmem:$0x10180] =	vst v63  }
0x81: {  	s4 =	sadd.s32 s14, s4;
	s22 =	sand.u32 $0x1FFFFFF0, s19;
	s28 =	spop (v2sf)  }
0x82: {  	[tilespmem:s20], [sflag:$0x1] =	stream.linear.gather [hbm4b:s4+s5], $0x80, $0x38;
	[tilespmem:$0x10180] =	vst v63  }
0x83: {  	s8 =	simm.s32 $0x880;
	s7 =	sadd.s32 s6, s22;
	s31 =	spop (v2sf)  }
0x84: {  	[tilespmem:s23], [sflag:$0x1] =	stream.linear.gather [hbm4b:s7+s5], $0x80, $0x38;
	[tilespmem:$0x10180] =	vst v63  }
0x85: {  	s4 =	sand.u32 $0x1FFFFFF0, s24;
	s11 =	sand.u32 $0x1FFFFFF0, s31;
	s7 =	sand.u32 $0x1FFFFFF0, s28  }
0x86: {  	s4 =	sadd.s32 s6, s4;
	s19 =	sadd.s32 s6, s11;
	s9 =	sadd.s32 s14, s7  }
0x87: {  	[tilespmem:s25], [sflag:$0x1] =	stream.linear.gather [hbm4b:s4+s5], $0x80, $0x38;
	[tilespmem:$0x10180] =	vst v63  }
0x88: {  	s7 =	simm.s32 $0x900;
	s4 =	simm.s32 $0x4880;
	s15 =	spop (v2sf)  }
0x89: {  	(v2sf) =	vpush v4, $0xD;
	[tilespmem:s1], [sflag:$0x1] =	stream.linear.gather [hbm4b:s9+s5], $0x80, $0x38;
	[tilespmem:$0x10180] =	vst v63  }
0x8a: {  	s25 =	simm.s32 $0x8780;
	(v2sf) =	vpush v6, $0xE;
	s20 =	sand.u32 $0x1FFFFFF0, s15;
	s22 =	spop (v2sf)  }
0x8b: {  	(v2sf) =	vpush v5, $0xE;
	[tilespmem:s2], [sflag:$0x1] =	stream.linear.gather [hbm4b:s19+s5], $0x80, $0x38;
	[tilespmem:$0x10180] =	vst v63  }
0x8c: {  	s23 =	sadd.s32 s6, s20;
	s24 =	sand.u32 $0x1FFFFFF0, s22;
	(v2sf) =	vpush v4, $0xE;
	s31 =	spop (v2sf)  }
0x8d: {  	(v2sf) =	vpush v6, $0xF;
	[tilespmem:s0], [sflag:$0x1] =	stream.linear.gather [hbm4b:s23+s5], $0x80, $0x38;
	[tilespmem:$0x10180] =	vst v63  }
0x8e: {  	s28 =	sadd.s32 s14, s24;
	(v2sf) =	vpush v5, $0xF;
	s0 =	sand.u32 $0x1FFFFFF0, s31;
	s1 =	spop (v2sf)  }
0x8f: {  	(v2sf) =	vpush v4, $0xF;
	[tilespmem:s25], [sflag:$0x1] =	stream.linear.gather [hbm4b:s28+s5], $0x80, $0x38;
	[tilespmem:$0x10180] =	vst v63  }
.LBB2_3:
0x90: {  	_ =	sdelay $0x3  }
0x91: {  	s0 =	sadd.s32 s6, s0;
	s1 =	sand.u32 $0x1FFFFFF0, s1  }
0x92: {  	[tilespmem:s13], [sflag:$0x1] =	stream.linear.gather [hbm4b:s0+s5], $0x80, $0x38;
	[tilespmem:$0x10180] =	vst v63  }
0x93: {  	s15 =	sadd.s32 s6, s1  }
0x94: {  	[tilespmem:s30], [sflag:$0x1] =	stream.linear.gather [hbm4b:s15+s5], $0x80, $0x38;
	[tilespmem:$0x10180] =	vst v63  }
0x95: {  	s2 =	spop (v2sf)  }
0x96: {  	s19 =	sand.u32 $0x1FFFFFF0, s2;
	s20 =	spop (v2sf)  }
0x97: {  	s22 =	sadd.s32 s14, s19;
	s23 =	sand.u32 $0x1FFFFFF0, s20  }
0x98: {  	[tilespmem:s29], [sflag:$0x1] =	stream.linear.gather [hbm4b:s22+s5], $0x80, $0x38;
	[tilespmem:$0x10180] =	vst v63  }
0x99: {  	s3 =	smov.u32 s18;
	s24 =	spop (v2sf);
	s25 =	sadd.s32 s6, s23  }
0x9a: {  	s28 =	sand.u32 $0x1FFFFFF0, s24;
	s31 =	spop (v2sf);
	s24 =	sadd.s32 $0x8900, s17  }
0x9b: {  	s17 =	sshra.s32 s3, $0x2;
	s1 =	sadd.s32 s6, s28;
	s9 =	spop (v2sf)  }
0x9c: {  	[tilespmem:s8], [sflag:$0x1] =	stream.linear.gather [hbm4b:s25+s5], $0x80, $0x38;
	[tilespmem:$0x10180] =	vst v63  }
0x9d: {  	s28 =	sadd.s32 $0x4300, s17;
	s3 =	sadd.s32 $0x600, s17;
	s8 =	sand.u32 $0x1FFFFFF0, s31  }
0x9e: {  	s13 =	sand.u32 $0x1FFFFFF0, s9;
	s15 =	spop (v2sf);
	[dreg:$0x1d] =	wrdreg s28  }
0x9f: {  	s31 =	sadd.s32 $0x500, s17;
	[dreg:$0xd] =	wrdreg s3;
	s9 =	sadd.s32 $0x4380, s17  }
0xa0: {  	[tilespmem:s4], [sflag:$0x1] =	stream.linear.gather [hbm4b:s1+s5], $0x80, $0x38;
	[tilespmem:$0x10180] =	vst v63  }
0xa1: {  	s3 =	sadd.s32 $0x4680, s17;
	s11 =	sadd.s32 s14, s8;
	s19 =	sadd.s32 s6, s13  }
0xa2: {  	[tilespmem:s10], [sflag:$0x1] =	stream.linear.gather [hbm4b:s11+s5], $0x80, $0x38;
	[tilespmem:$0x10180] =	vst v63  }
0xa3: {  	s20 =	sand.u32 $0x1FFFFFF0, s15;
	s22 =	spop (v2sf);
	[dreg:$0x12] =	wrdreg s31  }
0xa4: {  	[tilespmem:s7], [sflag:$0x1] =	stream.linear.gather [hbm4b:s19+s5], $0x80, $0x38;
	[tilespmem:$0x10180] =	vst v63  }
0xa5: {  	[dreg:$0x1c] =	wrdreg s9;
	s23 =	sadd.s32 s6, s20;
	s2 =	sand.u32 $0x1FFFFFF0, s22  }
0xa6: {  	[tilespmem:s12], [sflag:$0x1] =	stream.linear.gather [hbm4b:s23+s5], $0x80, $0x38;
	[tilespmem:$0x10180] =	vst v63  }
0xa7: {  	s8 =	sadd.s32 $0x8600, s17;
	[dreg:$0x8] =	wrdreg s3;
	s25 =	sadd.s32 s14, s2  }
0xa8: {  	[tilespmem:s24], [sflag:$0x1] =	stream.linear.gather [hbm4b:s25+s5], $0x80, $0x38;
	[tilespmem:$0x10180] =	vst v63  }
0xa9: {  	s13 =	sadd.s32 $0x4480, s17;
	[dreg:$0xb] =	wrdreg s8;
	v0 =	vld [tilespmem:s21+$0x0]  }
0xaa: {  	s15 =	sadd.s32 $0x4600, s17;
	[dreg:$0x17] =	wrdreg s13;
	v1 =	vld [tilespmem:s26+$0x0]  }
0xab: {  	p0 =	sne.s32 s18, $0xE000;
	s31 =	sadd.s32 $0x4500, s17;
	[dreg:$0xf] =	wrdreg s15;
	v2 =	vld [tilespmem:s16+$0x0]  }
0xac: {  	s18 =	sadd.s32 $0x2000, s18;
	s3 =	sadd.s32 $0x8500, s17;
	[dreg:$0x16] =	wrdreg s31  }
0xad: {  	s0 =	sadd.s32 $0x8180, s17;
	s9 =	sadd.s32 $0x8700, s17;
	[dreg:$0x15] =	wrdreg s3  }
0xae: {  	s30 =	sadd.s32 $0x180, s17;
	s4 =	sadd.s32 $0x8300, s17;
	[dreg:$0x9] =	wrdreg s9;
	v6 =	vshll.u32 v0, $0x4  }
0xaf: {  	s28 =	sadd.s32 $0x300, s17;
	s20 =	sadd.s32 $0x8580, s17;
	[dreg:$0x1f] =	wrdreg s4;
	v5 =	vshll.u32 v1, $0x4;
	(v2sf) =	vpush v6, $0x0  }
0xb0: {  	s1 =	sadd.s32 $0x380, s17;
	s8 =	sadd.s32 $0x4780, s17;
	[dreg:$0x11] =	wrdreg s20;
	v4 =	vshll.u32 v2, $0x4;
	(v2sf) =	vpush v5, $0x0  }
0xb1: {  	s22 =	sadd.s32 $0x200, s17;
	s31 =	sadd.s32 $0x4700, s17;
	[dreg:$0x6] =	wrdreg s8;
	(v2sf) =	vpush v4, $0x0  }
0xb2: {  	s15 =	sadd.s32 $0x4280, s17;
	s2 =	sadd.s32 $0x580, s17;
	[dreg:$0xc] =	wrdreg s31  }
0xb3: {  	s13 =	sadd.s32 $0x800, s17;
	s4 =	sadd.s32 $0x8400, s17;
	[dreg:$0x10] =	wrdreg s2;
	(v2sf) =	vpush v6, $0x1  }
0xb4: {  	s3 =	smov.u32 s18;
	s20 =	sadd.s32 $0x700, s17;
	[dreg:$0x1b] =	wrdreg s4  }
0xb5: {  	s18 =	sadd.s32 $0x4880, s17;
	s10 =	sadd.s32 $0x8380, s17;
	[dreg:$0xe] =	wrdreg s20  }
0xb6: {  	s9 =	sadd.s32 $0x480, s17;
	[dreg:$0x1a] =	wrdreg s10;
	s7 =	sadd.s32 $0x4400, s17;
	(v2sf) =	vpush v5, $0x1  }
0xb7: {  	s8 =	sadd.s32 $0x880, s17;
	s19 =	sadd.s32 $0x4580, s17;
	[dreg:$0x19] =	wrdreg s7  }
0xb8: {  	s11 =	sadd.s32 $0x8200, s17;
	[dreg:$0x13] =	wrdreg s19;
	s7 =	sadd.s32 $0x8480, s17;
	(v2sf) =	vpush v4, $0x1  }
0xb9: {  	s4 =	sadd.s32 $0x8280, s17;
	s19 =	sadd.s32 $0x780, s17;
	[dreg:$0x18] =	wrdreg s7  }
0xba: {  	s10 =	sadd.s32 $0x8880, s17;
	s12 =	sadd.s32 $0x680, s17;
	[dreg:$0x7] =	wrdreg s19;
	(v2sf) =	vpush v6, $0x2  }
0xbb: {  	s23 =	sadd.s32 $0x280, s17;
	s7 =	sadd.s32 $0x900, s17;
	[dreg:$0xa] =	wrdreg s12  }
0xbc: {  	s12 =	sadd.s32 $0x4900, s17;
	s24 =	sadd.s32 $0x4180, s17;
	s25 =	sadd.s32 $0x400, s17;
	(v2sf) =	vpush v5, $0x2  }
0xbd: {  	s26 =	sadd.s32 $0x10, s26;
	s16 =	sadd.s32 $0x10, s16;
	[dreg:$0x1e] =	wrdreg s25  }
0xbe: {  	s21 =	sadd.s32 $0x10, s21;
	s25 =	sadd.s32 $0x4200, s17;
	s29 =	spop (v2sf);
	(v2sf) =	vpush v4, $0x2  }
0xbf: {  	s31 =	sand.u32 $0x1FFFFFF0, s29;
	s29 =	sadd.s32 $0x8800, s17;
	s19 =	spop (v2sf)  }
0xc0: {  	s31 =	sadd.s32 s6, s31;
	s19 =	sand.u32 $0x1FFFFFF0, s19;
	s20 =	spop (v2sf);
	(v2sf) =	vpush v6, $0x3  }
0xc1: {  	[tilespmem:s30], [sflag:$0x1] =	stream.linear.gather [hbm4b:s31+s5], $0x80, $0x38;
	[tilespmem:$0x10180] =	vst v63  }
0xc2: {  	s20 =	sand.u32 $0x1FFFFFF0, s20;
	s30 =	sadd.s32 $0x4800, s17;
	s2 =	spop (v2sf);
	(v2sf) =	vpush v5, $0x3  }
0xc3: {  	s19 =	sadd.s32 s6, s19;
	s31 =	sand.u32 $0x1FFFFFF0, s2;
	s2 =	sadd.s32 $0x8680, s17  }
0xc4: {  	(v2sf) =	vpush v4, $0x3;
	[tilespmem:s24], [sflag:$0x1] =	stream.linear.gather [hbm4b:s19+s5], $0x80, $0x38;
	[tilespmem:$0x10180] =	vst v63  }
0xc5: {  	s20 =	sadd.s32 s14, s20;
	[dreg:$0x14] =	wrdreg s2;
	s2 =	spop (v2sf);
	(v2sf) =	vpush v6, $0x4  }
0xc6: {  	[tilespmem:s0], [sflag:$0x1] =	stream.linear.gather [hbm4b:s20+s5], $0x80, $0x38;
	[tilespmem:$0x10180] =	vst v63  }
0xc7: {  	s19 =	sadd.s32 s6, s31;
	s31 =	sand.u32 $0x1FFFFFF0, s2;
	s2 =	spop (v2sf)  }
0xc8: {  	(v2sf) =	vpush v5, $0x4;
	[tilespmem:s22], [sflag:$0x1] =	stream.linear.gather [hbm4b:s19+s5], $0x80, $0x38;
	[tilespmem:$0x10180] =	vst v63  }
0xc9: {  	s20 =	sand.u32 $0x1FFFFFF0, s2;
	s19 =	sadd.s32 s6, s31;
	s22 =	spop (v2sf)  }
0xca: {  	(v2sf) =	vpush v4, $0x4;
	[tilespmem:s25], [sflag:$0x1] =	stream.linear.gather [hbm4b:s19+s5], $0x80, $0x38;
	[tilespmem:$0x10180] =	vst v63  }
0xcb: {  	s31 =	sand.u32 $0x1FFFFFF0, s22;
	s2 =	spop (v2sf);
	s25 =	sadd.s32 s14, s20  }
0xcc: {  	[tilespmem:s11], [sflag:$0x1] =	stream.linear.gather [hbm4b:s25+s5], $0x80, $0x38;
	[tilespmem:$0x10180] =	vst v63  }
0xcd: {  	(v2sf) =	vpush v6, $0x5;
	s19 =	sadd.s32 s6, s31;
	s20 =	sand.u32 $0x1FFFFFF0, s2;
	s22 =	spop (v2sf)  }
0xce: {  	[tilespmem:s23], [sflag:$0x1] =	stream.linear.gather [hbm4b:s19+s5], $0x80, $0x38;
	[tilespmem:$0x10180] =	vst v63  }
0xcf: {  	s25 =	sadd.s32 s6, s20;
	s31 =	sand.u32 $0x1FFFFFF0, s22;
	s2 =	spop (v2sf)  }
0xd0: {  	[tilespmem:s15], [sflag:$0x1] =	stream.linear.gather [hbm4b:s25+s5], $0x80, $0x38;
	[tilespmem:$0x10180] =	vst v63  }
0xd1: {  	(v2sf) =	vpush v5, $0x5;
	s11 =	sadd.s32 s14, s31;
	s15 =	sand.u32 $0x1FFFFFF0, s2;
	s19 =	spop (v2sf)  }
0xd2: {  	[tilespmem:s4], [sflag:$0x1] =	stream.linear.gather [hbm4b:s11+s5], $0x80, $0x38;
	[tilespmem:$0x10180] =	vst v63  }
0xd3: {  	s24 =	sadd.s32 $0x8780, s17;
	(v2sf) =	vpush v4, $0x5;
	s20 =	sadd.s32 s6, s15;
	s23 =	spop (v2sf)  }
0xd4: {  	s22 =	sand.u32 $0x1FFFFFF0, s19;
	s15 =	rddreg [dreg:$0x1d];
	s31 =	spop (v2sf)  }
0xd5: {  	(v2sf) =	vpush v6, $0x6;
	[tilespmem:s28], [sflag:$0x1] =	stream.linear.gather [hbm4b:s20+s5], $0x80, $0x38;
	[tilespmem:$0x10180] =	vst v63  }
0xd6: {  	(v2sf) =	vpush v5, $0x6;
	s25 =	sadd.s32 s6, s22;
	s28 =	sand.u32 $0x1FFFFFF0, s23;
	s20 =	sand.u32 $0x1FFFFFF0, s31  }
0xd7: {  	s22 =	spop (v2sf);
	s23 =	rddreg [dreg:$0x1f];
	s19 =	sadd.s32 s14, s28  }
0xd8: {  	[tilespmem:s15], [sflag:$0x1] =	stream.linear.gather [hbm4b:s25+s5], $0x80, $0x38;
	[tilespmem:$0x10180] =	vst v63  }
0xd9: {  	(v2sf) =	vpush v4, $0x6;
	s28 =	sand.u32 $0x1FFFFFF0, s22;
	s25 =	sadd.s32 s6, s20;
	s31 =	spop (v2sf)  }
0xda: {  	[tilespmem:s23], [sflag:$0x1] =	stream.linear.gather [hbm4b:s19+s5], $0x80, $0x38;
	[tilespmem:$0x10180] =	vst v63  }
0xdb: {  	(v2sf) =	vpush v6, $0x7;
	s2 =	sadd.s32 s6, s28;
	s15 =	rddreg [dreg:$0x1c];
	s4 =	sand.u32 $0x1FFFFFF0, s31  }
0xdc: {  	s11 =	spop (v2sf);
	s23 =	rddreg [dreg:$0x1a];
	s19 =	sadd.s32 s14, s4  }
0xdd: {  	(v2sf) =	vpush v5, $0x7;
	[tilespmem:s1], [sflag:$0x1] =	stream.linear.gather [hbm4b:s25+s5], $0x80, $0x38;
	[tilespmem:$0x10180] =	vst v63  }
0xde: {  	s20 =	sand.u32 $0x1FFFFFF0, s11;
	s4 =	smov.u32 s18;
	s18 =	smov.u32 s3  }
0xdf: {  	(v2sf) =	vpush v4, $0x7;
	[tilespmem:s15], [sflag:$0x1] =	stream.linear.gather [hbm4b:s2+s5], $0x80, $0x38;
	[tilespmem:$0x10180] =	vst v63  }
0xe0: {  	s11 =	rddreg [dreg:$0x1e];
	s25 =	sadd.s32 s6, s20;
	s22 =	spop (v2sf)  }
0xe1: {  	[tilespmem:s23], [sflag:$0x1] =	stream.linear.gather [hbm4b:s19+s5], $0x80, $0x38;
	[tilespmem:$0x10180] =	vst v63  }
0xe2: {  	s28 =	sand.u32 $0x1FFFFFF0, s22;
	s22 =	rddreg [dreg:$0x19];
	s31 =	spop (v2sf)  }
0xe3: {  	(v2sf) =	vpush v6, $0x8;
	[tilespmem:s11], [sflag:$0x1] =	stream.linear.gather [hbm4b:s25+s5], $0x80, $0x38;
	[tilespmem:$0x10180] =	vst v63  }
0xe4: {  	s15 =	sadd.s32 s6, s28;
	s19 =	sand.u32 $0x1FFFFFF0, s31;
	s20 =	spop (v2sf)  }
0xe5: {  	(v2sf) =	vpush v5, $0x8;
	s31 =	rddreg [dreg:$0x1b];
	s25 =	sand.u32 $0x1FFFFFF0, s20;
	s28 =	spop (v2sf)  }
0xe6: {  	[tilespmem:s22], [sflag:$0x1] =	stream.linear.gather [hbm4b:s15+s5], $0x80, $0x38;
	[tilespmem:$0x10180] =	vst v63  }
0xe7: {  	s23 =	sadd.s32 s14, s19;
	s1 =	sadd.s32 s6, s25;
	s3 =	sand.u32 $0x1FFFFFF0, s28  }
0xe8: {  	(v2sf) =	vpush v4, $0x8;
	s11 =	spop (v2sf);
	s22 =	rddreg [dreg:$0x17];
	s15 =	sadd.s32 s6, s3  }
0xe9: {  	(v2sf) =	vpush v6, $0x9;
	[tilespmem:s31], [sflag:$0x1] =	stream.linear.gather [hbm4b:s23+s5], $0x80, $0x38;
	[tilespmem:$0x10180] =	vst v63  }
0xea: {  	(v2sf) =	vpush v5, $0x9;
	s19 =	sand.u32 $0x1FFFFFF0, s11;
	s20 =	spop (v2sf);
	s11 =	rddreg [dreg:$0x12]  }
0xeb: {  	[tilespmem:s9], [sflag:$0x1] =	stream.linear.gather [hbm4b:s1+s5], $0x80, $0x38;
	[tilespmem:$0x10180] =	vst v63  }
0xec: {  	(v2sf) =	vpush v4, $0x9;
	s23 =	sadd.s32 s14, s19;
	s25 =	sand.u32 $0x1FFFFFF0, s20;
	s28 =	spop (v2sf)  }
0xed: {  	[tilespmem:s22], [sflag:$0x1] =	stream.linear.gather [hbm4b:s15+s5], $0x80, $0x38;
	[tilespmem:$0x10180] =	vst v63  }
0xee: {  	s31 =	rddreg [dreg:$0x18];
	s2 =	sand.u32 $0x1FFFFFF0, s28;
	s9 =	spop (v2sf)  }
0xef: {  	[tilespmem:s31], [sflag:$0x1] =	stream.linear.gather [hbm4b:s23+s5], $0x80, $0x38;
	[tilespmem:$0x10180] =	vst v63  }
0xf0: {  	(v2sf) =	vpush v6, $0xA;
	s1 =	sadd.s32 s6, s25;
	s15 =	sadd.s32 s6, s2;
	s19 =	sand.u32 $0x1FFFFFF0, s9  }
0xf1: {  	(v2sf) =	vpush v5, $0xA;
	[tilespmem:s11], [sflag:$0x1] =	stream.linear.gather [hbm4b:s1+s5], $0x80, $0x38;
	[tilespmem:$0x10180] =	vst v63  }
0xf2: {  	s22 =	rddreg [dreg:$0x16];
	s23 =	sadd.s32 s14, s19;
	s20 =	spop (v2sf)  }
0xf3: {  	[tilespmem:s22], [sflag:$0x1] =	stream.linear.gather [hbm4b:s15+s5], $0x80, $0x38;
	[tilespmem:$0x10180] =	vst v63  }
0xf4: {  	s31 =	rddreg [dreg:$0x15];
	s25 =	sand.u32 $0x1FFFFFF0, s20;
	s28 =	spop (v2sf)  }
0xf5: {  	(v2sf) =	vpush v4, $0xA;
	s11 =	rddreg [dreg:$0x10];
	s1 =	sadd.s32 s6, s25;
	s2 =	sand.u32 $0x1FFFFFF0, s28  }
0xf6: {  	[tilespmem:s31], [sflag:$0x1] =	stream.linear.gather [hbm4b:s23+s5], $0x80, $0x38;
	[tilespmem:$0x10180] =	vst v63  }
0xf7: {  	(v2sf) =	vpush v6, $0xB;
	s22 =	rddreg [dreg:$0x13];
	s9 =	spop (v2sf);
	s15 =	sadd.s32 s6, s2  }
0xf8: {  	s19 =	sand.u32 $0x1FFFFFF0, s9;
	s20 =	spop (v2sf);
	s31 =	rddreg [dreg:$0x11]  }
0xf9: {  	(v2sf) =	vpush v5, $0xB;
	s23 =	sadd.s32 s14, s19;
	s25 =	sand.u32 $0x1FFFFFF0, s20;
	s28 =	spop (v2sf)  }
0xfa: {  	[tilespmem:s11], [sflag:$0x1] =	stream.linear.gather [hbm4b:s1+s5], $0x80, $0x38;
	[tilespmem:$0x10180] =	vst v63  }
0xfb: {  	s1 =	sadd.s32 s6, s25;
	s2 =	sand.u32 $0x1FFFFFF0, s28;
	s9 =	spop (v2sf)  }
0xfc: {  	[tilespmem:s22], [sflag:$0x1] =	stream.linear.gather [hbm4b:s15+s5], $0x80, $0x38;
	[tilespmem:$0x10180] =	vst v63  }
0xfd: {  	(v2sf) =	vpush v4, $0xB;
	s11 =	rddreg [dreg:$0xd];
	s19 =	sand.u32 $0x1FFFFFF0, s9;
	s15 =	sadd.s32 s6, s2  }
0xfe: {  	[tilespmem:s31], [sflag:$0x1] =	stream.linear.gather [hbm4b:s23+s5], $0x80, $0x38;
	[tilespmem:$0x10180] =	vst v63  }
0xff: {  	(v2sf) =	vpush v6, $0xC;
	s22 =	rddreg [dreg:$0xf];
	s20 =	spop (v2sf);
	s23 =	sadd.s32 s14, s19  }
0x100: {  	s25 =	sand.u32 $0x1FFFFFF0, s20;
	s28 =	spop (v2sf);
	s31 =	rddreg [dreg:$0xb]  }
0x101: {  	[tilespmem:s11], [sflag:$0x1] =	stream.linear.gather [hbm4b:s1+s5], $0x80, $0x38;
	[tilespmem:$0x10180] =	vst v63  }
0x102: {  	s2 =	sand.u32 $0x1FFFFFF0, s28;
	s1 =	sadd.s32 s6, s25;
	s11 =	rddreg [dreg:$0xa]  }
0x103: {  	(v2sf) =	vpush v5, $0xC;
	[tilespmem:s22], [sflag:$0x1] =	stream.linear.gather [hbm4b:s15+s5], $0x80, $0x38;
	[tilespmem:$0x10180] =	vst v63  }
0x104: {  	s15 =	sadd.s32 s6, s2;
	s22 =	rddreg [dreg:$0x8];
	s9 =	spop (v2sf)  }
0x105: {  	(v2sf) =	vpush v4, $0xC;
	[tilespmem:s31], [sflag:$0x1] =	stream.linear.gather [hbm4b:s23+s5], $0x80, $0x38;
	[tilespmem:$0x10180] =	vst v63  }
0x106: {  	(v2sf) =	vpush v6, $0xD;
	s19 =	sand.u32 $0x1FFFFFF0, s9;
	s31 =	rddreg [dreg:$0x14];
	s20 =	spop (v2sf)  }
0x107: {  	[tilespmem:s11], [sflag:$0x1] =	stream.linear.gather [hbm4b:s1+s5], $0x80, $0x38;
	[tilespmem:$0x10180] =	vst v63  }
0x108: {  	(v2sf) =	vpush v5, $0xD;
	s23 =	sadd.s32 s14, s19;
	s25 =	sand.u32 $0x1FFFFFF0, s20;
	s28 =	spop (v2sf)  }
0x109: {  	[tilespmem:s22], [sflag:$0x1] =	stream.linear.gather [hbm4b:s15+s5], $0x80, $0x38;
	[tilespmem:$0x10180] =	vst v63  }
0x10a: {  	s3 =	sadd.s32 s6, s25;
	s9 =	sand.u32 $0x1FFFFFF0, s28;
	s15 =	rddreg [dreg:$0xe]  }
0x10b: {  	[tilespmem:s31], [sflag:$0x1] =	stream.linear.gather [hbm4b:s23+s5], $0x80, $0x38;
	[tilespmem:$0x10180] =	vst v63  }
0x10c: {  	s11 =	spop (v2sf);
	s19 =	sadd.s32 s6, s9;
	s9 =	rddreg [dreg:$0x9]  }
0x10d: {  	[tilespmem:s15], [sflag:$0x1] =	stream.linear.gather [hbm4b:s3+s5], $0x80, $0x38;
	[tilespmem:$0x10180] =	vst v63  }
0x10e: {  	s20 =	sand.u32 $0x1FFFFFF0, s11;
	s22 =	spop (v2sf);
	s23 =	rddreg [dreg:$0xc]  }
0x10f: {  	[tilespmem:s23], [sflag:$0x1] =	stream.linear.gather [hbm4b:s19+s5], $0x80, $0x38;
	[tilespmem:$0x10180] =	vst v63  }
0x110: {  	s25 =	sadd.s32 s14, s20;
	s28 =	sand.u32 $0x1FFFFFF0, s22;
	s20 =	rddreg [dreg:$0x7]  }
0x111: {  	[tilespmem:s9], [sflag:$0x1] =	stream.linear.gather [hbm4b:s25+s5], $0x80, $0x38;
	[tilespmem:$0x10180] =	vst v63  }
0x112: {  	(v2sf) =	vpush v4, $0xD;
	s31 =	spop (v2sf);
	s11 =	sadd.s32 s6, s28;
	s28 =	rddreg [dreg:$0x6]  }
0x113: {  	(v2sf) =	vpush v6, $0xE;
	[tilespmem:s20], [sflag:$0x1] =	stream.linear.gather [hbm4b:s11+s5], $0x80, $0x38;
	[tilespmem:$0x10180] =	vst v63  }
.Ltmp0:
0x114: {  	(v2sf) =	vpush v5, $0xE;
	s15 =	sand.u32 $0x1FFFFFF0, s31;
	s19 =	spop (v2sf);
	(pc) =	sbr.rel @p0 .LBB2_3-.Ltmp0, $4  }
0x115: {  	(v2sf) =	vpush v4, $0xE;
	s22 =	sadd.s32 s6, s15;
	s23 =	sand.u32 $0x1FFFFFF0, s19;
	s25 =	spop (v2sf)  }
0x116: {  	(v2sf) =	vpush v6, $0xF;
	[tilespmem:s28], [sflag:$0x1] =	stream.linear.gather [hbm4b:s22+s5], $0x80, $0x38;
	[tilespmem:$0x10180] =	vst v63  }
0x117: {  	(v2sf) =	vpush v5, $0xF;
	s31 =	sadd.s32 s14, s23;
	s0 =	sand.u32 $0x1FFFFFF0, s25;
	s1 =	spop (v2sf)  }
0x118: {  	(v2sf) =	vpush v4, $0xF;
	[tilespmem:s24], [sflag:$0x1] =	stream.linear.gather [hbm4b:s31+s5], $0x80, $0x38;
	[tilespmem:$0x10180] =	vst v63  }
0x119: {  	_ =	sdelay $0x3  }
0x11a: {  	s0 =	sadd.s32 s6, s0;
	s1 =	sand.u32 $0x1FFFFFF0, s1  }
0x11b: {  	[tilespmem:s13], [sflag:$0x1] =	stream.linear.gather [hbm4b:s0+s5], $0x80, $0x38;
	[tilespmem:$0x10180] =	vst v63  }
0x11c: {  	s26 =	sadd.s32 s6, s1  }
0x11d: {  	[tilespmem:s30], [sflag:$0x1] =	stream.linear.gather [hbm4b:s26+s5], $0x80, $0x38;
	[tilespmem:$0x10180] =	vst v63  }
0x11e: {  	s2 =	spop (v2sf)  }
0x11f: {  	s28 =	sand.u32 $0x1FFFFFF0, s2;
	s31 =	spop (v2sf)  }
0x120: {  	s3 =	sadd.s32 s14, s28;
	s9 =	sand.u32 $0x1FFFFFF0, s31;
	s11 =	spop (v2sf)  }
0x121: {  	[tilespmem:s29], [sflag:$0x1] =	stream.linear.gather [hbm4b:s3+s5], $0x80, $0x38;
	[tilespmem:$0x10180] =	vst v63  }
0x122: {  	s13 =	sadd.s32 s6, s9;
	s15 =	sand.u32 $0x1FFFFFF0, s11;
	s16 =	spop (v2sf)  }
0x123: {  	[tilespmem:s8], [sflag:$0x1] =	stream.linear.gather [hbm4b:s13+s5], $0x80, $0x38;
	[tilespmem:$0x10180] =	vst v63  }
0x124: {  	s18 =	sadd.s32 s6, s15;
	s19 =	sand.u32 $0x1FFFFFF0, s16;
	s20 =	spop (v2sf)  }
0x125: {  	[tilespmem:s4], [sflag:$0x1] =	stream.linear.gather [hbm4b:s18+s5], $0x80, $0x38;
	[tilespmem:$0x10180] =	vst v63  }
0x126: {  	s21 =	sadd.s32 s14, s19;
	s22 =	sand.u32 $0x1FFFFFF0, s20;
	s23 =	spop (v2sf)  }
0x127: {  	[tilespmem:s10], [sflag:$0x1] =	stream.linear.gather [hbm4b:s21+s5], $0x80, $0x38;
	[tilespmem:$0x10180] =	vst v63  }
0x128: {  	s24 =	sadd.s32 s6, s22;
	s25 =	sand.u32 $0x1FFFFFF0, s23;
	s26 =	spop (v2sf)  }
0x129: {  	[tilespmem:s7], [sflag:$0x1] =	stream.linear.gather [hbm4b:s24+s5], $0x80, $0x38;
	[tilespmem:$0x10180] =	vst v63  }
0x12a: {  	s28 =	sadd.s32 s6, s25;
	s29 =	sand.u32 $0x1FFFFFF0, s26  }
0x12b: {  	[tilespmem:s12], [sflag:$0x1] =	stream.linear.gather [hbm4b:s28+s5], $0x80, $0x38;
	[tilespmem:$0x10180] =	vst v63  }
0x12c: {  	s30 =	sadd.s32 $0x8900, s17;
	s31 =	simm.s32 $0x1;
	s1 =	sadd.s32 s14, s29  }
0x12d: {  	[tilespmem:s30], [sflag:$0x1] =	stream.linear.gather [hbm4b:s1+s5], $0x80, $0x38;
	[tilespmem:$0x10180] =	vst v63  }
0x12e: {  	_ =	swait.ge [sflag:s31], $0x4000  }
0x12f: {  	[sflag:s31] =	ssyncset.done $0x0  }
0x130: {  	[sflag:s31] =	ssyncadd.s32 $0xFFFFC000  }
0x131: {  	_ =	swait.ge [sflag:s31], $0x4000  }
0x132: {  	[sflag:s31] =	ssyncset.done $0x0  }
0x133: {  	[sflag:s31] =	ssyncadd.s32 $0xFFFFC000  }
0x134: {  	_ =	swait.ge [sflag:s31], $0x4000  }
0x135: {  	[sflag:s31] =	ssyncset.done $0x0  }
0x136: {  	s17 =	simm.s32 $0x0;
	[sflag:s31] =	ssyncadd.s32 $0xFFFFC000  }
0x137: {  	v0 =	vld [tilespmem:s17+$0x190]  }
0x138: {  	v12 =	vld [tilespmem:s17+$0x180];
	_ =	sdelay $0x1  }
0x139: {  	v15 =	vld [tilespmem:s17+$0x1A0];
	_ =	sdelay $0x1  }
0x13a: {  	v17 =	vld [tilespmem:s17+$0x1B0]  }
0x13b: {  	v1 =	vmul.f32 v0, v0;
	v2 =	vmul.f32 v12, v12;
	_ =	sdelay $0x1  }
0x13c: {  	v3 =	vmul.f32 v15, v15;
	v1 =	vadd.f32 v1, v2;
	_ =	sdelay $0x1  }
0x13d: {  	v2 =	vmul.f32 v17, v17;
	v1 =	vadd.f32 v3, v1;
	_ =	sdelay $0x1  }
0x13e: {  	v34 =	vld [tilespmem:s17+$0x4180];
	v1 =	vadd.f32 v2, v1  }
0x13f: {  	v3 =	vld [tilespmem:s17+$0x4190]  }
0x140: {  	v31 =	vld [tilespmem:s17+$0x41A0];
	v2 =	vperm.xlane v1, v60  }
0x141: {  	v29 =	vld [tilespmem:s17+$0x41B0]  }
0x142: {  	v22 =	vld [tilespmem:s17+$0x8180];
	v1 =	vadd.f32 v2, v1  }
0x143: {  	s18 =	simm.s32 $0x80;
	v21 =	vld [tilespmem:s17+$0x8190];
	v4 =	vmul.f32 v34, v34  }
0x144: {  	v16 =	vld [tilespmem:s18+$0x190];
	[tilespmem:$0x1FF70] =	vst v3;
	v3 =	vmul.f32 v3, v3;
	v2 =	vperm.xlane v1, v30  }
0x145: {  	v18 =	vld [tilespmem:s18+$0x180]  }
0x146: {  	v26 =	vld [tilespmem:s17+$0x81A0];
	v3 =	vadd.f32 v3, v4;
	v1 =	vadd.f32 v2, v1;
	v2 =	vmul.f32 v31, v31  }
0x147: {  	v20 =	vld [tilespmem:s18+$0x1B0]  }
0x148: {  	v14 =	vld [tilespmem:s18+$0x41A0];
	v5 =	vmul.f32 v29, v29;
	v4 =	vperm.xlane v1, v36;
	v2 =	vadd.f32 v2, v3  }
0x149: {  	v23 =	vld [tilespmem:s17+$0x81B0];
	v7 =	vmul.f32 v16, v16  }
0x14a: {  	v50 =	vld [tilespmem:s18+$0x81B0];
	v8 =	vmul.f32 v18, v18;
	v1 =	vadd.f32 v4, v1;
	v2 =	vadd.f32 v5, v2  }
0x14b: {  	s19 =	simm.s32 $0x100;
	v3 =	vmul.f32 v22, v22;
	v5 =	vmul.f32 v21, v21  }
0x14c: {  	v35 =	vld [tilespmem:s19+$0x180];
	v4 =	vperm.xlane v1, v47;
	v6 =	vperm.xlane v2, v60  }
0x14d: {  	v10 =	vmul.f32 v20, v20;
	[tilespmem:$0x1FE00] =	vst v14;
	v14 =	vmul.f32 v14, v14;
	v3 =	vadd.f32 v5, v3  }
0x14e: {  	v19 =	vld [tilespmem:s18+$0x1A0];
	v1 =	vadd.f32 v4, v1;
	v4 =	vmul.f32 v26, v26;
	v2 =	vadd.f32 v6, v2  }
0x14f: {  	v55 =	vmul.f32 v50, v50;
	v5 =	vmul.f32 v23, v23  }
0x150: {  	v37 =	vld [tilespmem:s19+$0x1A0];
	v1 =	vmax.f32 v1, $1.000000020e-24;
	v3 =	vadd.f32 v4, v3;
	v4 =	vperm.xlane v2, v30  }
0x151: {  	v38 =	vld [tilespmem:s19+$0x1B0];
	v61 =	vmul.f32 v35, v35;
	v6 =	vmul.f32 $5.000000000e-01, v1;
	v1 =	vshrl.u32 v1, $0x1  }
0x152: {  	v41 =	vld [tilespmem:s19+$0x4190];
	v3 =	vadd.f32 v5, v3;
	v2 =	vadd.f32 v4, v2;
	v1 =	vsub.s32 $0x5F3759DF, v1  }
0x153: {  	v7 =	vadd.f32 v7, v8;
	v5 =	vmul.f32 v19, v19;
	v4 =	vmul.f32 v1, v6  }
0x154: {  	v11 =	vld [tilespmem:s18+$0x4190];
	v8 =	vperm.xlane v3, v60;
	v9 =	vperm.xlane v2, v36  }
0x155: {  	v25 =	vld [tilespmem:s18+$0x8190];
	v33 =	vmul.f32 v37, v37;
	v5 =	vadd.f32 v5, v7;
	v4 =	vmul.f32 v1, v4  }
0x156: {  	v13 =	vld [tilespmem:s18+$0x4180];
	v49 =	vmul.f32 v38, v38;
	v3 =	vadd.f32 v8, v3;
	v2 =	vadd.f32 v9, v2  }
0x157: {  	v42 =	vmul.f32 v41, v41;
	v9 =	vld [tilespmem:s18+$0x8180];
	v5 =	vadd.f32 v10, v5;
	v4 =	vsub.f32 $1.500000000e+00, v4  }
0x158: {  	v24 =	vld [tilespmem:s18+$0x41B0];
	v7 =	vperm.xlane v3, v30;
	v8 =	vperm.xlane v2, v47  }
0x159: {  	v27 =	vld [tilespmem:s18+$0x81A0];
	v1 =	vmul.f32 v1, v4;
	v4 =	vperm.xlane v5, v60  }
0x15a: {  	v3 =	vadd.f32 v7, v3;
	v2 =	vadd.f32 v8, v2;
	v8 =	vmul.f32 v11, v11  }
0x15b: {  	[tilespmem:$0x1FDE0] =	vst v11;
	v11 =	vmul.f32 v13, v13;
	v7 =	vmul.f32 v1, v6;
	v4 =	vadd.f32 v4, v5  }
0x15c: {  	[tilespmem:$0x1FF80] =	vst v9;
	v5 =	vmul.f32 v9, v9;
	v9 =	vmul.f32 v25, v25;
	v2 =	vmax.f32 v2, $1.000000020e-24  }
0x15d: {  	v8 =	vadd.f32 v8, v11;
	v11 =	vmul.f32 v24, v24;
	v10 =	vshrl.u32 v2, $0x1  }
0x15e: {  	v54 =	vperm.xlane v4, v30;
	v5 =	vadd.f32 v9, v5;
	v9 =	vmul.f32 v27, v27  }
0x15f: {  	v28 =	vmul.f32 $5.000000000e-01, v2;
	v7 =	vmul.f32 v7, v1;
	v8 =	vadd.f32 v14, v8  }
0x160: {  	v4 =	vadd.f32 v54, v4;
	v2 =	vadd.f32 v9, v5;
	v5 =	vsub.s32 $0x5F3759DF, v10  }
0x161: {  	v10 =	vperm.xlane v3, v36;
	v7 =	vsub.f32 $1.500000000e+00, v7;
	v8 =	vadd.f32 v11, v8  }
0x162: {  	v56 =	vmul.f32 v5, v28;
	v9 =	vperm.xlane v4, v36;
	v2 =	vadd.f32 v55, v2  }
0x163: {  	v3 =	vadd.f32 v10, v3;
	v1 =	vmul.f32 v7, v1;
	v11 =	vperm.xlane v8, v60  }
0x164: {  	v4 =	vadd.f32 v9, v4;
	v9 =	vmul.f32 v5, v56;
	v10 =	vperm.xlane v2, v60  }
0x165: {  	v58 =	vperm.xlane v3, v47;
	v6 =	vmul.f32 v1, v6  }
0x166: {  	v57 =	vperm.xlane v4, v47;
	v9 =	vsub.f32 $1.500000000e+00, v9;
	v2 =	vadd.f32 v10, v2  }
0x167: {  	v7 =	vadd.f32 v11, v8;
	v3 =	vadd.f32 v58, v3;
	v6 =	vmul.f32 v6, v1  }
0x168: {  	v4 =	vadd.f32 v57, v4;
	v5 =	vmul.f32 v5, v9;
	v8 =	vperm.xlane v2, v30  }
0x169: {  	v9 =	vperm.xlane v7, v30;
	v3 =	vmax.f32 v3, $1.000000020e-24;
	v6 =	vsub.f32 $1.500000000e+00, v6  }
0x16a: {  	[tilespmem:$0x1FF90] =	vst v25;
	v25 =	vmul.f32 $5.000000000e-01, v3;
	v3 =	vshrl.u32 v3, $0x1;
	v4 =	vmax.f32 v4, $1.000000020e-24  }
0x16b: {  	v32 =	vld [tilespmem:s19+$0x190];
	v2 =	vadd.f32 v8, v2;
	v7 =	vadd.f32 v9, v7;
	v11 =	vmul.f32 v5, v28  }
0x16c: {  	v45 =	vld [tilespmem:s19+$0x81B0];
	v3 =	vsub.s32 $0x5F3759DF, v3;
	v8 =	vshrl.u32 v4, $0x1;
	v4 =	vmul.f32 $5.000000000e-01, v4  }
0x16d: {  	v6 =	vmul.f32 v6, v1;
	v48 =	vmul.f32 v3, v25;
	v8 =	vsub.s32 $0x5F3759DF, v8  }
0x16e: {  	v52 =	vld [tilespmem:s19+$0x8180];
	v9 =	vperm.xlane v2, v36;
	v10 =	vmul.f32 v8, v4  }
0x16f: {  	v59 =	vperm.xlane v7, v36;
	v39 =	vmul.f32 v3, v48  }
0x170: {  	v40 =	vld [tilespmem:s19+$0x41A0];
	v2 =	vadd.f32 v9, v2;
	v9 =	vmul.f32 v8, v10;
	v10 =	vmul.f32 v32, v32  }
0x171: {  	[tilespmem:$0x1FE30] =	vst v41;
	v41 =	vmul.f32 v6, v17;
	v17 =	vmul.f32 v45, v45;
	v7 =	vadd.f32 v59, v7  }
0x172: {  	v53 =	vld [tilespmem:s19+$0x8190];
	[tilespmem:$0x1FE10] =	vst v24;
	v24 =	vmovc v30;
	v39 =	vsub.f32 $1.500000000e+00, v39;
	v30 =	vperm.xlane v2, v47;
	v10 =	vadd.f32 v10, v61  }
0x173: {  	v63 =	vperm.xlane v7, v47;
	v62 =	vsub.f32 $1.500000000e+00, v9;
	v61 =	vmul.f32 v52, v52  }
0x174: {  	v2 =	vadd.f32 v30, v2;
	v30 =	vmul.f32 v11, v5;
	v11 =	vld [tilespmem:s19+$0x4180];
	v10 =	vadd.f32 v33, v10  }
0x175: {  	v3 =	vmul.f32 v3, v39;
	v1 =	vadd.f32 v63, v7;
	v7 =	vmul.f32 v40, v40  }
0x176: {  	v8 =	vmul.f32 v8, v62;
	v9 =	vmovc v36;
	v33 =	vmul.f32 v6, v0;
	v36 =	vadd.f32 v49, v10  }
0x177: {  	v62 =	vmul.f32 v53, v53;
	v44 =	vmax.f32 v1, $1.000000020e-24;
	v1 =	vmul.f32 v6, v15;
	v49 =	vld [tilespmem:s19+$0x81A0]  }
0x178: {  	v2 =	vmax.f32 v2, $1.000000020e-24;
	v51 =	vmul.f32 v8, v4;
	v10 =	vld [tilespmem:s19+$0x41B0];
	v43 =	vperm.xlane v36, v60  }
0x179: {  	v54 =	vshrl.u32 v44, $0x1;
	v58 =	vmul.f32 $5.000000000e-01, v44;
	v55 =	vmul.f32 v11, v11  }
0x17a: {  	[tilespmem:$0x1FE20] =	vst v40;
	v15 =	vsub.s32 $0x5F3759DF, v54;
	v40 =	vmul.f32 v51, v8;
	v0 =	vadd.f32 v43, v36  }
0x17b: {  	[tilespmem:$0x1FE60] =	vst v53;
	v63 =	vadd.f32 v62, v61;
	v53 =	vmul.f32 v15, v58;
	v36 =	vadd.f32 v42, v55  }
0x17c: {  	v59 =	vsub.f32 $1.500000000e+00, v40;
	v51 =	vmul.f32 v49, v49;
	v46 =	vperm.xlane v0, v24  }
0x17d: {  	v56 =	vmul.f32 v15, v53;
	v48 =	vmul.f32 v10, v10;
	v7 =	vadd.f32 v7, v36  }
0x17e: {  	[tilespmem:$0x1FE50] =	vst v52;
	v8 =	vmul.f32 v59, v8;
	v54 =	vadd.f32 v51, v63;
	v52 =	vadd.f32 v46, v0  }
0x17f: {  	v0 =	vmul.f32 v6, v12;
	v6 =	vmul.f32 v3, v25;
	v7 =	vadd.f32 v48, v7  }
0x180: {  	v12 =	vsub.f32 $1.500000000e+00, v56;
	v4 =	vmul.f32 v8, v4;
	v17 =	vadd.f32 v17, v54  }
0x181: {  	v54 =	vshrl.u32 v2, $0x1;
	v2 =	vmul.f32 $5.000000000e-01, v2;
	v6 =	vmul.f32 v6, v3  }
0x182: {  	v51 =	vsub.f32 $1.500000000e+00, v30;
	v55 =	vperm.xlane v52, v9;
	v61 =	vperm.xlane v7, v60  }
0x183: {  	[tilespmem:$0x1FFA0] =	vst v45;
	v45 =	vmul.f32 v15, v12;
	v62 =	vperm.xlane v17, v60;
	v6 =	vsub.f32 $1.500000000e+00, v6  }
0x184: {  	v53 =	vmul.f32 v4, v8;
	v57 =	vadd.f32 v55, v52;
	v7 =	vadd.f32 v61, v7  }
0x185: {  	v4 =	vmul.f32 v51, v5;
	v48 =	vadd.f32 v62, v17;
	v3 =	vmul.f32 v6, v3  }
0x186: {  	v63 =	vperm.xlane v57, v47;
	v6 =	vperm.xlane v7, v24  }
0x187: {  	s20 =	simm.s32 $0x180;
	[tilespmem:$0x1FFB0] =	vst v49;
	v30 =	vperm.xlane v48, v24;
	v25 =	vmul.f32 v3, v25  }
0x188: {  	[tilespmem:$0x1FE70] =	vst v10;
	v10 =	vld [tilespmem:s20+$0x4190];
	v28 =	vmul.f32 v4, v28;
	v49 =	vadd.f32 v63, v57;
	v6 =	vadd.f32 v6, v7  }
0x189: {  	v36 =	vadd.f32 v30, v48;
	v48 =	vsub.s32 $0x5F3759DF, v54;
	v25 =	vmul.f32 v25, v3  }
0x18a: {  	v40 =	vld [tilespmem:s20+$0x180];
	v15 =	vmax.f32 v49, $1.000000020e-24;
	v5 =	vperm.xlane v6, v9;
	v59 =	vmul.f32 v48, v2  }
0x18b: {  	v52 =	vshrl.u32 v15, $0x1;
	v42 =	vmul.f32 $5.000000000e-01, v15;
	v43 =	vperm.xlane v36, v9  }
0x18c: {  	v39 =	vld [tilespmem:s20+$0x8180];
	v7 =	vsub.s32 $0x5F3759DF, v52;
	v55 =	vsub.f32 $1.500000000e+00, v25;
	v5 =	vadd.f32 v5, v6  }
0x18d: {  	v44 =	vld [tilespmem:s20+$0x190];
	v52 =	vmul.f32 v10, v10;
	v30 =	vmul.f32 v7, v42  }
0x18e: {  	[tilespmem:$0x1FE40] =	vst v11;
	v11 =	vld [tilespmem:s20+$0x4180];
	v6 =	vmul.f32 v55, v3;
	v3 =	vsub.f32 $1.500000000e+00, v53;
	v51 =	vperm.xlane v5, v47  }
0x18f: {  	v61 =	vld [tilespmem:s20+$0x1A0];
	v53 =	vmul.f32 v40, v40;
	v56 =	vmul.f32 v7, v30  }
0x190: {  	v62 =	vld [tilespmem:s20+$0x8190];
	v3 =	vmul.f32 v3, v8;
	v8 =	vmul.f32 v48, v59  }
0x191: {  	v63 =	vld [tilespmem:s20+$0x41A0];
	v43 =	vadd.f32 v43, v36;
	v59 =	vmul.f32 v39, v39;
	v26 =	vmul.f32 v6, v26  }
0x192: {  	v14 =	vld [tilespmem:s20+$0x81A0];
	[tilespmem:$0x1FE80] =	vst v10;
	v5 =	vadd.f32 v51, v5;
	v46 =	vmul.f32 v3, v20;
	v10 =	vmul.f32 v3, v16  }
0x193: {  	[tilespmem:$0x1FEA0] =	vst v11;
	v30 =	vld [tilespmem:s20+$0x1B0];
	v57 =	vsub.f32 $1.500000000e+00, v56;
	v16 =	vmul.f32 v44, v44;
	v56 =	vmul.f32 v3, v19  }
0x194: {  	[tilespmem:$0x1FE90] =	vst v61;
	v8 =	vsub.f32 $1.500000000e+00, v8;
	v54 =	vmul.f32 v3, v18;
	v3 =	vmul.f32 v11, v11  }
0x195: {  	[tilespmem:$0x1FEB0] =	vst v62;
	v5 =	vmax.f32 v5, $1.000000020e-24;
	v7 =	vmul.f32 v7, v57;
	v57 =	vmul.f32 v61, v61  }
0x196: {  	[tilespmem:$0x1FEC0] =	vst v63;
	v11 =	vld [tilespmem:s20+$0x41B0];
	v61 =	vmul.f32 v62, v62;
	v62 =	vmul.f32 v63, v63;
	v63 =	vshrl.u32 v5, $0x1  }
0x197: {  	v36 =	vmul.f32 $5.000000000e-01, v5;
	v5 =	vmul.f32 v14, v14;
	v20 =	vadd.f32 v16, v53  }
0x198: {  	v17 =	vmul.f32 v30, v30;
	v8 =	vmul.f32 v48, v8  }
0x199: {  	v3 =	vadd.f32 v52, v3;
	v51 =	vsub.s32 $0x5F3759DF, v63;
	v20 =	vadd.f32 v57, v20  }
0x19a: {  	v48 =	vadd.f32 v61, v59;
	v18 =	vmul.f32 v7, v42;
	v61 =	vmul.f32 v51, v36  }
0x19b: {  	v3 =	vadd.f32 v62, v3;
	v19 =	vmul.f32 v11, v11;
	v16 =	vadd.f32 v17, v20;
	v17 =	vld [tilespmem:s20+$0x81B0]  }
0x19c: {  	v12 =	vmul.f32 v8, v2;
	v52 =	vmul.f32 v18, v7  }
0x19d: {  	v25 =	vmul.f32 v51, v61;
	v3 =	vadd.f32 v19, v3;
	v59 =	vperm.xlane v16, v60  }
0x19e: {  	v5 =	vadd.f32 v5, v48;
	v18 =	vmul.f32 v45, v58;
	v20 =	vperm.xlane v43, v47  }
0x19f: {  	[tilespmem:$0x1FDF0] =	vst v13;
	v52 =	vsub.f32 $1.500000000e+00, v52;
	v13 =	vperm.xlane v3, v60;
	v53 =	vadd.f32 v59, v16  }
0x1a0: {  	v48 =	vsub.f32 $1.500000000e+00, v25;
	v59 =	vmul.f32 v12, v8;
	v55 =	vmul.f32 v17, v17  }
0x1a1: {  	v43 =	vadd.f32 v20, v43;
	v7 =	vmul.f32 v52, v7;
	v62 =	vperm.xlane v53, v24  }
0x1a2: {  	v49 =	vmul.f32 v51, v48;
	v16 =	vsub.f32 $1.500000000e+00, v59;
	v5 =	vadd.f32 v55, v5  }
0x1a3: {  	v52 =	vmul.f32 v6, v22;
	v63 =	vmax.f32 v43, $1.000000020e-24;
	v53 =	vadd.f32 v62, v53  }
0x1a4: {  	[tilespmem:$0x1FED0] =	vst v14;
	v14 =	vadd.f32 v13, v3;
	v8 =	vmul.f32 v16, v8;
	v15 =	vperm.xlane v5, v60  }
0x1a5: {  	[tilespmem:$0x1FEF0] =	vst v17;
	v43 =	vshrl.u32 v63, $0x1;
	v59 =	vmul.f32 v6, v23;
	v17 =	vperm.xlane v53, v9  }
0x1a6: {  	v57 =	vperm.xlane v14, v24;
	v13 =	vmul.f32 v8, v2;
	v5 =	vadd.f32 v15, v5  }
0x1a7: {  	v19 =	vadd.f32 v17, v53;
	v53 =	vadd.f32 v26, v1;
	v1 =	vmul.f32 v18, v45  }
0x1a8: {  	v6 =	vmul.f32 v6, v21;
	v51 =	vadd.f32 v57, v14;
	v15 =	vmul.f32 v13, v8  }
0x1a9: {  	v26 =	vmul.f32 v28, v4;
	v61 =	vperm.xlane v5, v24;
	v1 =	vsub.f32 $1.500000000e+00, v1  }
0x1aa: {  	v18 =	vperm.xlane v51, v9;
	v62 =	vperm.xlane v19, v47;
	v17 =	vsub.f32 $1.500000000e+00, v15  }
0x1ab: {  	v26 =	vsub.f32 $1.500000000e+00, v26;
	v5 =	vadd.f32 v61, v5;
	v57 =	vmul.f32 v1, v45  }
0x1ac: {  	[tilespmem:$0x1FEE0] =	vst v11;
	v11 =	vmovc v47;
	v28 =	vadd.f32 v62, v19;
	v62 =	vmul.f32 $5.000000000e-01, v63;
	v47 =	vmul.f32 v17, v8  }
0x1ad: {  	v43 =	vsub.s32 $0x5F3759DF, v43;
	v4 =	vmul.f32 v26, v4;
	v12 =	vperm.xlane v5, v9  }
0x1ae: {  	v2 =	vmax.f32 v28, $1.000000020e-24;
	v28 =	vmul.f32 v7, v42;
	v20 =	vmul.f32 v43, v62  }
0x1af: {  	v29 =	vmul.f32 v4, v29;
	v14 =	vshrl.u32 v2, $0x1;
	v55 =	vmul.f32 $5.000000000e-01, v2  }
0x1b0: {  	s21 =	simm.s32 $0x200;
	v5 =	vadd.f32 v12, v5;
	v16 =	vsub.s32 $0x5F3759DF, v14;
	v28 =	vmul.f32 v28, v7  }
0x1b1: {  	v3 =	vld [tilespmem:s21+$0x1B0];
	v42 =	vmul.f32 v43, v20;
	v21 =	vmul.f32 v16, v55  }
0x1b2: {  	v23 =	vld [tilespmem:s21+$0x190];
	v31 =	vmul.f32 v4, v31;
	v22 =	vperm.xlane v5, v11;
	v28 =	vsub.f32 $1.500000000e+00, v28  }
0x1b3: {  	v15 =	vld [tilespmem:s21+$0x4180];
	v42 =	vsub.f32 $1.500000000e+00, v42;
	v19 =	vmul.f32 v16, v21;
	v21 =	vadd.f32 v18, v51  }
0x1b4: {  	v26 =	vld [tilespmem:s21+$0x180];
	v63 =	vadd.f32 v22, v5;
	v5 =	vmul.f32 v28, v7;
	v7 =	vmul.f32 v47, v27  }
0x1b5: {  	v6 =	vadd.f32 v6, v33;
	v2 =	vld [tilespmem:s21+$0x4190];
	v8 =	vmul.f32 v43, v42;
	v25 =	vperm.xlane v21, v11  }
0x1b6: {  	v20 =	vld [tilespmem:s21+$0x8190];
	v33 =	vsub.f32 $1.500000000e+00, v19;
	v42 =	vmul.f32 v5, v38;
	v43 =	vmul.f32 v5, v32  }
0x1b7: {  	v48 =	vmul.f32 v5, v37;
	v45 =	vmul.f32 v5, v35;
	v5 =	vadd.f32 v52, v0;
	v0 =	vld [tilespmem:s21+$0x41A0]  }
0x1b8: {  	v51 =	vadd.f32 v7, v56;
	v7 =	vadd.f32 v59, v41;
	v61 =	vmul.f32 v16, v33;
	v33 =	vld [tilespmem:s21+$0x1A0]  }
0x1b9: {  	[tilespmem:$0x1FF00] =	vst v23;
	v22 =	vmul.f32 v23, v23;
	v23 =	vmul.f32 v26, v26;
	v1 =	vadd.f32 v25, v21;
	v21 =	vld [tilespmem:s21+$0x8180]  }
0x1ba: {  	[tilespmem:$0x1FF20] =	vst v2;
	v2 =	vmul.f32 v2, v2;
	v37 =	vsub.f32 v7, v29;
	v7 =	vmul.f32 v4, v34  }
0x1bb: {  	v38 =	vld [tilespmem:s21+$0x81A0];
	v41 =	vsub.f32 v53, v31;
	v16 =	vmul.f32 v20, v20;
	v29 =	vadd.f32 v22, v23  }
0x1bc: {  	[tilespmem:$0x1FF10] =	vst v26;
	v18 =	vmul.f32 v61, v55;
	v26 =	vsub.f32 v5, v7;
	v7 =	vmul.f32 v15, v15  }
0x1bd: {  	[tilespmem:$0x1FF30] =	vst v3;
	v1 =	vmax.f32 v1, $1.000000020e-24;
	v5 =	vmul.f32 v3, v3;
	v3 =	vld [tilespmem:s21+$0x81B0];
	v25 =	vmul.f32 v33, v33  }
0x1be: {  	[tilespmem:$0x1FF40] =	vst v15;
	v31 =	vmul.f32 v0, v0;
	v15 =	vmul.f32 v21, v21;
	v7 =	vadd.f32 v2, v7  }
0x1bf: {  	[tilespmem:$0x1FF50] =	vst v20;
	v20 =	vshrl.u32 v1, $0x1;
	v52 =	vmul.f32 $5.000000000e-01, v1;
	v13 =	vadd.f32 v25, v29  }
0x1c0: {  	v29 =	vld [tilespmem:s21+$0x41B0];
	v17 =	vadd.f32 v16, v15;
	v7 =	vadd.f32 v31, v7;
	v31 =	vmul.f32 v38, v38  }
0x1c1: {  	v19 =	vmul.f32 v18, v61;
	v35 =	vmov v21;
	v21 =	vsub.s32 $0x5F3759DF, v20  }
0x1c2: {  	v1 =	vmul.f32 v21, v52;
	v34 =	vmovc v3;
	v22 =	vmul.f32 v3, v3;
	v3 =	vld [tilespmem:$0x1FF70];
	v2 =	vadd.f32 v31, v17  }
0x1c3: {  	v56 =	vsub.f32 $1.500000000e+00, v19  }
0x1c4: {  	v1 =	vmul.f32 v21, v1;
	v5 =	vadd.f32 v5, v13;
	v2 =	vadd.f32 v22, v2  }
0x1c5: {  	v61 =	vmul.f32 v56, v61;
	v31 =	vmul.f32 v29, v29  }
0x1c6: {  	[tilespmem:$0x1FF60] =	vst v0;
	v1 =	vsub.f32 $1.500000000e+00, v1;
	v0 =	vperm.xlane v5, v60;
	v59 =	vperm.xlane v2, v60  }
0x1c7: {  	v4 =	vmul.f32 v4, v3;
	v7 =	vadd.f32 v31, v7;
	v31 =	vmul.f32 v8, v62  }
0x1c8: {  	v56 =	vmul.f32 v21, v1;
	v0 =	vadd.f32 v0, v5;
	v1 =	vadd.f32 v59, v2  }
0x1c9: {  	v5 =	vmul.f32 v31, v8;
	v31 =	vsub.f32 v6, v4;
	v6 =	vperm.xlane v7, v60;
	_ =	sdelay $0x1  }
0x1ca: {  	v6 =	vadd.f32 v6, v7;
	v7 =	vperm.xlane v1, v24;
	_ =	sdelay $0x1  }
0x1cb: {  	v1 =	vadd.f32 v7, v1  }
0x1cc: {  	v4 =	vmul.f32 v49, v36  }
0x1cd: {  	v7 =	vperm.xlane v1, v9  }
0x1ce: {  	v3 =	vperm.xlane v0, v24;
	v4 =	vmul.f32 v4, v49  }
0x1cf: {  	v5 =	vsub.f32 $1.500000000e+00, v5;
	v1 =	vadd.f32 v7, v1;
	v7 =	vld [tilespmem:$0x1FF80]  }
0x1d0: {  	v0 =	vadd.f32 v3, v0;
	v3 =	vsub.f32 $1.500000000e+00, v4;
	v4 =	vperm.xlane v6, v24  }
0x1d1: {  	v2 =	vmul.f32 v5, v8;
	v5 =	vand.u32 $0x7FFFFFFF, v31;
	v8 =	vand.u32 $0x7FFFFFFF, v26  }
0x1d2: {  	v5 =	vadd.f32 v5, v8;
	v4 =	vadd.f32 v4, v6  }
0x1d3: {  	v6 =	vperm.xlane v0, v9;
	v53 =	vmul.f32 v3, v49;
	v3 =	vand.u32 $0x7FFFFFFF, v41  }
0x1d4: {  	v3 =	vadd.f32 v5, v3;
	v59 =	vmul.f32 v47, v7;
	v7 =	vld [tilespmem:$0x1FF90]  }
0x1d5: {  	v8 =	vand.u32 $0x7FFFFFFF, v37;
	v0 =	vadd.f32 v6, v0  }
0x1d6: {  	v6 =	vmul.f32 v2, v62;
	v3 =	vadd.f32 v3, v8  }
0x1d7: {  	v8 =	vmul.f32 v57, v58;
	v23 =	vperm.xlane v0, v11  }
0x1d8: {  	v6 =	vmul.f32 v6, v2;
	v25 =	vperm.xlane v3, v60  }
0x1d9: {  	v8 =	vmul.f32 v8, v57;
	v0 =	vadd.f32 v23, v0;
	v7 =	vmul.f32 v47, v7  }
0x1da: {  	v32 =	vmovc v26;
	v26 =	vperm.xlane v1, v11;
	v6 =	vsub.f32 $1.500000000e+00, v6;
	v3 =	vadd.f32 v3, v25  }
0x1db: {  	v5 =	vmul.f32 v47, v50;
	v60 =	vadd.f32 v7, v10;
	v7 =	vsub.f32 $1.500000000e+00, v8  }
0x1dc: {  	v50 =	vmul.f32 v6, v2;
	v2 =	vadd.f32 v26, v1;
	v8 =	vperm.xlane v4, v9  }
0x1dd: {  	v1 =	vmax.f32 v0, $1.000000020e-24;
	v0 =	vmul.f32 v7, v57;
	v7 =	vperm.xlane v3, v24  }
0x1de: {  	v55 =	vmul.f32 v61, v55;
	v6 =	vshrl.u32 v1, $0x1;
	v58 =	vmul.f32 $5.000000000e-01, v1  }
0x1df: {  	v4 =	vadd.f32 v8, v4;
	v8 =	vmax.f32 v63, $1.000000020e-24;
	v63 =	vadd.f32 v3, v7  }
0x1e0: {  	v3 =	vshrl.u32 v8, $0x1;
	v7 =	vmul.f32 v55, v61;
	v55 =	vmax.f32 v2, $1.000000020e-24;
	v2 =	vld [tilespmem:$0x1FFB0]  }
0x1e1: {  	v1 =	vsub.s32 $0x5F3759DF, v6;
	v6 =	vsub.s32 $0x5F3759DF, v3;
	v3 =	vld [tilespmem:$0x1FFA0]  }
0x1e2: {  	v62 =	vmul.f32 v1, v58;
	_ =	sdelay $0x1  }
0x1e3: {  	v62 =	vmul.f32 v1, v62  }
0x1e4: {  	v49 =	vmul.f32 $5.000000000e-01, v8;
	v8 =	vmul.f32 v56, v52  }
0x1e5: {  	s0 =	simm.s32 $0xA00;
	v57 =	vshrl.u32 v55, $0x1;
	v2 =	vmul.f32 v50, v2;
	v47 =	vmul.f32 v50, v3  }
.LBB2_5:
0x1e6: {  	v28 =	vld [tilespmem:$0x1FFF0];
	_ =	sdelay $0x1  }
0x1e7: {  	v27 =	vld [tilespmem:$0x1FFD0];
	_ =	sdelay $0x2  }
0x1e8: {  	v21 =	vld [tilespmem:$0x1FE70];
	v3 =	vperm.xlane v4, v28  }
0x1e9: {  	v9 =	vsub.f32 $1.500000000e+00, v7  }
0x1ea: {  	v7 =	vperm.xlane v63, v27;
	v3 =	vadd.f32 v3, v4;
	v4 =	vmul.f32 v6, v49;
	_ =	sdelay $0x1  }
0x1eb: {  	v18 =	vld [tilespmem:$0x1FE50];
	v12 =	vadd.f32 v63, v7;
	v4 =	vmul.f32 v6, v4  }
0x1ec: {  	v19 =	vld [tilespmem:$0x1FE10];
	v22 =	vmov v21  }
0x1ed: {  	[tilespmem:$0x1FE10] =	vst v22;
	v25 =	vperm.xlane v12, v28;
	v22 =	vsub.f32 $1.500000000e+00, v4;
	v4 =	vld [tilespmem:$0x1FDF0]  }
0x1ee: {  	s1 =	sshra.s32 s0, $0x2;
	v26 =	vld [tilespmem:$0x1FEE0]  }
0x1ef: {  	v11 =	vmul.f32 v53, v36;
	v10 =	vld [tilespmem:s1+$0x41A0];
	v24 =	vadd.f32 v12, v25  }
0x1f0: {  	v36 =	vmovc v52;
	v62 =	vsub.f32 $1.500000000e+00, v62;
	v8 =	vmul.f32 v8, v56;
	v52 =	vld [tilespmem:s1+$0x41B0];
	v9 =	vmul.f32 v9, v61  }
0x1f1: {  	v61 =	vmul.f32 v50, v18;
	v18 =	vadd.f32 v2, v48;
	v48 =	vld [tilespmem:$0x1FEC0];
	v23 =	vmax.f32 v24, $9.999999960e-13  }
0x1f2: {  	(erf) = vrcp.f32 v23;
	v23 =	vmul.f32 v0, v4;
	v4 =	vld [tilespmem:$0x1FE00]  }
0x1f3: {  	v14 =	vld [tilespmem:s1+$0x1A0];
	v13 =	vmul.f32 v1, v62;
	v1 =	vsub.f32 $1.500000000e+00, v8;
	v8 =	vmul.f32 v11, v53  }
0x1f4: {  	v11 =	vld [tilespmem:s1+$0x1B0];
	v20 =	vmov v26  }
0x1f5: {  	[tilespmem:$0x1FE70] =	vst v20;
	v20 =	vld [tilespmem:s1+$0x190]  }
0x1f6: {  	v7 =	vld [tilespmem:s1+$0x4190]  }
0x1f7: {  	v63 =	vsub.f32 $1.500000000e+00, v8;
	v8 =	vmovc v29;
	v24 =	vmul.f32 v0, v4;
	v4 =	vmov v48;
	v48 =	vld [tilespmem:$0x1FF60]  }
0x1f8: {  	v5 =	vadd.f32 v5, v46;
	v17 =	vmul.f32 v10, v10;
	v29 =	vmovc v52;
	[tilespmem:$0x1FEE0] =	vst v8;
	v8 =	vld [tilespmem:s1+$0x180];
	v3 =	vmax.f32 v3, $1.000000020e-24  }
0x1f9: {  	v46 =	vmovc v10;
	v10 =	vmul.f32 v52, v29;
	v16 =	vshrl.u32 v3, $0x1;
	v52 =	vmul.f32 $5.000000000e-01, v3;
	v3 =	vld [tilespmem:$0x1FF30]  }
0x1fa: {  	v12 =	vld [tilespmem:s1+$0x4180]  }
0x1fb: {  	[tilespmem:$0x1FF60] =	vst v46;
	v46 =	vld [tilespmem:$0x1FE40]  }
0x1fc: {  	v59 =	vadd.f32 v59, v54;
	v21 =	vmul.f32 v9, v30;
	v25 =	vld [tilespmem:$0x1FE20];
	v30 =	vmov v48  }
0x1fd: {  	v19 =	vmul.f32 v0, v19;
	[tilespmem:$0x1FEC0] =	vst v30;
	v30 =	vld [tilespmem:$0x1FE90]  }
0x1fe: {  	v2 =	vmov v39;
	v24 =	vsub.f32 v51, v24;
	v51 =	vld [tilespmem:$0x1FEA0]  }
0x1ff: {  	[tilespmem:$0x1FE50] =	vst v2;
	v5 =	vsub.f32 v5, v19;
	v19 =	vmul.f32 v8, v8;
	v23 =	vsub.f32 v59, v23  }
0x200: {  	v2 =	vld [tilespmem:s1+$0x8190];
	v54 =	vmovc v11;
	[tilespmem:$0x1FE20] =	vst v4;
	v4 =	vmul.f32 v9, v44;
	v44 =	vmul.f32 v11, v11;
	v59 =	vmov v46  }
0x201: {  	v11 =	vmul.f32 v20, v20;
	v46 =	vld [tilespmem:$0x1FF40];
	[tilespmem:$0x1FDF0] =	vst v59;
	v59 =	vmul.f32 v12, v12  }
0x202: {  	[tilespmem:$0x1FF30] =	vst v54;
	v26 =	vmovc v25;
	v25 =	vld [tilespmem:s1+$0x8180];
	v48 =	vmul.f32 v9, v30;
	v30 =	vmovc v3;
	v3 =	vmov v33;
	v33 =	vmov v14  }
0x203: {  	v39 =	vmul.f32 v7, v7;
	v11 =	vadd.f32 v11, v19;
	v54 =	vmovc v51;
	v14 =	vmul.f32 v14, v33  }
0x204: {  	[tilespmem:$0x1FE90] =	vst v3;
	v3 =	vld [tilespmem:s1+$0x81A0]  }
0x205: {  	v11 =	vadd.f32 v14, v11;
	v14 =	vadd.f32 v39, v59;
	v59 =	vmov v12  }
0x206: {  	[tilespmem:$0x1FE40] =	vst v54;
	v54 =	vmov v46;
	v46 =	vmul.f32 v2, v2  }
0x207: {  	v51 =	vpop (erf);
	v9 =	vmul.f32 v9, v40;
	v40 =	vmul.f32 v25, v25  }
0x208: {  	v62 =	vld [tilespmem:s1+$0x81B0];
	v6 =	vmul.f32 v6, v22;
	[tilespmem:$0x1FF40] =	vst v59;
	v59 =	vmov v61;
	v61 =	vmul.f32 v51, v32  }
0x209: {  	v19 =	vmul.f32 v51, v37;
	v12 =	vadd.f32 v46, v40;
	v37 =	vmul.f32 v3, v3  }
0x20a: {  	[tilespmem:s17+$0xC180] =	vst v61;
	v61 =	vld [tilespmem:$0x1FDE0]  }
0x20b: {  	v46 =	vmul.f32 v51, v41;
	v12 =	vadd.f32 v37, v12;
	v37 =	vmul.f32 v6, v49  }
0x20c: {  	[tilespmem:$0x1FE00] =	vst v26  }
0x20d: {  	v26 =	vmul.f32 v62, v62;
	[tilespmem:s17+$0xC1A0] =	vst v46;
	v46 =	vmul.f32 v37, v6  }
0x20e: {  	v15 =	vmul.f32 v13, v58;
	v31 =	vmul.f32 v51, v31;
	v41 =	vld [tilespmem:$0x1FFE0]  }
0x20f: {  	v12 =	vadd.f32 v26, v12;
	v40 =	vsub.f32 $1.500000000e+00, v46;
	v46 =	vld [tilespmem:$0x1FE80];
	v26 =	vmul.f32 v0, v61  }
0x210: {  	v32 =	vld [tilespmem:$0x1FE30]  }
0x211: {  	v15 =	vmul.f32 v15, v13;
	[tilespmem:s17+$0xC190] =	vst v31;
	v11 =	vadd.f32 v44, v11;
	v31 =	vsub.f32 v60, v26;
	v26 =	vld [tilespmem:$0x1FF20]  }
0x212: {  	v16 =	vsub.s32 $0x5F3759DF, v16;
	v14 =	vadd.f32 v17, v14  }
0x213: {  	v15 =	vsub.f32 $1.500000000e+00, v15;
	v22 =	vmul.f32 v16, v52;
	[tilespmem:s17+$0xC1B0] =	vst v19;
	v19 =	vld [tilespmem:$0x1FFC0];
	v44 =	vperm.xlane v11, v41  }
0x214: {  	v10 =	vadd.f32 v10, v14;
	v60 =	vmov v46  }
0x215: {  	v22 =	vmul.f32 v16, v22;
	v11 =	vadd.f32 v44, v11;
	v61 =	vmul.f32 v15, v13  }
0x216: {  	v44 =	vperm.xlane v10, v41;
	v37 =	vmovc v32;
	v15 =	vmul.f32 v40, v6;
	[tilespmem:$0x1FE30] =	vst v60;
	v0 =	vmov v26  }
0x217: {  	v39 =	vperm.xlane v12, v41;
	v32 =	vmovc v7;
	v7 =	vmul.f32 v61, v58;
	v58 =	vld [tilespmem:$0x1FF00];
	v60 =	vmov v20;
	[tilespmem:$0x1FE80] =	vst v0  }
0x218: {  	v0 =	vperm.xlane v11, v19;
	[tilespmem:$0x1FF00] =	vst v60;
	v60 =	vmul.f32 v15, v49;
	v49 =	vld [tilespmem:$0x1FE60]  }
0x219: {  	v22 =	vsub.f32 $1.500000000e+00, v22;
	v10 =	vadd.f32 v44, v10  }
0x21a: {  	v12 =	vadd.f32 v39, v12;
	v0 =	vadd.f32 v0, v11  }
0x21b: {  	v14 =	vmul.f32 v16, v22;
	v22 =	vand.u32 $0x7FFFFFFF, v23;
	[tilespmem:$0x1FDE0] =	vst v37;
	v11 =	vperm.xlane v10, v19  }
0x21c: {  	[tilespmem:$0x1FF20] =	vst v32;
	v6 =	vperm.xlane v12, v19;
	v37 =	vand.u32 $0x7FFFFFFF, v31;
	v26 =	vld [tilespmem:$0x1FF10];
	v32 =	vperm.xlane v0, v27  }
0x21d: {  	v51 =	vmovc v18;
	v10 =	vadd.f32 v11, v10;
	v11 =	vadd.f32 v37, v22;
	v18 =	vmul.f32 v50, v49;
	v50 =	vld [tilespmem:$0x1FEB0]  }
0x21e: {  	[tilespmem:$0x1FEA0] =	vst v54;
	v54 =	vand.u32 $0x7FFFFFFF, v24;
	v6 =	vadd.f32 v6, v12  }
0x21f: {  	v12 =	vmul.f32 v1, v56;
	v0 =	vadd.f32 v32, v0;
	v1 =	vadd.f32 v11, v54  }
0x220: {  	v39 =	vmov v35;
	v35 =	vmov v25;
	v25 =	vand.u32 $0x7FFFFFFF, v5  }
0x221: {  	v40 =	vmovc v26;
	v11 =	vperm.xlane v6, v27;
	v26 =	vperm.xlane v0, v28;
	v1 =	vadd.f32 v1, v25  }
0x222: {  	v44 =	vmov v58;
	v54 =	vmov v50  }
0x223: {  	v11 =	vadd.f32 v11, v6;
	v6 =	vmovc v2;
	v0 =	vadd.f32 v26, v0;
	v2 =	vperm.xlane v1, v41  }
0x224: {  	v16 =	vmul.f32 v60, v15;
	v13 =	vperm.xlane v10, v27;
	v60 =	vadd.f32 v18, v43;
	[tilespmem:$0x1FE60] =	vst v54  }
0x225: {  	v0 =	vmax.f32 v0, $1.000000020e-24;
	v2 =	vadd.f32 v1, v2;
	v54 =	vmovc v45;
	v45 =	vmovc v9;
	v9 =	vperm.xlane v11, v28  }
0x226: {  	v56 =	vld [tilespmem:$0x1FF50];
	v58 =	vmovc v8;
	v43 =	vmovc v4;
	v4 =	vadd.f32 v13, v10;
	[tilespmem:$0x1FF50] =	vst v6;
	v6 =	vsub.s32 $0x5F3759DF, v57;
	v1 =	vshrl.u32 v0, $0x1  }
0x227: {  	[tilespmem:$0x1FF10] =	vst v58;
	v10 =	vld [tilespmem:$0x1FEF0];
	v58 =	vmul.f32 $5.000000000e-01, v0;
	v57 =	vperm.xlane v2, v19;
	v0 =	vadd.f32 v9, v11  }
0x228: {  	v16 =	vsub.f32 $1.500000000e+00, v16;
	v49 =	vmul.f32 $5.000000000e-01, v55  }
0x229: {  	p0 =	sne.s32 s0, $0xFE00;
	v55 =	vmax.f32 v0, $1.000000020e-24;
	v0 =	vmul.f32 v63, v53;
	v63 =	vadd.f32 v2, v57;
	v2 =	vld [tilespmem:$0x1FED0]  }
.Ltmp1:
0x22a: {  	v46 =	vmovc v42;
	v7 =	vmul.f32 v7, v61;
	v42 =	vmov v21;
	v50 =	vmul.f32 v16, v15;
	(pc) =	sbr.rel @p0 .LBB2_5-.Ltmp1, $4  }
0x22b: {  	v8 =	vmul.f32 v14, v52;
	v17 =	vmovc v56;
	v56 =	vmovc v14;
	v37 =	vmov v5;
	v1 =	vsub.s32 $0x5F3759DF, v1  }
0x22c: {  	v5 =	vmovc v47;
	[tilespmem:$0x1FEB0] =	vst v17;
	v47 =	vmul.f32 v50, v10;
	v10 =	vmov v34;
	v11 =	vmul.f32 v1, v58  }
0x22d: {  	s0 =	sadd.s32 $0x200, s0;
	s17 =	smov.u32 s18;
	s18 =	smov.u32 s19;
	v32 =	vmovc v23;
	v41 =	vmovc v24;
	v34 =	vmov v62;
	[tilespmem:$0x1FEF0] =	vst v10;
	v53 =	vmov v12;
	v9 =	vmov v38  }
0x22e: {  	s19 =	smov.u32 s20;
	s20 =	smov.u32 s21;
	s21 =	smov.u32 s1;
	v62 =	vmul.f32 v1, v11;
	v38 =	vmovc v3;
	v57 =	vshrl.u32 v55, $0x1;
	[tilespmem:$0x1FED0] =	vst v9;
	v2 =	vmul.f32 v50, v2  }
0x22f: {  	v5 =	vadd.f32 v5, v46;
	v46 =	vadd.f32 v59, v54;
	v54 =	vld [tilespmem:$0x1FE10]  }
0x230: {  	v13 =	vld [tilespmem:$0x1FE00]  }
0x231: {  	v7 =	vsub.f32 $1.500000000e+00, v7;
	v10 =	vmul.f32 v6, v49;
	v8 =	vmul.f32 v8, v56;
	v23 =	vld [tilespmem:$0x1FE90]  }
0x232: {  	v11 =	vmul.f32 v53, v36;
	v24 =	vld [tilespmem:$0x1FDE0];
	v3 =	vsub.f32 $1.500000000e+00, v62  }
0x233: {  	v62 =	vld [tilespmem:$0x1FFF0];
	v7 =	vmul.f32 v7, v61;
	v27 =	vmul.f32 v6, v10;
	v8 =	vsub.f32 $1.500000000e+00, v8  }
0x234: {  	v11 =	vmul.f32 v11, v53;
	v1 =	vmul.f32 v1, v3  }
0x235: {  	v59 =	vld [tilespmem:$0x1FDF0];
	v14 =	vmul.f32 v7, v44;
	v8 =	vmul.f32 v8, v56  }
0x236: {  	v12 =	vsub.f32 $1.500000000e+00, v27;
	v10 =	vmul.f32 v0, v54;
	v13 =	vmul.f32 v0, v13  }
0x237: {  	v44 =	vsub.f32 $1.500000000e+00, v11;
	v16 =	vmul.f32 v7, v23;
	v17 =	vmul.f32 v1, v58  }
0x238: {  	v21 =	vsub.s32 $0x5F3759DF, v57;
	v25 =	vmul.f32 v0, v24;
	v9 =	vperm.xlane v4, v62  }
0x239: {  	v56 =	vadd.f32 v2, v48;
	v23 =	vld [tilespmem:$0x1FE40];
	v61 =	vmul.f32 v6, v12;
	v6 =	vmul.f32 v44, v53  }
0x23a: {  	v3 =	vsub.f32 v5, v10;
	v5 =	vmul.f32 v0, v59;
	v0 =	vsub.f32 v60, v25  }
0x23b: {  	v17 =	vmul.f32 v17, v1;
	v4 =	vadd.f32 v9, v4;
	v27 =	vmul.f32 v61, v49  }
0x23c: {  	v10 =	vmul.f32 v7, v30;
	v9 =	vmul.f32 v7, v40;
	v19 =	vand.u32 $0x7FFFFFFF, v0  }
0x23d: {  	v25 =	vld [tilespmem:$0x1FE30];
	v17 =	vsub.f32 $1.500000000e+00, v17;
	v4 =	vmax.f32 v4, $1.000000020e-24;
	v7 =	vmul.f32 v27, v61  }
0x23e: {  	v23 =	vmul.f32 v6, v23;
	v22 =	vshrl.u32 v4, $0x1;
	v15 =	vmul.f32 $5.000000000e-01, v4  }
0x23f: {  	v4 =	vsub.f32 v46, v5;
	v5 =	vsub.f32 v51, v13;
	v13 =	vmul.f32 $5.000000000e-01, v55  }
0x240: {  	v54 =	vld [tilespmem:$0x1FE60];
	v17 =	vmul.f32 v17, v1;
	v12 =	vsub.s32 $0x5F3759DF, v22;
	v7 =	vsub.f32 $1.500000000e+00, v7  }
0x241: {  	v26 =	vmul.f32 v12, v15;
	v20 =	vand.u32 $0x7FFFFFFF, v4;
	v36 =	vmul.f32 v21, v13  }
0x242: {  	v25 =	vmul.f32 v6, v25;
	v19 =	vadd.f32 v19, v20;
	v7 =	vmul.f32 v7, v61  }
0x243: {  	v51 =	vld [tilespmem:$0x1FE50];
	v40 =	vand.u32 $0x7FFFFFFF, v5;
	v18 =	vmul.f32 v12, v26;
	v20 =	vmul.f32 v21, v36  }
0x244: {  	v57 =	vmul.f32 v17, v58;
	v1 =	vadd.f32 v19, v40;
	v58 =	vmul.f32 v7, v49  }
0x245: {  	v60 =	vld [tilespmem:$0x1FFE0];
	v19 =	vmul.f32 v50, v54;
	v18 =	vsub.f32 $1.500000000e+00, v18;
	v46 =	vsub.f32 $1.500000000e+00, v20  }
0x246: {  	v55 =	vand.u32 $0x7FFFFFFF, v3;
	v61 =	vmul.f32 v57, v17;
	v30 =	vmul.f32 v58, v7  }
0x247: {  	v19 =	vadd.f32 v19, v43;
	v12 =	vmul.f32 v12, v18;
	v11 =	vmul.f32 v21, v46  }
0x248: {  	v44 =	vld [tilespmem:$0x1FE20];
	v1 =	vadd.f32 v1, v55;
	v18 =	vmul.f32 v50, v51;
	v51 =	vmul.f32 v8, v52  }
0x249: {  	v43 =	vld [tilespmem:$0x1FE70];
	v2 =	vsub.f32 v19, v25;
	v36 =	vsub.f32 $1.500000000e+00, v30;
	v24 =	vmul.f32 v11, v13  }
0x24a: {  	v22 =	vperm.xlane v1, v60;
	v19 =	vsub.f32 $1.500000000e+00, v61;
	v18 =	vadd.f32 v18, v45  }
0x24b: {  	v28 =	vld [tilespmem:$0x1FEB0];
	v26 =	vmul.f32 v12, v15;
	v45 =	vadd.f32 v47, v42;
	v59 =	vmul.f32 v24, v11  }
0x24c: {  	v22 =	vadd.f32 v1, v22;
	v48 =	vmul.f32 v36, v7;
	v17 =	vmul.f32 v19, v17  }
0x24d: {  	v55 =	vld [tilespmem:$0x1FEF0];
	v19 =	vmul.f32 v51, v8;
	v1 =	vsub.f32 v18, v23;
	v18 =	vsub.f32 $1.500000000e+00, v59  }
0x24e: {  	v46 =	vand.u32 $0x7FFFFFFF, v2;
	v24 =	vmul.f32 v6, v43;
	v6 =	vmul.f32 v6, v44  }
0x24f: {  	v40 =	vmul.f32 v26, v12;
	v19 =	vsub.f32 $1.500000000e+00, v19;
	v11 =	vmul.f32 v18, v11  }
0x250: {  	v57 =	vmul.f32 v48, v39;
	v20 =	vmul.f32 v48, v28;
	v6 =	vsub.f32 v56, v6;
	v56 =	vld [tilespmem:$0x1FED0]  }
0x251: {  	v36 =	vld [tilespmem:$0x1FFD0];
	v30 =	vand.u32 $0x7FFFFFFF, v1;
	v49 =	vsub.f32 $1.500000000e+00, v40;
	v13 =	vmul.f32 v11, v13  }
0x252: {  	v27 =	vld [tilespmem:$0x1FEA0];
	v7 =	vsub.f32 v45, v24;
	v24 =	vmul.f32 v48, v55;
	v59 =	vmul.f32 v17, v33  }
0x253: {  	v42 =	vld [tilespmem:$0x1FF10];
	v47 =	vadd.f32 v46, v30;
	v8 =	vmul.f32 v19, v8;
	v13 =	vmul.f32 v13, v11  }
0x254: {  	v40 =	vld [tilespmem:$0x1FF00];
	v14 =	vadd.f32 v20, v14;
	v9 =	vadd.f32 v57, v9;
	v50 =	vand.u32 $0x7FFFFFFF, v6  }
0x255: {  	v30 =	vld [tilespmem:$0x1FFC0];
	v12 =	vmul.f32 v49, v12;
	v25 =	vmul.f32 v48, v56;
	v13 =	vsub.f32 $1.500000000e+00, v13  }
0x256: {  	v39 =	vld [tilespmem:$0x1FF30];
	v52 =	vand.u32 $0x7FFFFFFF, v7;
	v53 =	vperm.xlane v63, v36;
	v18 =	vadd.f32 v47, v50  }
0x257: {  	v15 =	vmul.f32 v12, v15;
	v16 =	vadd.f32 v25, v16;
	v25 =	vld [tilespmem:$0x1FEE0];
	v11 =	vmul.f32 v13, v11  }
0x258: {  	v33 =	vld [tilespmem:$0x1FEC0];
	v10 =	vadd.f32 v24, v10;
	v21 =	vmul.f32 v8, v27;
	v23 =	vadd.f32 v63, v53  }
0x259: {  	v18 =	vadd.f32 v18, v52;
	v15 =	vmul.f32 v15, v12;
	v61 =	vmul.f32 v11, v38;
	v38 =	vld [tilespmem:$0x1FE80]  }
0x25a: {  	v46 =	vld [tilespmem:$0x1FF50];
	v24 =	vmul.f32 v17, v40;
	v9 =	vsub.f32 v9, v21;
	v54 =	vperm.xlane v22, v30  }
0x25b: {  	v51 =	vperm.xlane v23, v62;
	v58 =	vperm.xlane v18, v60;
	v15 =	vsub.f32 $1.500000000e+00, v15  }
0x25c: {  	v50 =	vld [tilespmem:$0x1FF20];
	v13 =	vadd.f32 v22, v54;
	v22 =	vmul.f32 v17, v39;
	v20 =	vmul.f32 v8, v25  }
0x25d: {  	v47 =	vld [tilespmem:$0x1FF40];
	v45 =	vand.u32 $0x7FFFFFFF, v9;
	v17 =	vmul.f32 v17, v42;
	v12 =	vmul.f32 v15, v12  }
0x25e: {  	v52 =	vld [tilespmem:$0x1FF60];
	v10 =	vsub.f32 v10, v20;
	v20 =	vmul.f32 v8, v33;
	v8 =	vmul.f32 v8, v38  }
0x25f: {  	v18 =	vadd.f32 v18, v58;
	v43 =	vmul.f32 v11, v35;
	v21 =	vmul.f32 v11, v46  }
0x260: {  	v11 =	vmul.f32 v11, v34;
	v63 =	vadd.f32 v61, v59;
	v8 =	vsub.f32 v14, v8  }
0x261: {  	v48 =	vadd.f32 v21, v24;
	v24 =	vmul.f32 v12, v50;
	v16 =	vsub.f32 v16, v20  }
0x262: {  	v14 =	vadd.f32 v43, v17;
	v17 =	vmul.f32 v12, v47;
	v44 =	vand.u32 $0x7FFFFFFF, v8  }
0x263: {  	v21 =	vmul.f32 v12, v52;
	v11 =	vadd.f32 v11, v22;
	v15 =	vadd.f32 v44, v45  }
0x264: {  	v49 =	vand.u32 $0x7FFFFFFF, v16;
	v14 =	vsub.f32 v14, v17;
	v17 =	vsub.f32 v48, v24  }
0x265: {  	v53 =	vand.u32 $0x7FFFFFFF, v10;
	v19 =	vsub.f32 v63, v21;
	v15 =	vadd.f32 v15, v49  }
0x266: {  	v12 =	vmul.f32 v12, v29;
	v54 =	vand.u32 $0x7FFFFFFF, v17;
	v55 =	vand.u32 $0x7FFFFFFF, v14  }
0x267: {  	v57 =	vperm.xlane v18, v30;
	v21 =	vadd.f32 v54, v55;
	v15 =	vadd.f32 v15, v53  }
0x268: {  	v56 =	vperm.xlane v13, v36;
	v58 =	vand.u32 $0x7FFFFFFF, v19;
	v11 =	vsub.f32 v11, v12  }
0x269: {  	v18 =	vadd.f32 v18, v57;
	v12 =	vadd.f32 v21, v58;
	v59 =	vperm.xlane v15, v60  }
0x26a: {  	v13 =	vadd.f32 v13, v56;
	v20 =	vadd.f32 v23, v51;
	v61 =	vand.u32 $0x7FFFFFFF, v11  }
0x26b: {  	v12 =	vadd.f32 v12, v61;
	v15 =	vadd.f32 v15, v59  }
0x26c: {  	v22 =	vperm.xlane v18, v36;
	v63 =	vperm.xlane v13, v62  }
0x26d: {  	v20 =	vmax.f32 v20, $9.999999960e-13;
	v33 =	vperm.xlane v12, v60;
	v23 =	vperm.xlane v15, v30  }
0x26e: {  	v18 =	vadd.f32 v18, v22;
	v13 =	vadd.f32 v13, v63;
	(erf) = vrcp.f32 v20  }
0x26f: {  	v12 =	vadd.f32 v12, v33;
	v15 =	vadd.f32 v15, v23  }
0x270: {  	v34 =	vperm.xlane v18, v62  }
0x271: {  	v13 =	vmax.f32 v13, $9.999999960e-13;
	v38 =	vperm.xlane v12, v30;
	v35 =	vperm.xlane v15, v36  }
0x272: {  	(erf) = vrcp.f32 v13;
	v39 =	vadd.f32 v18, v34  }
0x273: {  	v12 =	vadd.f32 v12, v38;
	v15 =	vadd.f32 v15, v35;
	_ =	sdelay $0x1  }
0x274: {  	v13 =	vmax.f32 v39, $9.999999960e-13;
	v42 =	vperm.xlane v12, v36;
	v40 =	vperm.xlane v15, v62  }
0x275: {  	(erf) = vrcp.f32 v13  }
0x276: {  	v44 =	vpop (erf);
	v12 =	vadd.f32 v12, v42;
	v43 =	vadd.f32 v15, v40  }
0x277: {  	v45 =	vmul.f32 v44, v37  }
0x278: {  	v46 =	vmul.f32 v44, v41;
	v47 =	vperm.xlane v12, v62;
	v13 =	vmax.f32 v43, $9.999999960e-13  }
0x279: {  	v48 =	vmul.f32 v44, v32;
	[tilespmem:s17+$0xC1B0] =	vst v45;
	(erf) = vrcp.f32 v13  }
0x27a: {  	v49 =	vpop (erf);
	[tilespmem:s17+$0xC1A0] =	vst v46;
	v15 =	vmul.f32 v44, v31;
	v12 =	vadd.f32 v12, v47  }
0x27b: {  	[tilespmem:s17+$0xC180] =	vst v48;
	v3 =	vmul.f32 v49, v3  }
0x27c: {  	v5 =	vmul.f32 v49, v5;
	[tilespmem:s17+$0xC190] =	vst v15;
	v12 =	vmax.f32 v12, $9.999999960e-13  }
0x27d: {  	v50 =	vmul.f32 v49, v4;
	[tilespmem:s18+$0xC1B0] =	vst v3;
	(erf) = vrcp.f32 v12  }
0x27e: {  	v0 =	vmul.f32 v49, v0;
	v51 =	vpop (erf);
	[tilespmem:s18+$0xC1A0] =	vst v5  }
0x27f: {  	v52 =	vmul.f32 v51, v7;
	[tilespmem:s18+$0xC180] =	vst v50  }
0x280: {  	v53 =	vmul.f32 v51, v6;
	[tilespmem:s18+$0xC190] =	vst v0  }
0x281: {  	v1 =	vmul.f32 v51, v1;
	[tilespmem:s19+$0xC1B0] =	vst v52  }
0x282: {  	v2 =	vmul.f32 v51, v2;
	[tilespmem:s19+$0xC1A0] =	vst v53;
	v54 =	vpop (erf)  }
0x283: {  	[tilespmem:s19+$0xC180] =	vst v1;
	v55 =	vmul.f32 v54, v10  }
0x284: {  	[tilespmem:s19+$0xC190] =	vst v2;
	v56 =	vmul.f32 v54, v16  }
0x285: {  	v57 =	vmul.f32 v54, v9;
	[tilespmem:s20+$0xC1B0] =	vst v55  }
0x286: {  	v0 =	vmul.f32 v54, v8;
	v58 =	vpop (erf);
	[tilespmem:s20+$0xC1A0] =	vst v56  }
0x287: {  	[tilespmem:s20+$0xC180] =	vst v57;
	v59 =	vmul.f32 v58, v11  }
0x288: {  	s0 =	sld [smem:$0x7F9];
	[tilespmem:s20+$0xC190] =	vst v0;
	v61 =	vmul.f32 v58, v19  }
0x289: {  	s1 =	sld [smem:$0x7FB];
	v63 =	vmul.f32 v58, v14;
	[tilespmem:s21+$0xC1B0] =	vst v59  }
0x28a: {  	v2 =	vmul.f32 v58, v17;
	[tilespmem:s21+$0xC1A0] =	vst v61  }
0x28b: {  	s0 =	sshll.u32 s0, $0x4;
	[tilespmem:s21+$0xC180] =	vst v63  }
0x28c: {  	s30 =	simm.s32 $0xC180;
	s4 =	simm.s32 $0x2;
	s0 =	sadd.s32 s1, s0;
	[tilespmem:s21+$0xC190] =	vst v2  }
0x28d: {  	[hbm4b:s0+s5] =	stream.linear.scatter [tilespmem:s30], [sflag:$0x2], $0x4000, $0x38;
	[tilespmem:$0x10180] =	vst v63  }
0x28e: {  	_ =	swait.ge [sflag:s4], $0x4000  }
0x28f: {  	s31 =	sld [smem:$0x7F8];
	_ =	sdelay $0x2  }
0x290: {  	s0 =	sadd.s32 $0x1, s31  }
0x291: {  	p0 =	sne.s32 s0, $0x4  }
.Ltmp2:
0x292: {  	_ = 	snop;
	(pc) =	sbr.rel @p0 .LBB2_2-.Ltmp2, $3  }
0x293: {  	_ =	sdelay $0x1  }
0x294: {  	[sflag:s4] =	ssyncset.done $0x0  }
0x295: {  	v47 =	vmov v62;
	[sflag:s4] =	ssyncadd.s32 $0xFFFFC000  }
0x296: {  	s1 =	sld [smem:$0x7FA]  }
0x297: {  	s0 =	sld [smem:$0x7FD];
	_ =	sdelay $0x1  }
0x298: {  	s1 =	sadd.s32 $0x1, s1  }
0x299: {  	p0 =	sne.s32 s1, s0  }
.Ltmp3:
0x29a: {  	_ = 	snop;
	(pc) =	sbr.rel @p0 .LBB2_1-.Ltmp3, $1  }
0x29b: {  	_ =	sdelay $0x3  }
0x29c: {  	_ =	sfence.sel $0x180000  }
0x29d: {  	[bflag:$0x0] =	sbarrier.arrive $0xFFFF  }
0x29e: {  	_ =	strace $0x90000047  }
0x29f: {  	s0 =	stileid.u32;
	[bflag:$0x2] =	sbarrier.arrive $0xFFFF  }
0x2a0: {  	p0 =	sne.s32 s0, $0x0;
	s0 =	rddreg [dreg:$0x5]  }
0x2a1: {  	s0 =	sadd.s32 @!p0 $0x100000, s0  }
0x2a2: {  	[sflag:s0] =	ssyncadd.tile.s32 @!p0 $0x1;
	_ =	shalt  }
.Lfunc_end2:
_tile_overlayer_lowered:
.L_overlay_start_2:
0x2a3: {  	(tag) =	ssettag $0x2  }
0x2a4: {  	s0 =	rddreg [dreg:$0x0];
	s2 =	stileid.u32  }
0x2a5: {  	s1 =	rddreg [dreg:$0x1];
	p0 =	sne.s32 s2, $0x0  }
0x2a6: {  	s3 =	rddreg [dreg:$0x2];
	[bflag:$0x3] =	sbarrier.arrive $0xFFFF;
	s2 =	simm.s32 @!p0 $0x1C02  }
0x2a7: {  	[timem:s3], [sflag:s2] =	dma.local @!p0 [hbm:s0], s1  }
0x2a8: {  	s0 =	simm.s32 @!p0 $0x2  }
0x2a9: {  	_ =	swait.ge @!p0 [sflag:s0], s1  }
0x2aa: {  	s1 =	ssub.s32 @!p0 $0x0, s1;
	[sflag:s0] =	ssyncset.done @!p0 $0x0  }
0x2ab: {  	[sflag:s0] =	ssyncadd.s32 @!p0 s1  }
0x2ac: {  	[bflag:$0x3] =	sbarrier.arrive $0xFFFF  }
0x2ad: {  	_ =	shalt  }

</sc_bundles>
